<compile_context>
chip_gen: v7x
topology: tpu7x:2x2x1
jax: 0.10.2.dev20260603
libtpu: 0.0.44.dev20260713+nightly
codegen_flags: <defaults>
</compile_context>

<pallas_src>
import functools
import math

import jax
import jax.numpy as jnp
from jax import lax
from jax.experimental import pallas as pl
from jax.experimental.pallas import tpu as pltpu
from jax.experimental.pallas import tpu_sc as plsc

D_MODEL = 2048
B, S = 4, 2048
NTOK = B * S
SCALE = math.sqrt(D_MODEL)

NC, NS, L = 2, 16, 16
NW = NC * NS
TPW = NTOK // NW
K = 8
CHUNKS = TPW // K


def _twin_emb_body(ut, up, us, vt, vp, vs, t1, p1, s1, t2, p2, s2,
                   out_u, out_v, itok, ipos, iseg,
                   a0, b0, a1, b1, ob0, ob1, seg1v, seg2v, sg0, sg1, st0, st1):
    wid = lax.axis_index("s") * NC + lax.axis_index("c")
    base = wid * TPW
    crow = wid * CHUNKS
    gsets = ((a0, b0, sg0), (a1, b1, sg1))
    obufs = (ob0, ob1)
    ssts = (st0, st1)

    pltpu.sync_copy(s1, seg1v)
    pltpu.sync_copy(s2, seg2v)

    def fire(tabs, c, s):
        a, b, sem = gsets[s]
        pltpu.async_copy(tabs[0].at[itok.at[c]], a, sem)
        pltpu.async_copy(tabs[1].at[ipos.at[c]], b, sem)

    def drain_g(tabs, c, s):
        a, b, sem = gsets[s]
        pltpu.make_async_copy(tabs[0].at[itok.at[c]], a, sem).wait()
        pltpu.make_async_copy(tabs[1].at[ipos.at[c]], b, sem).wait()

    def fire_store(out, c, s):
        row0 = pl.multiple_of(base + c * K, K)
        pltpu.async_copy(obufs[s], out.at[pl.ds(row0, K)], ssts[s])

    def drain_store(out, s):
        pltpu.make_async_copy(obufs[s], out.at[pl.ds(0, K)], ssts[s]).wait()

    def compute(s, segtab, segv):
        a, b, _ = gsets[s]
        obuf = obufs[s]
        frs = [segv[s * K + r].astype(jnp.float32) for r in range(K)]

        @plsc.parallel_loop(0, D_MODEL, step=L, unroll=2)
        def col(i):
            sl = pl.ds(pl.multiple_of(i, L), L)
            c0 = segtab[0, sl]
            d = segtab[1, sl] - c0
            for r in range(K):
                c = c0 + frs[r] * d
                obuf[r, sl] = (a[r, sl] + b[r, sl] + c) * SCALE

    tabs_u, tabs_v = (t1, p1), (t2, p2)
    towers = (
        (tabs_u, seg1v, out_u),
        (tabs_v, seg2v, out_v),
    )

    pltpu.sync_copy(ut.at[pl.ds(crow, CHUNKS)], itok.at[pl.ds(0, CHUNKS)])
    pltpu.sync_copy(up.at[pl.ds(crow, CHUNKS)], ipos.at[pl.ds(0, CHUNKS)])
    fire(tabs_u, 0, 0)
    fire(tabs_u, 1, 1)
    pltpu.sync_copy(vt.at[pl.ds(crow, CHUNKS)], itok.at[pl.ds(CHUNKS, CHUNKS)])
    pltpu.sync_copy(vp.at[pl.ds(crow, CHUNKS)], ipos.at[pl.ds(CHUNKS, CHUNKS)])
    pltpu.sync_copy(us.at[wid], iseg.at[pl.ds(0, TPW)])
    pltpu.sync_copy(vs.at[wid], iseg.at[pl.ds(TPW, TPW)])

    for t, (tabs, segtab, out) in enumerate(towers):
        def pair(p, carry, tabs=tabs, segtab=segtab, out=out, t=t):
            segv = iseg[pl.ds(pl.multiple_of(t * TPW + p * 2 * K, 2 * K),
                              2 * K)]
            for s in (0, 1):
                cc = 2 * p + s
                gc = cc + t * CHUNKS
                if t == 0:
                    @pl.when(p > 0)
                    def _(s=s):
                        drain_store(out, s)
                else:
                    drain_store(out, s)
                drain_g(tabs, gc, s)
                compute(s, segtab, segv)
                fire_store(out, cc, s)

                @pl.when(cc + 2 < CHUNKS)
                def _(gc=gc, s=s):
                    fire(tabs, gc + 2, s)

                if t == 0:
                    @pl.when(cc + 2 >= CHUNKS)
                    def _(gc=gc, s=s):
                        fire(tabs_v, gc + 2, s)
            return carry

        lax.fori_loop(0, CHUNKS // 2, pair, 0)

    drain_store(out_v, 0)
    drain_store(out_v, 1)


@jax.jit
def _twin_emb(ut, up, us, vt, vp, vs, t1, p1, s1, t2, p2, s2):
    mesh = plsc.VectorSubcoreMesh(core_axis_name="c", subcore_axis_name="s")
    f = functools.partial(
        pl.kernel,
        out_type=(
            jax.ShapeDtypeStruct((NTOK, D_MODEL), jnp.float32),
            jax.ShapeDtypeStruct((NTOK, D_MODEL), jnp.float32),
        ),
        mesh=mesh,
        scratch_types=[
            pltpu.VMEM((2 * CHUNKS, K), jnp.int32),
            pltpu.VMEM((2 * CHUNKS, K), jnp.int32),
            pltpu.VMEM((2 * TPW,), jnp.int32),
            pltpu.VMEM((K, D_MODEL), jnp.float32),
            pltpu.VMEM((K, D_MODEL), jnp.float32),
            pltpu.VMEM((K, D_MODEL), jnp.float32),
            pltpu.VMEM((K, D_MODEL), jnp.float32),
            pltpu.VMEM((K, D_MODEL), jnp.float32),
            pltpu.VMEM((K, D_MODEL), jnp.float32),
            pltpu.VMEM((2, D_MODEL), jnp.float32),
            pltpu.VMEM((2, D_MODEL), jnp.float32),
            pltpu.SemaphoreType.DMA,
            pltpu.SemaphoreType.DMA,
            pltpu.SemaphoreType.DMA,
            pltpu.SemaphoreType.DMA,
        ],
    )(_twin_emb_body)
    return f(ut, up, us, vt, vp, vs, t1, p1, s1, t2, p2, s2)


def kernel(u_tok, u_pos, u_seg, v_tok, v_pos, v_seg,
           tok1, pos1, seg1, tok2, pos2, seg2):
    def prep(ix):
        return ix.reshape(NTOK // K, K).astype(jnp.int32)

    def prep_seg(ix):
        return ix.reshape(NW, TPW).astype(jnp.int32)

    out_u, out_v = _twin_emb(
        prep(u_tok), prep(u_pos), prep_seg(u_seg),
        prep(v_tok), prep(v_pos), prep_seg(v_seg),
        tok1, pos1, seg1, tok2, pos2, seg2)
    return (out_u.reshape(B, S, D_MODEL), out_v.reshape(B, S, D_MODEL))

# --- scband reference (transcript-rebuilt; emitter-appended) ---
"""Pipeline reference for scband-twin-emb-86801289052459 (READ-ONLY COPY).

The authoritative reference and input builder live on the scoring server;
editing this copy changes nothing except your own understanding.
"""

import jax, jax.numpy as jnp
import numpy as np
import math

D_MODEL = 2048
N_TOK = 100000
N_POS1 = 2048
N_POS2 = 4096
N_SEG = 2
B, S = 4, 2048


def setup_inputs(seed: int = 0) -> dict:
    key = jax.random.key(seed)
    ks = jax.random.split(key, 12)
    u_tok = jax.random.randint(ks[0], (B, S), 0, N_TOK, dtype=jnp.int64 if jax.config.jax_enable_x64 else jnp.int32)
    u_pos = jax.random.randint(ks[1], (B, S), 0, N_POS1, dtype=u_tok.dtype)
    u_seg = jax.random.randint(ks[2], (B, S), 0, N_SEG, dtype=u_tok.dtype)
    v_tok = jax.random.randint(ks[3], (B, S), 0, N_TOK, dtype=u_tok.dtype)
    v_pos = jax.random.randint(ks[4], (B, S), 0, N_POS2, dtype=u_tok.dtype)
    v_seg = jax.random.randint(ks[5], (B, S), 0, N_SEG, dtype=u_tok.dtype)
    initrange = 0.1
    tok1 = jax.random.uniform(ks[6], (N_TOK, D_MODEL), jnp.float32, -initrange, initrange)
    pos1 = jax.random.uniform(ks[7], (N_POS1, D_MODEL), jnp.float32, -initrange, initrange)
    seg1 = jax.random.uniform(ks[8], (N_SEG, D_MODEL), jnp.float32, -initrange, initrange)
    tok2 = jax.random.uniform(ks[9], (N_TOK, D_MODEL), jnp.float32, -initrange, initrange)
    pos2 = jax.random.uniform(ks[10], (N_POS2, D_MODEL), jnp.float32, -initrange, initrange)
    seg2 = jax.random.uniform(ks[11], (N_SEG, D_MODEL), jnp.float32, -initrange, initrange)
    return {"u_tok": u_tok, "u_pos": u_pos, "u_seg": u_seg,
            "v_tok": v_tok, "v_pos": v_pos, "v_seg": v_seg,
            "tok1": tok1, "pos1": pos1, "seg1": seg1,
            "tok2": tok2, "pos2": pos2, "seg2": seg2}


def reference(u_tok, u_pos, u_seg, v_tok, v_pos, v_seg,
              tok1, pos1, seg1, tok2, pos2, seg2):
    # TwinEmb = Parallel(EMB_f, EMB_g); dropout p=0.0 (identity / eval mode)
    scale = math.sqrt(D_MODEL)
    out_u = (jnp.take(tok1, u_tok, axis=0)
             + jnp.take(pos1, u_pos, axis=0)
             + jnp.take(seg1, u_seg, axis=0)) * scale
    out_v = (jnp.take(tok2, v_tok, axis=0)
             + jnp.take(pos2, v_pos, axis=0)
             + jnp.take(seg2, v_seg, axis=0)) * scale
    return (out_u, out_v)

if __name__ == "__main__":
    import jax
    _d = setup_inputs()
    print(jax.jit(kernel)(*tuple(_d.values())))

</pallas_src>

<mosaic_0001>
#map = affine_map<(d0, d1) -> (0, 0)>
module attributes {stable_mosaic.version = 14 : i64} {
  func.func @_twin_emb_body(%arg0: i32, %arg1: i32, %arg2: memref<1024x8xi32, #tpu.memory_space<hbm>>, %arg3: memref<1024x8xi32, #tpu.memory_space<hbm>>, %arg4: memref<32x256xi32, #tpu.memory_space<hbm>>, %arg5: memref<1024x8xi32, #tpu.memory_space<hbm>>, %arg6: memref<1024x8xi32, #tpu.memory_space<hbm>>, %arg7: memref<32x256xi32, #tpu.memory_space<hbm>>, %arg8: memref<100000x2048xf32, #tpu.memory_space<hbm>>, %arg9: memref<2048x2048xf32, #tpu.memory_space<hbm>>, %arg10: memref<2x2048xf32, #tpu.memory_space<hbm>>, %arg11: memref<100000x2048xf32, #tpu.memory_space<hbm>>, %arg12: memref<4096x2048xf32, #tpu.memory_space<hbm>>, %arg13: memref<2x2048xf32, #tpu.memory_space<hbm>>, %arg14: memref<8192x2048xf32, #tpu.memory_space<hbm>>, %arg15: memref<8192x2048xf32, #tpu.memory_space<hbm>>, %arg16: memref<64x8xi32, #tpu.memory_space<vmem>>, %arg17: memref<64x8xi32, #tpu.memory_space<vmem>>, %arg18: memref<512xi32, #tpu.memory_space<vmem>>, %arg19: memref<8x2048xf32, #tpu.memory_space<vmem>>, %arg20: memref<8x2048xf32, #tpu.memory_space<vmem>>, %arg21: memref<8x2048xf32, #tpu.memory_space<vmem>>, %arg22: memref<8x2048xf32, #tpu.memory_space<vmem>>, %arg23: memref<8x2048xf32, #tpu.memory_space<vmem>>, %arg24: memref<8x2048xf32, #tpu.memory_space<vmem>>, %arg25: memref<2x2048xf32, #tpu.memory_space<vmem>>, %arg26: memref<2x2048xf32, #tpu.memory_space<vmem>>, %arg27: memref<!tpu.dma_semaphore, #tpu.memory_space<semaphore_mem>>, %arg28: memref<!tpu.dma_semaphore, #tpu.memory_space<semaphore_mem>>, %arg29: memref<!tpu.dma_semaphore, #tpu.memory_space<semaphore_mem>>, %arg30: memref<!tpu.dma_semaphore, #tpu.memory_space<semaphore_mem>>) attributes {dimension_semantics = [#tpu.dimension_semantics<core_parallel>, #tpu.dimension_semantics<subcore_parallel>], iteration_bounds = array<i64: 2, 16>, scalar_prefetch = 0 : i64, scratch_operands = 15 : i64, tpu.core_type = #tpu.core_type<sc_vector_subcore>, window_params = [{transform_indices = #map}, {transform_indices = #map}, {transform_indices = #map}, {transform_indices = #map}, {transform_indices = #map}, {transform_indices = #map}, {transform_indices = #map}, {transform_indices = #map}, {transform_indices = #map}, {transform_indices = #map}, {transform_indices = #map}, {transform_indices = #map}, {transform_indices = #map}, {transform_indices = #map}]} {
    %mul3A = arith.constant 2 : i32
    %mul3A_0 = arith.muli %arg1, %mul3A : i32
    %add3A = arith.addi %mul3A_0, %arg0 : i32
    %mul3A_1 = arith.constant 256 : i32
    %mul3A_2 = arith.muli %add3A, %mul3A_1 : i32
    %mul3A_3 = arith.constant 32 : i32
    %mul3A_4 = arith.muli %add3A, %mul3A_3 : i32
    "tpu.region"() ({
      %run_scoped3A = tpu.sem_alloc : memref<!tpu.dma_semaphore, #tpu.memory_space<semaphore_mem>>
      tpu.enqueue_dma source(%arg10 : memref<2x2048xf32, #tpu.memory_space<hbm>>) target(%arg25 : memref<2x2048xf32, #tpu.memory_space<vmem>>) target_semaphore(%run_scoped3A : memref<!tpu.dma_semaphore, #tpu.memory_space<semaphore_mem>>)
      tpu.wait_dma2 semaphore(%run_scoped3A : memref<!tpu.dma_semaphore, #tpu.memory_space<semaphore_mem>>) src(%arg10 : memref<2x2048xf32, #tpu.memory_space<hbm>>) dst(%arg25 : memref<2x2048xf32, #tpu.memory_space<vmem>>)
      tpu.yield
    }) : () -> ()
    "tpu.region"() ({
      %run_scoped3A = tpu.sem_alloc : memref<!tpu.dma_semaphore, #tpu.memory_space<semaphore_mem>>
      tpu.enqueue_dma source(%arg13 : memref<2x2048xf32, #tpu.memory_space<hbm>>) target(%arg26 : memref<2x2048xf32, #tpu.memory_space<vmem>>) target_semaphore(%run_scoped3A : memref<!tpu.dma_semaphore, #tpu.memory_space<semaphore_mem>>)
      tpu.wait_dma2 semaphore(%run_scoped3A : memref<!tpu.dma_semaphore, #tpu.memory_space<semaphore_mem>>) src(%arg13 : memref<2x2048xf32, #tpu.memory_space<hbm>>) dst(%arg26 : memref<2x2048xf32, #tpu.memory_space<vmem>>)
      tpu.yield
    }) : () -> ()
    "tpu.region"() ({
      %run_scoped3A = tpu.sem_alloc : memref<!tpu.dma_semaphore, #tpu.memory_space<semaphore_mem>>
      %dma_start3A_54 = arith.constant 0 : i32
      %dma_start3A_55 = arith.constant 0 : i32
      %dma_start3A_56 = tpu.memref_slice %arg16[%dma_start3A_54, %dma_start3A_55] : memref<64x8xi32, #tpu.memory_space<vmem>> -> memref<32x8xi32, #tpu.memory_space<vmem>>
      %dma_start3A_57 = arith.constant 0 : i32
      %dma_start3A_58 = tpu.memref_slice %arg2[%mul3A_4, %dma_start3A_57] : memref<1024x8xi32, #tpu.memory_space<hbm>> -> memref<32x8xi32, #tpu.memory_space<hbm>>
      %dma_start3A_59 = arith.constant 0 : i32
      %dma_start3A_60 = arith.constant 0 : i32
      %dma_start3A_61 = tpu.memref_slice %arg16[%dma_start3A_59, %dma_start3A_60] : memref<64x8xi32, #tpu.memory_space<vmem>> -> memref<32x8xi32, #tpu.memory_space<vmem>>
      %dma_start3A_62 = arith.constant 0 : i32
      %dma_start3A_63 = tpu.memref_slice %arg2[%mul3A_4, %dma_start3A_62] : memref<1024x8xi32, #tpu.memory_space<hbm>> -> memref<32x8xi32, #tpu.memory_space<hbm>>
      tpu.enqueue_dma source(%dma_start3A_63 : memref<32x8xi32, #tpu.memory_space<hbm>>) target(%dma_start3A_61 : memref<32x8xi32, #tpu.memory_space<vmem>>) target_semaphore(%run_scoped3A : memref<!tpu.dma_semaphore, #tpu.memory_space<semaphore_mem>>)
      %dma_wait3A_64 = arith.constant 0 : i32
      %dma_wait3A_65 = arith.constant 0 : i32
      %dma_wait3A_66 = tpu.memref_slice %arg16[%dma_wait3A_64, %dma_wait3A_65] : memref<64x8xi32, #tpu.memory_space<vmem>> -> memref<32x8xi32, #tpu.memory_space<vmem>>
      %dma_wait3A_67 = arith.constant 0 : i32
      %dma_wait3A_68 = tpu.memref_slice %arg2[%mul3A_4, %dma_wait3A_67] : memref<1024x8xi32, #tpu.memory_space<hbm>> -> memref<32x8xi32, #tpu.memory_space<hbm>>
      %dma_wait3A_69 = arith.constant 0 : i32
      %dma_wait3A_70 = arith.constant 0 : i32
      %dma_wait3A_71 = tpu.memref_slice %arg16[%dma_wait3A_69, %dma_wait3A_70] : memref<64x8xi32, #tpu.memory_space<vmem>> -> memref<32x8xi32, #tpu.memory_space<vmem>>
      %dma_wait3A_72 = arith.constant 0 : i32
      %dma_wait3A_73 = tpu.memref_slice %arg2[%mul3A_4, %dma_wait3A_72] : memref<1024x8xi32, #tpu.memory_space<hbm>> -> memref<32x8xi32, #tpu.memory_space<hbm>>
      tpu.wait_dma2 semaphore(%run_scoped3A : memref<!tpu.dma_semaphore, #tpu.memory_space<semaphore_mem>>) src(%dma_wait3A_73 : memref<32x8xi32, #tpu.memory_space<hbm>>) dst(%dma_wait3A_71 : memref<32x8xi32, #tpu.memory_space<vmem>>)
      tpu.yield
    }) : () -> ()
    "tpu.region"() ({
      %run_scoped3A = tpu.sem_alloc : memref<!tpu.dma_semaphore, #tpu.memory_space<semaphore_mem>>
      %dma_start3A_54 = arith.constant 0 : i32
      %dma_start3A_55 = arith.constant 0 : i32
      %dma_start3A_56 = tpu.memref_slice %arg17[%dma_start3A_54, %dma_start3A_55] : memref<64x8xi32, #tpu.memory_space<vmem>> -> memref<32x8xi32, #tpu.memory_space<vmem>>
      %dma_start3A_57 = arith.constant 0 : i32
      %dma_start3A_58 = tpu.memref_slice %arg3[%mul3A_4, %dma_start3A_57] : memref<1024x8xi32, #tpu.memory_space<hbm>> -> memref<32x8xi32, #tpu.memory_space<hbm>>
      %dma_start3A_59 = arith.constant 0 : i32
      %dma_start3A_60 = arith.constant 0 : i32
      %dma_start3A_61 = tpu.memref_slice %arg17[%dma_start3A_59, %dma_start3A_60] : memref<64x8xi32, #tpu.memory_space<vmem>> -> memref<32x8xi32, #tpu.memory_space<vmem>>
      %dma_start3A_62 = arith.constant 0 : i32
      %dma_start3A_63 = tpu.memref_slice %arg3[%mul3A_4, %dma_start3A_62] : memref<1024x8xi32, #tpu.memory_space<hbm>> -> memref<32x8xi32, #tpu.memory_space<hbm>>
      tpu.enqueue_dma source(%dma_start3A_63 : memref<32x8xi32, #tpu.memory_space<hbm>>) target(%dma_start3A_61 : memref<32x8xi32, #tpu.memory_space<vmem>>) target_semaphore(%run_scoped3A : memref<!tpu.dma_semaphore, #tpu.memory_space<semaphore_mem>>)
      %dma_wait3A_64 = arith.constant 0 : i32
      %dma_wait3A_65 = arith.constant 0 : i32
      %dma_wait3A_66 = tpu.memref_slice %arg17[%dma_wait3A_64, %dma_wait3A_65] : memref<64x8xi32, #tpu.memory_space<vmem>> -> memref<32x8xi32, #tpu.memory_space<vmem>>
      %dma_wait3A_67 = arith.constant 0 : i32
      %dma_wait3A_68 = tpu.memref_slice %arg3[%mul3A_4, %dma_wait3A_67] : memref<1024x8xi32, #tpu.memory_space<hbm>> -> memref<32x8xi32, #tpu.memory_space<hbm>>
      %dma_wait3A_69 = arith.constant 0 : i32
      %dma_wait3A_70 = arith.constant 0 : i32
      %dma_wait3A_71 = tpu.memref_slice %arg17[%dma_wait3A_69, %dma_wait3A_70] : memref<64x8xi32, #tpu.memory_space<vmem>> -> memref<32x8xi32, #tpu.memory_space<vmem>>
      %dma_wait3A_72 = arith.constant 0 : i32
      %dma_wait3A_73 = tpu.memref_slice %arg3[%mul3A_4, %dma_wait3A_72] : memref<1024x8xi32, #tpu.memory_space<hbm>> -> memref<32x8xi32, #tpu.memory_space<hbm>>
      tpu.wait_dma2 semaphore(%run_scoped3A : memref<!tpu.dma_semaphore, #tpu.memory_space<semaphore_mem>>) src(%dma_wait3A_73 : memref<32x8xi32, #tpu.memory_space<hbm>>) dst(%dma_wait3A_71 : memref<32x8xi32, #tpu.memory_space<vmem>>)
      tpu.yield
    }) : () -> ()
    %dma_start3A = arith.constant 0 : i32
    %dma_start3A_5 = arith.constant 0 : i32
    %dma_start3A_6 = tpu.memref_slice %arg16[%dma_start3A, %dma_start3A_5] : memref<64x8xi32, #tpu.memory_space<vmem>> -> memref<1x8xi32, #tpu.memory_space<vmem>>
    %dma_start3A_7 = tpu.memref_squeeze %dma_start3A_6 : memref<1x8xi32, #tpu.memory_space<vmem>> -> memref<8xi32, #tpu.memory_space<vmem>>
    %dma_start3A_8 = arith.constant 0 : i32
    %dma_start3A_9 = arith.constant 0 : i32
    %dma_start3A_10 = tpu.memref_slice %arg8[%dma_start3A_8, %dma_start3A_9] : memref<100000x2048xf32, #tpu.memory_space<hbm>> -> memref<100000x2048xf32, #tpu.memory_space<hbm>>
    tpu.enqueue_indirect_dma source(%dma_start3A_10 : memref<100000x2048xf32, #tpu.memory_space<hbm>>) target(%arg19 : memref<8x2048xf32, #tpu.memory_space<vmem>>) offsets(%dma_start3A_7 : memref<8xi32, #tpu.memory_space<vmem>>) semaphore(%arg27 : memref<!tpu.dma_semaphore, #tpu.memory_space<semaphore_mem>>)
    %dma_start3A_11 = arith.constant 0 : i32
    %dma_start3A_12 = arith.constant 0 : i32
    %dma_start3A_13 = tpu.memref_slice %arg17[%dma_start3A_11, %dma_start3A_12] : memref<64x8xi32, #tpu.memory_space<vmem>> -> memref<1x8xi32, #tpu.memory_space<vmem>>
    %dma_start3A_14 = tpu.memref_squeeze %dma_start3A_13 : memref<1x8xi32, #tpu.memory_space<vmem>> -> memref<8xi32, #tpu.memory_space<vmem>>
    %dma_start3A_15 = arith.constant 0 : i32
    %dma_start3A_16 = arith.constant 0 : i32
    %dma_start3A_17 = tpu.memref_slice %arg9[%dma_start3A_15, %dma_start3A_16] : memref<2048x2048xf32, #tpu.memory_space<hbm>> -> memref<2048x2048xf32, #tpu.memory_space<hbm>>
    tpu.enqueue_indirect_dma source(%dma_start3A_17 : memref<2048x2048xf32, #tpu.memory_space<hbm>>) target(%arg20 : memref<8x2048xf32, #tpu.memory_space<vmem>>) offsets(%dma_start3A_14 : memref<8xi32, #tpu.memory_space<vmem>>) semaphore(%arg27 : memref<!tpu.dma_semaphore, #tpu.memory_space<semaphore_mem>>)
    %dma_start3A_18 = arith.constant 1 : i32
    %dma_start3A_19 = arith.constant 0 : i32
    %dma_start3A_20 = tpu.memref_slice %arg16[%dma_start3A_18, %dma_start3A_19] : memref<64x8xi32, #tpu.memory_space<vmem>> -> memref<1x8xi32, #tpu.memory_space<vmem>>
    %dma_start3A_21 = tpu.memref_squeeze %dma_start3A_20 : memref<1x8xi32, #tpu.memory_space<vmem>> -> memref<8xi32, #tpu.memory_space<vmem>>
    %dma_start3A_22 = arith.constant 0 : i32
    %dma_start3A_23 = arith.constant 0 : i32
    %dma_start3A_24 = tpu.memref_slice %arg8[%dma_start3A_22, %dma_start3A_23] : memref<100000x2048xf32, #tpu.memory_space<hbm>> -> memref<100000x2048xf32, #tpu.memory_space<hbm>>
    tpu.enqueue_indirect_dma source(%dma_start3A_24 : memref<100000x2048xf32, #tpu.memory_space<hbm>>) target(%arg21 : memref<8x2048xf32, #tpu.memory_space<vmem>>) offsets(%dma_start3A_21 : memref<8xi32, #tpu.memory_space<vmem>>) semaphore(%arg28 : memref<!tpu.dma_semaphore, #tpu.memory_space<semaphore_mem>>)
    %dma_start3A_25 = arith.constant 1 : i32
    %dma_start3A_26 = arith.constant 0 : i32
    %dma_start3A_27 = tpu.memref_slice %arg17[%dma_start3A_25, %dma_start3A_26] : memref<64x8xi32, #tpu.memory_space<vmem>> -> memref<1x8xi32, #tpu.memory_space<vmem>>
    %dma_start3A_28 = tpu.memref_squeeze %dma_start3A_27 : memref<1x8xi32, #tpu.memory_space<vmem>> -> memref<8xi32, #tpu.memory_space<vmem>>
    %dma_start3A_29 = arith.constant 0 : i32
    %dma_start3A_30 = arith.constant 0 : i32
    %dma_start3A_31 = tpu.memref_slice %arg9[%dma_start3A_29, %dma_start3A_30] : memref<2048x2048xf32, #tpu.memory_space<hbm>> -> memref<2048x2048xf32, #tpu.memory_space<hbm>>
    tpu.enqueue_indirect_dma source(%dma_start3A_31 : memref<2048x2048xf32, #tpu.memory_space<hbm>>) target(%arg22 : memref<8x2048xf32, #tpu.memory_space<vmem>>) offsets(%dma_start3A_28 : memref<8xi32, #tpu.memory_space<vmem>>) semaphore(%arg28 : memref<!tpu.dma_semaphore, #tpu.memory_space<semaphore_mem>>)
    "tpu.region"() ({
      %run_scoped3A = tpu.sem_alloc : memref<!tpu.dma_semaphore, #tpu.memory_space<semaphore_mem>>
      %dma_start3A_54 = arith.constant 32 : i32
      %dma_start3A_55 = arith.constant 0 : i32
      %dma_start3A_56 = tpu.memref_slice %arg16[%dma_start3A_54, %dma_start3A_55] : memref<64x8xi32, #tpu.memory_space<vmem>> -> memref<32x8xi32, #tpu.memory_space<vmem>>
      %dma_start3A_57 = arith.constant 0 : i32
      %dma_start3A_58 = tpu.memref_slice %arg5[%mul3A_4, %dma_start3A_57] : memref<1024x8xi32, #tpu.memory_space<hbm>> -> memref<32x8xi32, #tpu.memory_space<hbm>>
      %dma_start3A_59 = arith.constant 32 : i32
      %dma_start3A_60 = arith.constant 0 : i32
      %dma_start3A_61 = tpu.memref_slice %arg16[%dma_start3A_59, %dma_start3A_60] : memref<64x8xi32, #tpu.memory_space<vmem>> -> memref<32x8xi32, #tpu.memory_space<vmem>>
      %dma_start3A_62 = arith.constant 0 : i32
      %dma_start3A_63 = tpu.memref_slice %arg5[%mul3A_4, %dma_start3A_62] : memref<1024x8xi32, #tpu.memory_space<hbm>> -> memref<32x8xi32, #tpu.memory_space<hbm>>
      tpu.enqueue_dma source(%dma_start3A_63 : memref<32x8xi32, #tpu.memory_space<hbm>>) target(%dma_start3A_61 : memref<32x8xi32, #tpu.memory_space<vmem>>) target_semaphore(%run_scoped3A : memref<!tpu.dma_semaphore, #tpu.memory_space<semaphore_mem>>)
      %dma_wait3A_64 = arith.constant 32 : i32
      %dma_wait3A_65 = arith.constant 0 : i32
      %dma_wait3A_66 = tpu.memref_slice %arg16[%dma_wait3A_64, %dma_wait3A_65] : memref<64x8xi32, #tpu.memory_space<vmem>> -> memref<32x8xi32, #tpu.memory_space<vmem>>
      %dma_wait3A_67 = arith.constant 0 : i32
      %dma_wait3A_68 = tpu.memref_slice %arg5[%mul3A_4, %dma_wait3A_67] : memref<1024x8xi32, #tpu.memory_space<hbm>> -> memref<32x8xi32, #tpu.memory_space<hbm>>
      %dma_wait3A_69 = arith.constant 32 : i32
      %dma_wait3A_70 = arith.constant 0 : i32
      %dma_wait3A_71 = tpu.memref_slice %arg16[%dma_wait3A_69, %dma_wait3A_70] : memref<64x8xi32, #tpu.memory_space<vmem>> -> memref<32x8xi32, #tpu.memory_space<vmem>>
      %dma_wait3A_72 = arith.constant 0 : i32
      %dma_wait3A_73 = tpu.memref_slice %arg5[%mul3A_4, %dma_wait3A_72] : memref<1024x8xi32, #tpu.memory_space<hbm>> -> memref<32x8xi32, #tpu.memory_space<hbm>>
      tpu.wait_dma2 semaphore(%run_scoped3A : memref<!tpu.dma_semaphore, #tpu.memory_space<semaphore_mem>>) src(%dma_wait3A_73 : memref<32x8xi32, #tpu.memory_space<hbm>>) dst(%dma_wait3A_71 : memref<32x8xi32, #tpu.memory_space<vmem>>)
      tpu.yield
    }) : () -> ()
    "tpu.region"() ({
      %run_scoped3A = tpu.sem_alloc : memref<!tpu.dma_semaphore, #tpu.memory_space<semaphore_mem>>
      %dma_start3A_54 = arith.constant 32 : i32
      %dma_start3A_55 = arith.constant 0 : i32
      %dma_start3A_56 = tpu.memref_slice %arg17[%dma_start3A_54, %dma_start3A_55] : memref<64x8xi32, #tpu.memory_space<vmem>> -> memref<32x8xi32, #tpu.memory_space<vmem>>
      %dma_start3A_57 = arith.constant 0 : i32
      %dma_start3A_58 = tpu.memref_slice %arg6[%mul3A_4, %dma_start3A_57] : memref<1024x8xi32, #tpu.memory_space<hbm>> -> memref<32x8xi32, #tpu.memory_space<hbm>>
      %dma_start3A_59 = arith.constant 32 : i32
      %dma_start3A_60 = arith.constant 0 : i32
      %dma_start3A_61 = tpu.memref_slice %arg17[%dma_start3A_59, %dma_start3A_60] : memref<64x8xi32, #tpu.memory_space<vmem>> -> memref<32x8xi32, #tpu.memory_space<vmem>>
      %dma_start3A_62 = arith.constant 0 : i32
      %dma_start3A_63 = tpu.memref_slice %arg6[%mul3A_4, %dma_start3A_62] : memref<1024x8xi32, #tpu.memory_space<hbm>> -> memref<32x8xi32, #tpu.memory_space<hbm>>
      tpu.enqueue_dma source(%dma_start3A_63 : memref<32x8xi32, #tpu.memory_space<hbm>>) target(%dma_start3A_61 : memref<32x8xi32, #tpu.memory_space<vmem>>) target_semaphore(%run_scoped3A : memref<!tpu.dma_semaphore, #tpu.memory_space<semaphore_mem>>)
      %dma_wait3A_64 = arith.constant 32 : i32
      %dma_wait3A_65 = arith.constant 0 : i32
      %dma_wait3A_66 = tpu.memref_slice %arg17[%dma_wait3A_64, %dma_wait3A_65] : memref<64x8xi32, #tpu.memory_space<vmem>> -> memref<32x8xi32, #tpu.memory_space<vmem>>
      %dma_wait3A_67 = arith.constant 0 : i32
      %dma_wait3A_68 = tpu.memref_slice %arg6[%mul3A_4, %dma_wait3A_67] : memref<1024x8xi32, #tpu.memory_space<hbm>> -> memref<32x8xi32, #tpu.memory_space<hbm>>
      %dma_wait3A_69 = arith.constant 32 : i32
      %dma_wait3A_70 = arith.constant 0 : i32
      %dma_wait3A_71 = tpu.memref_slice %arg17[%dma_wait3A_69, %dma_wait3A_70] : memref<64x8xi32, #tpu.memory_space<vmem>> -> memref<32x8xi32, #tpu.memory_space<vmem>>
      %dma_wait3A_72 = arith.constant 0 : i32
      %dma_wait3A_73 = tpu.memref_slice %arg6[%mul3A_4, %dma_wait3A_72] : memref<1024x8xi32, #tpu.memory_space<hbm>> -> memref<32x8xi32, #tpu.memory_space<hbm>>
      tpu.wait_dma2 semaphore(%run_scoped3A : memref<!tpu.dma_semaphore, #tpu.memory_space<semaphore_mem>>) src(%dma_wait3A_73 : memref<32x8xi32, #tpu.memory_space<hbm>>) dst(%dma_wait3A_71 : memref<32x8xi32, #tpu.memory_space<vmem>>)
      tpu.yield
    }) : () -> ()
    "tpu.region"() ({
      %run_scoped3A = tpu.sem_alloc : memref<!tpu.dma_semaphore, #tpu.memory_space<semaphore_mem>>
      %dma_start3A_54 = arith.constant 0 : i32
      %dma_start3A_55 = tpu.memref_slice %arg18[%dma_start3A_54] : memref<512xi32, #tpu.memory_space<vmem>> -> memref<256xi32, #tpu.memory_space<vmem>>
      %dma_start3A_56 = arith.constant 0 : i32
      %dma_start3A_57 = tpu.memref_slice %arg4[%add3A, %dma_start3A_56] : memref<32x256xi32, #tpu.memory_space<hbm>> -> memref<1x256xi32, #tpu.memory_space<hbm>>
      %dma_start3A_58 = tpu.memref_squeeze %dma_start3A_57 : memref<1x256xi32, #tpu.memory_space<hbm>> -> memref<256xi32, #tpu.memory_space<hbm>>
      %dma_start3A_59 = arith.constant 0 : i32
      %dma_start3A_60 = tpu.memref_slice %arg18[%dma_start3A_59] : memref<512xi32, #tpu.memory_space<vmem>> -> memref<256xi32, #tpu.memory_space<vmem>>
      %dma_start3A_61 = arith.constant 0 : i32
      %dma_start3A_62 = tpu.memref_slice %arg4[%add3A, %dma_start3A_61] : memref<32x256xi32, #tpu.memory_space<hbm>> -> memref<1x256xi32, #tpu.memory_space<hbm>>
      %dma_start3A_63 = tpu.memref_squeeze %dma_start3A_62 : memref<1x256xi32, #tpu.memory_space<hbm>> -> memref<256xi32, #tpu.memory_space<hbm>>
      tpu.enqueue_dma source(%dma_start3A_63 : memref<256xi32, #tpu.memory_space<hbm>>) target(%dma_start3A_60 : memref<256xi32, #tpu.memory_space<vmem>>) target_semaphore(%run_scoped3A : memref<!tpu.dma_semaphore, #tpu.memory_space<semaphore_mem>>)
      %dma_wait3A_64 = arith.constant 0 : i32
      %dma_wait3A_65 = tpu.memref_slice %arg18[%dma_wait3A_64] : memref<512xi32, #tpu.memory_space<vmem>> -> memref<256xi32, #tpu.memory_space<vmem>>
      %dma_wait3A_66 = arith.constant 0 : i32
      %dma_wait3A_67 = tpu.memref_slice %arg4[%add3A, %dma_wait3A_66] : memref<32x256xi32, #tpu.memory_space<hbm>> -> memref<1x256xi32, #tpu.memory_space<hbm>>
      %dma_wait3A_68 = tpu.memref_squeeze %dma_wait3A_67 : memref<1x256xi32, #tpu.memory_space<hbm>> -> memref<256xi32, #tpu.memory_space<hbm>>
      %dma_wait3A_69 = arith.constant 0 : i32
      %dma_wait3A_70 = tpu.memref_slice %arg18[%dma_wait3A_69] : memref<512xi32, #tpu.memory_space<vmem>> -> memref<256xi32, #tpu.memory_space<vmem>>
      %dma_wait3A_71 = arith.constant 0 : i32
      %dma_wait3A_72 = tpu.memref_slice %arg4[%add3A, %dma_wait3A_71] : memref<32x256xi32, #tpu.memory_space<hbm>> -> memref<1x256xi32, #tpu.memory_space<hbm>>
      %dma_wait3A_73 = tpu.memref_squeeze %dma_wait3A_72 : memref<1x256xi32, #tpu.memory_space<hbm>> -> memref<256xi32, #tpu.memory_space<hbm>>
      tpu.wait_dma2 semaphore(%run_scoped3A : memref<!tpu.dma_semaphore, #tpu.memory_space<semaphore_mem>>) src(%dma_wait3A_73 : memref<256xi32, #tpu.memory_space<hbm>>) dst(%dma_wait3A_70 : memref<256xi32, #tpu.memory_space<vmem>>)
      tpu.yield
    }) : () -> ()
    "tpu.region"() ({
      %run_scoped3A = tpu.sem_alloc : memref<!tpu.dma_semaphore, #tpu.memory_space<semaphore_mem>>
      %dma_start3A_54 = arith.constant 256 : i32
      %dma_start3A_55 = tpu.memref_slice %arg18[%dma_start3A_54] : memref<512xi32, #tpu.memory_space<vmem>> -> memref<256xi32, #tpu.memory_space<vmem>>
      %dma_start3A_56 = arith.constant 0 : i32
      %dma_start3A_57 = tpu.memref_slice %arg7[%add3A, %dma_start3A_56] : memref<32x256xi32, #tpu.memory_space<hbm>> -> memref<1x256xi32, #tpu.memory_space<hbm>>
      %dma_start3A_58 = tpu.memref_squeeze %dma_start3A_57 : memref<1x256xi32, #tpu.memory_space<hbm>> -> memref<256xi32, #tpu.memory_space<hbm>>
      %dma_start3A_59 = arith.constant 256 : i32
      %dma_start3A_60 = tpu.memref_slice %arg18[%dma_start3A_59] : memref<512xi32, #tpu.memory_space<vmem>> -> memref<256xi32, #tpu.memory_space<vmem>>
      %dma_start3A_61 = arith.constant 0 : i32
      %dma_start3A_62 = tpu.memref_slice %arg7[%add3A, %dma_start3A_61] : memref<32x256xi32, #tpu.memory_space<hbm>> -> memref<1x256xi32, #tpu.memory_space<hbm>>
      %dma_start3A_63 = tpu.memref_squeeze %dma_start3A_62 : memref<1x256xi32, #tpu.memory_space<hbm>> -> memref<256xi32, #tpu.memory_space<hbm>>
      tpu.enqueue_dma source(%dma_start3A_63 : memref<256xi32, #tpu.memory_space<hbm>>) target(%dma_start3A_60 : memref<256xi32, #tpu.memory_space<vmem>>) target_semaphore(%run_scoped3A : memref<!tpu.dma_semaphore, #tpu.memory_space<semaphore_mem>>)
      %dma_wait3A_64 = arith.constant 256 : i32
      %dma_wait3A_65 = tpu.memref_slice %arg18[%dma_wait3A_64] : memref<512xi32, #tpu.memory_space<vmem>> -> memref<256xi32, #tpu.memory_space<vmem>>
      %dma_wait3A_66 = arith.constant 0 : i32
      %dma_wait3A_67 = tpu.memref_slice %arg7[%add3A, %dma_wait3A_66] : memref<32x256xi32, #tpu.memory_space<hbm>> -> memref<1x256xi32, #tpu.memory_space<hbm>>
      %dma_wait3A_68 = tpu.memref_squeeze %dma_wait3A_67 : memref<1x256xi32, #tpu.memory_space<hbm>> -> memref<256xi32, #tpu.memory_space<hbm>>
      %dma_wait3A_69 = arith.constant 256 : i32
      %dma_wait3A_70 = tpu.memref_slice %arg18[%dma_wait3A_69] : memref<512xi32, #tpu.memory_space<vmem>> -> memref<256xi32, #tpu.memory_space<vmem>>
      %dma_wait3A_71 = arith.constant 0 : i32
      %dma_wait3A_72 = tpu.memref_slice %arg7[%add3A, %dma_wait3A_71] : memref<32x256xi32, #tpu.memory_space<hbm>> -> memref<1x256xi32, #tpu.memory_space<hbm>>
      %dma_wait3A_73 = tpu.memref_squeeze %dma_wait3A_72 : memref<1x256xi32, #tpu.memory_space<hbm>> -> memref<256xi32, #tpu.memory_space<hbm>>
      tpu.wait_dma2 semaphore(%run_scoped3A : memref<!tpu.dma_semaphore, #tpu.memory_space<semaphore_mem>>) src(%dma_wait3A_73 : memref<256xi32, #tpu.memory_space<hbm>>) dst(%dma_wait3A_70 : memref<256xi32, #tpu.memory_space<vmem>>)
      tpu.yield
    }) : () -> ()
    %scan3A = arith.constant 0 : i32
    %scan3A_32 = arith.constant 0 : i32
    %scan3A_33 = arith.constant 16 : i32
    %scan3A_34 = arith.addi %scan3A_32, %scan3A_33 : i32
    %scan3A_35 = arith.constant 1 : i32
    scf.for %scan3A_54 = %scan3A_32 to %scan3A_34 step %scan3A_35  : i32 {
      %mul3A_55 = arith.constant 2 : i32
      %mul3A_56 = arith.muli %scan3A_54, %mul3A_55 : i32
      %mul3A_57 = arith.constant 8 : i32
      %mul3A_58 = arith.muli %mul3A_56, %mul3A_57 : i32
      %add3A_59 = arith.constant 0 : i32
      %add3A_60 = arith.addi %add3A_59, %mul3A_58 : i32
      %multiple_of3A = tpu.assume_multiple %add3A_60, 16 : i32
      %get3A = arith.index_cast %multiple_of3A : i32 to index
      %get3A_61 = tpu.vector_load %arg18[%get3A] {strides = array<i32>} : memref<512xi32, #tpu.memory_space<vmem>>, vector<16xi32>,
      %get3A_62 = vector.shape_cast %get3A_61 : vector<16xi32> to vector<16xi32>
      %mul3A_63 = arith.constant 2 : i32
      %mul3A_64 = arith.muli %mul3A_63, %scan3A_54 : i32
      %add3A_65 = arith.constant 0 : i32
      %add3A_66 = arith.addi %mul3A_64, %add3A_65 : i32
      %add3A_67 = arith.constant 0 : i32
      %add3A_68 = arith.addi %add3A_66, %add3A_67 : i32
      %gt3A = arith.constant 0 : i32
      %gt3A_69 = arith.cmpi sgt, %scan3A_54, %gt3A : i32
      %convert_element_type3A = arith.extui %gt3A_69 : i1 to i32
      %cond3A = arith.constant 0 : i32
      %cond3A_70 = arith.cmpi ne, %convert_element_type3A, %cond3A : i32
      scf.if %cond3A_70 {
        %dma_wait3A_199 = arith.constant 0 : i32
        %dma_wait3A_200 = arith.constant 0 : i32
        %dma_wait3A_201 = tpu.memref_slice %arg14[%dma_wait3A_199, %dma_wait3A_200] : memref<8192x2048xf32, #tpu.memory_space<hbm>> -> memref<8x2048xf32, #tpu.memory_space<hbm>>
        %dma_wait3A_202 = arith.constant 0 : i32
        %dma_wait3A_203 = arith.constant 0 : i32
        %dma_wait3A_204 = tpu.memref_slice %arg14[%dma_wait3A_202, %dma_wait3A_203] : memref<8192x2048xf32, #tpu.memory_space<hbm>> -> memref<8x2048xf32, #tpu.memory_space<hbm>>
        tpu.wait_dma2 semaphore(%arg29 : memref<!tpu.dma_semaphore, #tpu.memory_space<semaphore_mem>>) src(%arg23 : memref<8x2048xf32, #tpu.memory_space<vmem>>) dst(%dma_wait3A_204 : memref<8x2048xf32, #tpu.memory_space<hbm>>)
      } else {
      }
      %dma_wait3A_71 = arith.constant 0 : i32
      %dma_wait3A_72 = tpu.memref_slice %arg16[%add3A_68, %dma_wait3A_71] : memref<64x8xi32, #tpu.memory_space<vmem>> -> memref<1x8xi32, #tpu.memory_space<vmem>>
      %dma_wait3A_73 = tpu.memref_squeeze %dma_wait3A_72 : memref<1x8xi32, #tpu.memory_space<vmem>> -> memref<8xi32, #tpu.memory_space<vmem>>
      %dma_wait3A_74 = arith.constant 0 : i32
      %dma_wait3A_75 = arith.constant 0 : i32
      %dma_wait3A_76 = tpu.memref_slice %arg8[%dma_wait3A_74, %dma_wait3A_75] : memref<100000x2048xf32, #tpu.memory_space<hbm>> -> memref<100000x2048xf32, #tpu.memory_space<hbm>>
      tpu.wait_indirect_dma semaphore(%arg27 : memref<!tpu.dma_semaphore, #tpu.memory_space<semaphore_mem>>) src(%dma_wait3A_76 : memref<100000x2048xf32, #tpu.memory_space<hbm>>) dst(%arg19 : memref<8x2048xf32, #tpu.memory_space<vmem>>)
      %dma_wait3A_77 = arith.constant 0 : i32
      %dma_wait3A_78 = tpu.memref_slice %arg17[%add3A_68, %dma_wait3A_77] : memref<64x8xi32, #tpu.memory_space<vmem>> -> memref<1x8xi32, #tpu.memory_space<vmem>>
      %dma_wait3A_79 = tpu.memref_squeeze %dma_wait3A_78 : memref<1x8xi32, #tpu.memory_space<vmem>> -> memref<8xi32, #tpu.memory_space<vmem>>
      %dma_wait3A_80 = arith.constant 0 : i32
      %dma_wait3A_81 = arith.constant 0 : i32
      %dma_wait3A_82 = tpu.memref_slice %arg9[%dma_wait3A_80, %dma_wait3A_81] : memref<2048x2048xf32, #tpu.memory_space<hbm>> -> memref<2048x2048xf32, #tpu.memory_space<hbm>>
      tpu.wait_indirect_dma semaphore(%arg27 : memref<!tpu.dma_semaphore, #tpu.memory_space<semaphore_mem>>) src(%dma_wait3A_82 : memref<2048x2048xf32, #tpu.memory_space<hbm>>) dst(%arg20 : memref<8x2048xf32, #tpu.memory_space<vmem>>)
      %slice3A = vector.extract_strided_slice %get3A_62 {offsets = [0], sizes = [1], strides = [1]} : vector<16xi32> to vector<1xi32>
      %squeeze3A = vector.extract %slice3A[0] : i32 from vector<1xi32>
      %convert_element_type3A_83 = arith.sitofp %squeeze3A : i32 to f32
      %slice3A_84 = vector.extract_strided_slice %get3A_62 {offsets = [1], sizes = [1], strides = [1]} : vector<16xi32> to vector<1xi32>
      %squeeze3A_85 = vector.extract %slice3A_84[0] : i32 from vector<1xi32>
      %convert_element_type3A_86 = arith.sitofp %squeeze3A_85 : i32 to f32
      %slice3A_87 = vector.extract_strided_slice %get3A_62 {offsets = [2], sizes = [1], strides = [1]} : vector<16xi32> to vector<1xi32>
      %squeeze3A_88 = vector.extract %slice3A_87[0] : i32 from vector<1xi32>
      %convert_element_type3A_89 = arith.sitofp %squeeze3A_88 : i32 to f32
      %slice3A_90 = vector.extract_strided_slice %get3A_62 {offsets = [3], sizes = [1], strides = [1]} : vector<16xi32> to vector<1xi32>
      %squeeze3A_91 = vector.extract %slice3A_90[0] : i32 from vector<1xi32>
      %convert_element_type3A_92 = arith.sitofp %squeeze3A_91 : i32 to f32
      %slice3A_93 = vector.extract_strided_slice %get3A_62 {offsets = [4], sizes = [1], strides = [1]} : vector<16xi32> to vector<1xi32>
      %squeeze3A_94 = vector.extract %slice3A_93[0] : i32 from vector<1xi32>
      %convert_element_type3A_95 = arith.sitofp %squeeze3A_94 : i32 to f32
      %slice3A_96 = vector.extract_strided_slice %get3A_62 {offsets = [5], sizes = [1], strides = [1]} : vector<16xi32> to vector<1xi32>
      %squeeze3A_97 = vector.extract %slice3A_96[0] : i32 from vector<1xi32>
      %convert_element_type3A_98 = arith.sitofp %squeeze3A_97 : i32 to f32
      %slice3A_99 = vector.extract_strided_slice %get3A_62 {offsets = [6], sizes = [1], strides = [1]} : vector<16xi32> to vector<1xi32>
      %squeeze3A_100 = vector.extract %slice3A_99[0] : i32 from vector<1xi32>
      %convert_element_type3A_101 = arith.sitofp %squeeze3A_100 : i32 to f32
      %slice3A_102 = vector.extract_strided_slice %get3A_62 {offsets = [7], sizes = [1], strides = [1]} : vector<16xi32> to vector<1xi32>
      %squeeze3A_103 = vector.extract %slice3A_102[0] : i32 from vector<1xi32>
      %convert_element_type3A_104 = arith.sitofp %squeeze3A_103 : i32 to f32
      %parallel_loop3A = arith.constant 0 : i32
      %parallel_loop3A_105 = arith.constant 2048 : i32
      %parallel_loop3A_106 = arith.constant 16 : i32
      scf.for %parallel_loop3A_199 = %parallel_loop3A to %parallel_loop3A_105 step %parallel_loop3A_106  : i32 {
        %parallel_loop3A_200 = tpu.assume_multiple %parallel_loop3A_199, 16 : i32
        %parallel_loop3A_201 = arith.constant 0 : i32
        %parallel_loop3A_202 = arith.index_cast %parallel_loop3A_201 : i32 to index
        %parallel_loop3A_203 = arith.index_cast %parallel_loop3A_200 : i32 to index
        %parallel_loop3A_204 = tpu.vector_load %arg25[%parallel_loop3A_202, %parallel_loop3A_203] {strides = array<i32>} : memref<2x2048xf32, #tpu.memory_space<vmem>>, vector<1x16xf32>,
        %parallel_loop3A_205 = vector.shape_cast %parallel_loop3A_204 : vector<1x16xf32> to vector<16xf32>
        %parallel_loop3A_206 = arith.constant 1 : i32
        %parallel_loop3A_207 = arith.index_cast %parallel_loop3A_206 : i32 to index
        %parallel_loop3A_208 = arith.index_cast %parallel_loop3A_200 : i32 to index
        %parallel_loop3A_209 = tpu.vector_load %arg25[%parallel_loop3A_207, %parallel_loop3A_208] {strides = array<i32>} : memref<2x2048xf32, #tpu.memory_space<vmem>>, vector<1x16xf32>,
        %parallel_loop3A_210 = vector.shape_cast %parallel_loop3A_209 : vector<1x16xf32> to vector<16xf32>
        %parallel_loop3A_211 = arith.subf %parallel_loop3A_210, %parallel_loop3A_205 : vector<16xf32>
        %parallel_loop3A_212 = vector.broadcast %convert_element_type3A_83 : f32 to vector<16xf32>
        %parallel_loop3A_213 = arith.mulf %parallel_loop3A_212, %parallel_loop3A_211 : vector<16xf32>
        %parallel_loop3A_214 = arith.addf %parallel_loop3A_205, %parallel_loop3A_213 : vector<16xf32>
        %parallel_loop3A_215 = arith.constant 0 : i32
        %parallel_loop3A_216 = arith.index_cast %parallel_loop3A_215 : i32 to index
        %parallel_loop3A_217 = arith.index_cast %parallel_loop3A_200 : i32 to index
        %parallel_loop3A_218 = tpu.vector_load %arg19[%parallel_loop3A_216, %parallel_loop3A_217] {strides = array<i32>} : memref<8x2048xf32, #tpu.memory_space<vmem>>, vector<1x16xf32>,
        %parallel_loop3A_219 = vector.shape_cast %parallel_loop3A_218 : vector<1x16xf32> to vector<16xf32>
        %parallel_loop3A_220 = arith.constant 0 : i32
        %parallel_loop3A_221 = arith.index_cast %parallel_loop3A_220 : i32 to index
        %parallel_loop3A_222 = arith.index_cast %parallel_loop3A_200 : i32 to index
        %parallel_loop3A_223 = tpu.vector_load %arg20[%parallel_loop3A_221, %parallel_loop3A_222] {strides = array<i32>} : memref<8x2048xf32, #tpu.memory_space<vmem>>, vector<1x16xf32>,
        %parallel_loop3A_224 = vector.shape_cast %parallel_loop3A_223 : vector<1x16xf32> to vector<16xf32>
        %parallel_loop3A_225 = arith.addf %parallel_loop3A_219, %parallel_loop3A_224 : vector<16xf32>
        %parallel_loop3A_226 = arith.addf %parallel_loop3A_225, %parallel_loop3A_214 : vector<16xf32>
        %parallel_loop3A_227 = arith.constant 45.2548332 : f32
        %parallel_loop3A_228 = vector.broadcast %parallel_loop3A_227 : f32 to vector<16xf32>
        %parallel_loop3A_229 = arith.mulf %parallel_loop3A_226, %parallel_loop3A_228 : vector<16xf32>
        %parallel_loop3A_230 = arith.constant 0 : i32
        %parallel_loop3A_231 = arith.index_cast %parallel_loop3A_230 : i32 to index
        %parallel_loop3A_232 = arith.index_cast %parallel_loop3A_200 : i32 to index
        %parallel_loop3A_233 = tpu.vector_load %arg23[%parallel_loop3A_231, %parallel_loop3A_232] {strides = array<i32>} : memref<8x2048xf32, #tpu.memory_space<vmem>>, vector<1x16xf32>,
        %parallel_loop3A_234 = vector.shape_cast %parallel_loop3A_233 : vector<1x16xf32> to vector<16xf32>
        %parallel_loop3A_235 = vector.shape_cast %parallel_loop3A_229 : vector<16xf32> to vector<1x16xf32>
        tpu.vector_store %arg23[%parallel_loop3A_231, %parallel_loop3A_232], %parallel_loop3A_235 {strides = array<i32>} : memref<8x2048xf32, #tpu.memory_space<vmem>>, vector<1x16xf32>,
        %parallel_loop3A_236 = vector.broadcast %convert_element_type3A_86 : f32 to vector<16xf32>
        %parallel_loop3A_237 = arith.mulf %parallel_loop3A_236, %parallel_loop3A_211 : vector<16xf32>
        %parallel_loop3A_238 = arith.addf %parallel_loop3A_205, %parallel_loop3A_237 : vector<16xf32>
        %parallel_loop3A_239 = arith.constant 1 : i32
        %parallel_loop3A_240 = arith.index_cast %parallel_loop3A_239 : i32 to index
        %parallel_loop3A_241 = arith.index_cast %parallel_loop3A_200 : i32 to index
        %parallel_loop3A_242 = tpu.vector_load %arg19[%parallel_loop3A_240, %parallel_loop3A_241] {strides = array<i32>} : memref<8x2048xf32, #tpu.memory_space<vmem>>, vector<1x16xf32>,
        %parallel_loop3A_243 = vector.shape_cast %parallel_loop3A_242 : vector<1x16xf32> to vector<16xf32>
        %parallel_loop3A_244 = arith.constant 1 : i32
        %parallel_loop3A_245 = arith.index_cast %parallel_loop3A_244 : i32 to index
        %parallel_loop3A_246 = arith.index_cast %parallel_loop3A_200 : i32 to index
        %parallel_loop3A_247 = tpu.vector_load %arg20[%parallel_loop3A_245, %parallel_loop3A_246] {strides = array<i32>} : memref<8x2048xf32, #tpu.memory_space<vmem>>, vector<1x16xf32>,
        %parallel_loop3A_248 = vector.shape_cast %parallel_loop3A_247 : vector<1x16xf32> to vector<16xf32>
        %parallel_loop3A_249 = arith.addf %parallel_loop3A_243, %parallel_loop3A_248 : vector<16xf32>
        %parallel_loop3A_250 = arith.addf %parallel_loop3A_249, %parallel_loop3A_238 : vector<16xf32>
        %parallel_loop3A_251 = arith.constant 45.2548332 : f32
        %parallel_loop3A_252 = vector.broadcast %parallel_loop3A_251 : f32 to vector<16xf32>
        %parallel_loop3A_253 = arith.mulf %parallel_loop3A_250, %parallel_loop3A_252 : vector<16xf32>
        %parallel_loop3A_254 = arith.constant 1 : i32
        %parallel_loop3A_255 = arith.index_cast %parallel_loop3A_254 : i32 to index
        %parallel_loop3A_256 = arith.index_cast %parallel_loop3A_200 : i32 to index
        %parallel_loop3A_257 = tpu.vector_load %arg23[%parallel_loop3A_255, %parallel_loop3A_256] {strides = array<i32>} : memref<8x2048xf32, #tpu.memory_space<vmem>>, vector<1x16xf32>,
        %parallel_loop3A_258 = vector.shape_cast %parallel_loop3A_257 : vector<1x16xf32> to vector<16xf32>
        %parallel_loop3A_259 = vector.shape_cast %parallel_loop3A_253 : vector<16xf32> to vector<1x16xf32>
        tpu.vector_store %arg23[%parallel_loop3A_255, %parallel_loop3A_256], %parallel_loop3A_259 {strides = array<i32>} : memref<8x2048xf32, #tpu.memory_space<vmem>>, vector<1x16xf32>,
        %parallel_loop3A_260 = vector.broadcast %convert_element_type3A_89 : f32 to vector<16xf32>
        %parallel_loop3A_261 = arith.mulf %parallel_loop3A_260, %parallel_loop3A_211 : vector<16xf32>
        %parallel_loop3A_262 = arith.addf %parallel_loop3A_205, %parallel_loop3A_261 : vector<16xf32>
        %parallel_loop3A_263 = arith.constant 2 : i32
        %parallel_loop3A_264 = arith.index_cast %parallel_loop3A_263 : i32 to index
        %parallel_loop3A_265 = arith.index_cast %parallel_loop3A_200 : i32 to index
        %parallel_loop3A_266 = tpu.vector_load %arg19[%parallel_loop3A_264, %parallel_loop3A_265] {strides = array<i32>} : memref<8x2048xf32, #tpu.memory_space<vmem>>, vector<1x16xf32>,
        %parallel_loop3A_267 = vector.shape_cast %parallel_loop3A_266 : vector<1x16xf32> to vector<16xf32>
        %parallel_loop3A_268 = arith.constant 2 : i32
        %parallel_loop3A_269 = arith.index_cast %parallel_loop3A_268 : i32 to index
        %parallel_loop3A_270 = arith.index_cast %parallel_loop3A_200 : i32 to index
        %parallel_loop3A_271 = tpu.vector_load %arg20[%parallel_loop3A_269, %parallel_loop3A_270] {strides = array<i32>} : memref<8x2048xf32, #tpu.memory_space<vmem>>, vector<1x16xf32>,
        %parallel_loop3A_272 = vector.shape_cast %parallel_loop3A_271 : vector<1x16xf32> to vector<16xf32>
        %parallel_loop3A_273 = arith.addf %parallel_loop3A_267, %parallel_loop3A_272 : vector<16xf32>
        %parallel_loop3A_274 = arith.addf %parallel_loop3A_273, %parallel_loop3A_262 : vector<16xf32>
        %parallel_loop3A_275 = arith.constant 45.2548332 : f32
        %parallel_loop3A_276 = vector.broadcast %parallel_loop3A_275 : f32 to vector<16xf32>
        %parallel_loop3A_277 = arith.mulf %parallel_loop3A_274, %parallel_loop3A_276 : vector<16xf32>
        %parallel_loop3A_278 = arith.constant 2 : i32
        %parallel_loop3A_279 = arith.index_cast %parallel_loop3A_278 : i32 to index
        %parallel_loop3A_280 = arith.index_cast %parallel_loop3A_200 : i32 to index
        %parallel_loop3A_281 = tpu.vector_load %arg23[%parallel_loop3A_279, %parallel_loop3A_280] {strides = array<i32>} : memref<8x2048xf32, #tpu.memory_space<vmem>>, vector<1x16xf32>,
        %parallel_loop3A_282 = vector.shape_cast %parallel_loop3A_281 : vector<1x16xf32> to vector<16xf32>
        %parallel_loop3A_283 = vector.shape_cast %parallel_loop3A_277 : vector<16xf32> to vector<1x16xf32>
        tpu.vector_store %arg23[%parallel_loop3A_279, %parallel_loop3A_280], %parallel_loop3A_283 {strides = array<i32>} : memref<8x2048xf32, #tpu.memory_space<vmem>>, vector<1x16xf32>,
        %parallel_loop3A_284 = vector.broadcast %convert_element_type3A_92 : f32 to vector<16xf32>
        %parallel_loop3A_285 = arith.mulf %parallel_loop3A_284, %parallel_loop3A_211 : vector<16xf32>
        %parallel_loop3A_286 = arith.addf %parallel_loop3A_205, %parallel_loop3A_285 : vector<16xf32>
        %parallel_loop3A_287 = arith.constant 3 : i32
        %parallel_loop3A_288 = arith.index_cast %parallel_loop3A_287 : i32 to index
        %parallel_loop3A_289 = arith.index_cast %parallel_loop3A_200 : i32 to index
        %parallel_loop3A_290 = tpu.vector_load %arg19[%parallel_loop3A_288, %parallel_loop3A_289] {strides = array<i32>} : memref<8x2048xf32, #tpu.memory_space<vmem>>, vector<1x16xf32>,
        %parallel_loop3A_291 = vector.shape_cast %parallel_loop3A_290 : vector<1x16xf32> to vector<16xf32>
        %parallel_loop3A_292 = arith.constant 3 : i32
        %parallel_loop3A_293 = arith.index_cast %parallel_loop3A_292 : i32 to index
        %parallel_loop3A_294 = arith.index_cast %parallel_loop3A_200 : i32 to index
        %parallel_loop3A_295 = tpu.vector_load %arg20[%parallel_loop3A_293, %parallel_loop3A_294] {strides = array<i32>} : memref<8x2048xf32, #tpu.memory_space<vmem>>, vector<1x16xf32>,
        %parallel_loop3A_296 = vector.shape_cast %parallel_loop3A_295 : vector<1x16xf32> to vector<16xf32>
        %parallel_loop3A_297 = arith.addf %parallel_loop3A_291, %parallel_loop3A_296 : vector<16xf32>
        %parallel_loop3A_298 = arith.addf %parallel_loop3A_297, %parallel_loop3A_286 : vector<16xf32>
        %parallel_loop3A_299 = arith.constant 45.2548332 : f32
        %parallel_loop3A_300 = vector.broadcast %parallel_loop3A_299 : f32 to vector<16xf32>
        %parallel_loop3A_301 = arith.mulf %parallel_loop3A_298, %parallel_loop3A_300 : vector<16xf32>
        %parallel_loop3A_302 = arith.constant 3 : i32
        %parallel_loop3A_303 = arith.index_cast %parallel_loop3A_302 : i32 to index
        %parallel_loop3A_304 = arith.index_cast %parallel_loop3A_200 : i32 to index
        %parallel_loop3A_305 = tpu.vector_load %arg23[%parallel_loop3A_303, %parallel_loop3A_304] {strides = array<i32>} : memref<8x2048xf32, #tpu.memory_space<vmem>>, vector<1x16xf32>,
        %parallel_loop3A_306 = vector.shape_cast %parallel_loop3A_305 : vector<1x16xf32> to vector<16xf32>
        %parallel_loop3A_307 = vector.shape_cast %parallel_loop3A_301 : vector<16xf32> to vector<1x16xf32>
        tpu.vector_store %arg23[%parallel_loop3A_303, %parallel_loop3A_304], %parallel_loop3A_307 {strides = array<i32>} : memref<8x2048xf32, #tpu.memory_space<vmem>>, vector<1x16xf32>,
        %parallel_loop3A_308 = vector.broadcast %convert_element_type3A_95 : f32 to vector<16xf32>
        %parallel_loop3A_309 = arith.mulf %parallel_loop3A_308, %parallel_loop3A_211 : vector<16xf32>
        %parallel_loop3A_310 = arith.addf %parallel_loop3A_205, %parallel_loop3A_309 : vector<16xf32>
        %parallel_loop3A_311 = arith.constant 4 : i32
        %parallel_loop3A_312 = arith.index_cast %parallel_loop3A_311 : i32 to index
        %parallel_loop3A_313 = arith.index_cast %parallel_loop3A_200 : i32 to index
        %parallel_loop3A_314 = tpu.vector_load %arg19[%parallel_loop3A_312, %parallel_loop3A_313] {strides = array<i32>} : memref<8x2048xf32, #tpu.memory_space<vmem>>, vector<1x16xf32>,
        %parallel_loop3A_315 = vector.shape_cast %parallel_loop3A_314 : vector<1x16xf32> to vector<16xf32>
        %parallel_loop3A_316 = arith.constant 4 : i32
        %parallel_loop3A_317 = arith.index_cast %parallel_loop3A_316 : i32 to index
        %parallel_loop3A_318 = arith.index_cast %parallel_loop3A_200 : i32 to index
        %parallel_loop3A_319 = tpu.vector_load %arg20[%parallel_loop3A_317, %parallel_loop3A_318] {strides = array<i32>} : memref<8x2048xf32, #tpu.memory_space<vmem>>, vector<1x16xf32>,
        %parallel_loop3A_320 = vector.shape_cast %parallel_loop3A_319 : vector<1x16xf32> to vector<16xf32>
        %parallel_loop3A_321 = arith.addf %parallel_loop3A_315, %parallel_loop3A_320 : vector<16xf32>
        %parallel_loop3A_322 = arith.addf %parallel_loop3A_321, %parallel_loop3A_310 : vector<16xf32>
        %parallel_loop3A_323 = arith.constant 45.2548332 : f32
        %parallel_loop3A_324 = vector.broadcast %parallel_loop3A_323 : f32 to vector<16xf32>
        %parallel_loop3A_325 = arith.mulf %parallel_loop3A_322, %parallel_loop3A_324 : vector<16xf32>
        %parallel_loop3A_326 = arith.constant 4 : i32
        %parallel_loop3A_327 = arith.index_cast %parallel_loop3A_326 : i32 to index
        %parallel_loop3A_328 = arith.index_cast %parallel_loop3A_200 : i32 to index
        %parallel_loop3A_329 = tpu.vector_load %arg23[%parallel_loop3A_327, %parallel_loop3A_328] {strides = array<i32>} : memref<8x2048xf32, #tpu.memory_space<vmem>>, vector<1x16xf32>,
        %parallel_loop3A_330 = vector.shape_cast %parallel_loop3A_329 : vector<1x16xf32> to vector<16xf32>
        %parallel_loop3A_331 = vector.shape_cast %parallel_loop3A_325 : vector<16xf32> to vector<1x16xf32>
        tpu.vector_store %arg23[%parallel_loop3A_327, %parallel_loop3A_328], %parallel_loop3A_331 {strides = array<i32>} : memref<8x2048xf32, #tpu.memory_space<vmem>>, vector<1x16xf32>,
        %parallel_loop3A_332 = vector.broadcast %convert_element_type3A_98 : f32 to vector<16xf32>
        %parallel_loop3A_333 = arith.mulf %parallel_loop3A_332, %parallel_loop3A_211 : vector<16xf32>
        %parallel_loop3A_334 = arith.addf %parallel_loop3A_205, %parallel_loop3A_333 : vector<16xf32>
        %parallel_loop3A_335 = arith.constant 5 : i32
        %parallel_loop3A_336 = arith.index_cast %parallel_loop3A_335 : i32 to index
        %parallel_loop3A_337 = arith.index_cast %parallel_loop3A_200 : i32 to index
        %parallel_loop3A_338 = tpu.vector_load %arg19[%parallel_loop3A_336, %parallel_loop3A_337] {strides = array<i32>} : memref<8x2048xf32, #tpu.memory_space<vmem>>, vector<1x16xf32>,
        %parallel_loop3A_339 = vector.shape_cast %parallel_loop3A_338 : vector<1x16xf32> to vector<16xf32>
        %parallel_loop3A_340 = arith.constant 5 : i32
        %parallel_loop3A_341 = arith.index_cast %parallel_loop3A_340 : i32 to index
        %parallel_loop3A_342 = arith.index_cast %parallel_loop3A_200 : i32 to index
        %parallel_loop3A_343 = tpu.vector_load %arg20[%parallel_loop3A_341, %parallel_loop3A_342] {strides = array<i32>} : memref<8x2048xf32, #tpu.memory_space<vmem>>, vector<1x16xf32>,
        %parallel_loop3A_344 = vector.shape_cast %parallel_loop3A_343 : vector<1x16xf32> to vector<16xf32>
        %parallel_loop3A_345 = arith.addf %parallel_loop3A_339, %parallel_loop3A_344 : vector<16xf32>
        %parallel_loop3A_346 = arith.addf %parallel_loop3A_345, %parallel_loop3A_334 : vector<16xf32>
        %parallel_loop3A_347 = arith.constant 45.2548332 : f32
        %parallel_loop3A_348 = vector.broadcast %parallel_loop3A_347 : f32 to vector<16xf32>
        %parallel_loop3A_349 = arith.mulf %parallel_loop3A_346, %parallel_loop3A_348 : vector<16xf32>
        %parallel_loop3A_350 = arith.constant 5 : i32
        %parallel_loop3A_351 = arith.index_cast %parallel_loop3A_350 : i32 to index
        %parallel_loop3A_352 = arith.index_cast %parallel_loop3A_200 : i32 to index
        %parallel_loop3A_353 = tpu.vector_load %arg23[%parallel_loop3A_351, %parallel_loop3A_352] {strides = array<i32>} : memref<8x2048xf32, #tpu.memory_space<vmem>>, vector<1x16xf32>,
        %parallel_loop3A_354 = vector.shape_cast %parallel_loop3A_353 : vector<1x16xf32> to vector<16xf32>
        %parallel_loop3A_355 = vector.shape_cast %parallel_loop3A_349 : vector<16xf32> to vector<1x16xf32>
        tpu.vector_store %arg23[%parallel_loop3A_351, %parallel_loop3A_352], %parallel_loop3A_355 {strides = array<i32>} : memref<8x2048xf32, #tpu.memory_space<vmem>>, vector<1x16xf32>,
        %parallel_loop3A_356 = vector.broadcast %convert_element_type3A_101 : f32 to vector<16xf32>
        %parallel_loop3A_357 = arith.mulf %parallel_loop3A_356, %parallel_loop3A_211 : vector<16xf32>
        %parallel_loop3A_358 = arith.addf %parallel_loop3A_205, %parallel_loop3A_357 : vector<16xf32>
        %parallel_loop3A_359 = arith.constant 6 : i32
        %parallel_loop3A_360 = arith.index_cast %parallel_loop3A_359 : i32 to index
        %parallel_loop3A_361 = arith.index_cast %parallel_loop3A_200 : i32 to index
        %parallel_loop3A_362 = tpu.vector_load %arg19[%parallel_loop3A_360, %parallel_loop3A_361] {strides = array<i32>} : memref<8x2048xf32, #tpu.memory_space<vmem>>, vector<1x16xf32>,
        %parallel_loop3A_363 = vector.shape_cast %parallel_loop3A_362 : vector<1x16xf32> to vector<16xf32>
        %parallel_loop3A_364 = arith.constant 6 : i32
        %parallel_loop3A_365 = arith.index_cast %parallel_loop3A_364 : i32 to index
        %parallel_loop3A_366 = arith.index_cast %parallel_loop3A_200 : i32 to index
        %parallel_loop3A_367 = tpu.vector_load %arg20[%parallel_loop3A_365, %parallel_loop3A_366] {strides = array<i32>} : memref<8x2048xf32, #tpu.memory_space<vmem>>, vector<1x16xf32>,
        %parallel_loop3A_368 = vector.shape_cast %parallel_loop3A_367 : vector<1x16xf32> to vector<16xf32>
        %parallel_loop3A_369 = arith.addf %parallel_loop3A_363, %parallel_loop3A_368 : vector<16xf32>
        %parallel_loop3A_370 = arith.addf %parallel_loop3A_369, %parallel_loop3A_358 : vector<16xf32>
        %parallel_loop3A_371 = arith.constant 45.2548332 : f32
        %parallel_loop3A_372 = vector.broadcast %parallel_loop3A_371 : f32 to vector<16xf32>
        %parallel_loop3A_373 = arith.mulf %parallel_loop3A_370, %parallel_loop3A_372 : vector<16xf32>
        %parallel_loop3A_374 = arith.constant 6 : i32
        %parallel_loop3A_375 = arith.index_cast %parallel_loop3A_374 : i32 to index
        %parallel_loop3A_376 = arith.index_cast %parallel_loop3A_200 : i32 to index
        %parallel_loop3A_377 = tpu.vector_load %arg23[%parallel_loop3A_375, %parallel_loop3A_376] {strides = array<i32>} : memref<8x2048xf32, #tpu.memory_space<vmem>>, vector<1x16xf32>,
        %parallel_loop3A_378 = vector.shape_cast %parallel_loop3A_377 : vector<1x16xf32> to vector<16xf32>
        %parallel_loop3A_379 = vector.shape_cast %parallel_loop3A_373 : vector<16xf32> to vector<1x16xf32>
        tpu.vector_store %arg23[%parallel_loop3A_375, %parallel_loop3A_376], %parallel_loop3A_379 {strides = array<i32>} : memref<8x2048xf32, #tpu.memory_space<vmem>>, vector<1x16xf32>,
        %parallel_loop3A_380 = vector.broadcast %convert_element_type3A_104 : f32 to vector<16xf32>
        %parallel_loop3A_381 = arith.mulf %parallel_loop3A_380, %parallel_loop3A_211 : vector<16xf32>
        %parallel_loop3A_382 = arith.addf %parallel_loop3A_205, %parallel_loop3A_381 : vector<16xf32>
        %parallel_loop3A_383 = arith.constant 7 : i32
        %parallel_loop3A_384 = arith.index_cast %parallel_loop3A_383 : i32 to index
        %parallel_loop3A_385 = arith.index_cast %parallel_loop3A_200 : i32 to index
        %parallel_loop3A_386 = tpu.vector_load %arg19[%parallel_loop3A_384, %parallel_loop3A_385] {strides = array<i32>} : memref<8x2048xf32, #tpu.memory_space<vmem>>, vector<1x16xf32>,
        %parallel_loop3A_387 = vector.shape_cast %parallel_loop3A_386 : vector<1x16xf32> to vector<16xf32>
        %parallel_loop3A_388 = arith.constant 7 : i32
        %parallel_loop3A_389 = arith.index_cast %parallel_loop3A_388 : i32 to index
        %parallel_loop3A_390 = arith.index_cast %parallel_loop3A_200 : i32 to index
        %parallel_loop3A_391 = tpu.vector_load %arg20[%parallel_loop3A_389, %parallel_loop3A_390] {strides = array<i32>} : memref<8x2048xf32, #tpu.memory_space<vmem>>, vector<1x16xf32>,
        %parallel_loop3A_392 = vector.shape_cast %parallel_loop3A_391 : vector<1x16xf32> to vector<16xf32>
        %parallel_loop3A_393 = arith.addf %parallel_loop3A_387, %parallel_loop3A_392 : vector<16xf32>
        %parallel_loop3A_394 = arith.addf %parallel_loop3A_393, %parallel_loop3A_382 : vector<16xf32>
        %parallel_loop3A_395 = arith.constant 45.2548332 : f32
        %parallel_loop3A_396 = vector.broadcast %parallel_loop3A_395 : f32 to vector<16xf32>
        %parallel_loop3A_397 = arith.mulf %parallel_loop3A_394, %parallel_loop3A_396 : vector<16xf32>
        %parallel_loop3A_398 = arith.constant 7 : i32
        %parallel_loop3A_399 = arith.index_cast %parallel_loop3A_398 : i32 to index
        %parallel_loop3A_400 = arith.index_cast %parallel_loop3A_200 : i32 to index
        %parallel_loop3A_401 = tpu.vector_load %arg23[%parallel_loop3A_399, %parallel_loop3A_400] {strides = array<i32>} : memref<8x2048xf32, #tpu.memory_space<vmem>>, vector<1x16xf32>,
        %parallel_loop3A_402 = vector.shape_cast %parallel_loop3A_401 : vector<1x16xf32> to vector<16xf32>
        %parallel_loop3A_403 = vector.shape_cast %parallel_loop3A_397 : vector<16xf32> to vector<1x16xf32>
        tpu.vector_store %arg23[%parallel_loop3A_399, %parallel_loop3A_400], %parallel_loop3A_403 {strides = array<i32>} : memref<8x2048xf32, #tpu.memory_space<vmem>>, vector<1x16xf32>,
      } {sc.loop_unroll_factor = 2 : i64, sc.parallel_access}
      %mul3A_107 = arith.constant 8 : i32
      %mul3A_108 = arith.muli %add3A_66, %mul3A_107 : i32
      %add3A_109 = arith.addi %mul3A_2, %mul3A_108 : i32
      %multiple_of3A_110 = tpu.assume_multiple %add3A_109, 8 : i32
      %dma_start3A_111 = arith.constant 0 : i32
      %dma_start3A_112 = tpu.memref_slice %arg14[%multiple_of3A_110, %dma_start3A_111] : memref<8192x2048xf32, #tpu.memory_space<hbm>> -> memref<8x2048xf32, #tpu.memory_space<hbm>>
      %dma_start3A_113 = arith.constant 0 : i32
      %dma_start3A_114 = tpu.memref_slice %arg14[%multiple_of3A_110, %dma_start3A_113] : memref<8192x2048xf32, #tpu.memory_space<hbm>> -> memref<8x2048xf32, #tpu.memory_space<hbm>>
      tpu.enqueue_dma source(%arg23 : memref<8x2048xf32, #tpu.memory_space<vmem>>) target(%dma_start3A_114 : memref<8x2048xf32, #tpu.memory_space<hbm>>) target_semaphore(%arg29 : memref<!tpu.dma_semaphore, #tpu.memory_space<semaphore_mem>>)
      %add3A_115 = arith.constant 2 : i32
      %add3A_116 = arith.addi %add3A_66, %add3A_115 : i32
      %lt3A = arith.constant 32 : i32
      %lt3A_117 = arith.cmpi slt, %add3A_116, %lt3A : i32
      %convert_element_type3A_118 = arith.extui %lt3A_117 : i1 to i32
      %cond3A_119 = arith.constant 0 : i32
      %cond3A_120 = arith.cmpi ne, %convert_element_type3A_118, %cond3A_119 : i32
      scf.if %cond3A_120 {
        %add3A_199 = arith.constant 2 : i32
        %add3A_200 = arith.addi %add3A_68, %add3A_199 : i32
        %dma_start3A_201 = arith.constant 0 : i32
        %dma_start3A_202 = tpu.memref_slice %arg16[%add3A_200, %dma_start3A_201] : memref<64x8xi32, #tpu.memory_space<vmem>> -> memref<1x8xi32, #tpu.memory_space<vmem>>
        %dma_start3A_203 = tpu.memref_squeeze %dma_start3A_202 : memref<1x8xi32, #tpu.memory_space<vmem>> -> memref<8xi32, #tpu.memory_space<vmem>>
        %dma_start3A_204 = arith.constant 0 : i32
        %dma_start3A_205 = arith.constant 0 : i32
        %dma_start3A_206 = tpu.memref_slice %arg8[%dma_start3A_204, %dma_start3A_205] : memref<100000x2048xf32, #tpu.memory_space<hbm>> -> memref<100000x2048xf32, #tpu.memory_space<hbm>>
        tpu.enqueue_indirect_dma source(%dma_start3A_206 : memref<100000x2048xf32, #tpu.memory_space<hbm>>) target(%arg19 : memref<8x2048xf32, #tpu.memory_space<vmem>>) offsets(%dma_start3A_203 : memref<8xi32, #tpu.memory_space<vmem>>) semaphore(%arg27 : memref<!tpu.dma_semaphore, #tpu.memory_space<semaphore_mem>>)
        %dma_start3A_207 = arith.constant 0 : i32
        %dma_start3A_208 = tpu.memref_slice %arg17[%add3A_200, %dma_start3A_207] : memref<64x8xi32, #tpu.memory_space<vmem>> -> memref<1x8xi32, #tpu.memory_space<vmem>>
        %dma_start3A_209 = tpu.memref_squeeze %dma_start3A_208 : memref<1x8xi32, #tpu.memory_space<vmem>> -> memref<8xi32, #tpu.memory_space<vmem>>
        %dma_start3A_210 = arith.constant 0 : i32
        %dma_start3A_211 = arith.constant 0 : i32
        %dma_start3A_212 = tpu.memref_slice %arg9[%dma_start3A_210, %dma_start3A_211] : memref<2048x2048xf32, #tpu.memory_space<hbm>> -> memref<2048x2048xf32, #tpu.memory_space<hbm>>
        tpu.enqueue_indirect_dma source(%dma_start3A_212 : memref<2048x2048xf32, #tpu.memory_space<hbm>>) target(%arg20 : memref<8x2048xf32, #tpu.memory_space<vmem>>) offsets(%dma_start3A_209 : memref<8xi32, #tpu.memory_space<vmem>>) semaphore(%arg27 : memref<!tpu.dma_semaphore, #tpu.memory_space<semaphore_mem>>)
      } else {
      }
      %add3A_121 = arith.constant 2 : i32
      %add3A_122 = arith.addi %add3A_66, %add3A_121 : i32
      %ge3A = arith.constant 32 : i32
      %ge3A_123 = arith.cmpi sge, %add3A_122, %ge3A : i32
      %convert_element_type3A_124 = arith.extui %ge3A_123 : i1 to i32
      %cond3A_125 = arith.constant 0 : i32
      %cond3A_126 = arith.cmpi ne, %convert_element_type3A_124, %cond3A_125 : i32
      scf.if %cond3A_126 {
        %add3A_199 = arith.constant 2 : i32
        %add3A_200 = arith.addi %add3A_68, %add3A_199 : i32
        %dma_start3A_201 = arith.constant 0 : i32
        %dma_start3A_202 = tpu.memref_slice %arg16[%add3A_200, %dma_start3A_201] : memref<64x8xi32, #tpu.memory_space<vmem>> -> memref<1x8xi32, #tpu.memory_space<vmem>>
        %dma_start3A_203 = tpu.memref_squeeze %dma_start3A_202 : memref<1x8xi32, #tpu.memory_space<vmem>> -> memref<8xi32, #tpu.memory_space<vmem>>
        %dma_start3A_204 = arith.constant 0 : i32
        %dma_start3A_205 = arith.constant 0 : i32
        %dma_start3A_206 = tpu.memref_slice %arg11[%dma_start3A_204, %dma_start3A_205] : memref<100000x2048xf32, #tpu.memory_space<hbm>> -> memref<100000x2048xf32, #tpu.memory_space<hbm>>
        tpu.enqueue_indirect_dma source(%dma_start3A_206 : memref<100000x2048xf32, #tpu.memory_space<hbm>>) target(%arg19 : memref<8x2048xf32, #tpu.memory_space<vmem>>) offsets(%dma_start3A_203 : memref<8xi32, #tpu.memory_space<vmem>>) semaphore(%arg27 : memref<!tpu.dma_semaphore, #tpu.memory_space<semaphore_mem>>)
        %dma_start3A_207 = arith.constant 0 : i32
        %dma_start3A_208 = tpu.memref_slice %arg17[%add3A_200, %dma_start3A_207] : memref<64x8xi32, #tpu.memory_space<vmem>> -> memref<1x8xi32, #tpu.memory_space<vmem>>
        %dma_start3A_209 = tpu.memref_squeeze %dma_start3A_208 : memref<1x8xi32, #tpu.memory_space<vmem>> -> memref<8xi32, #tpu.memory_space<vmem>>
        %dma_start3A_210 = arith.constant 0 : i32
        %dma_start3A_211 = arith.constant 0 : i32
        %dma_start3A_212 = tpu.memref_slice %arg12[%dma_start3A_210, %dma_start3A_211] : memref<4096x2048xf32, #tpu.memory_space<hbm>> -> memref<4096x2048xf32, #tpu.memory_space<hbm>>
        tpu.enqueue_indirect_dma source(%dma_start3A_212 : memref<4096x2048xf32, #tpu.memory_space<hbm>>) target(%arg20 : memref<8x2048xf32, #tpu.memory_space<vmem>>) offsets(%dma_start3A_209 : memref<8xi32, #tpu.memory_space<vmem>>) semaphore(%arg27 : memref<!tpu.dma_semaphore, #tpu.memory_space<semaphore_mem>>)
      } else {
      }
      %mul3A_127 = arith.constant 2 : i32
      %mul3A_128 = arith.muli %mul3A_127, %scan3A_54 : i32
      %add3A_129 = arith.constant 1 : i32
      %add3A_130 = arith.addi %mul3A_128, %add3A_129 : i32
      %add3A_131 = arith.constant 0 : i32
      %add3A_132 = arith.addi %add3A_130, %add3A_131 : i32
      %gt3A_133 = arith.constant 0 : i32
      %gt3A_134 = arith.cmpi sgt, %scan3A_54, %gt3A_133 : i32
      %convert_element_type3A_135 = arith.extui %gt3A_134 : i1 to i32
      %cond3A_136 = arith.constant 0 : i32
      %cond3A_137 = arith.cmpi ne, %convert_element_type3A_135, %cond3A_136 : i32
      scf.if %cond3A_137 {
        %dma_wait3A_199 = arith.constant 0 : i32
        %dma_wait3A_200 = arith.constant 0 : i32
        %dma_wait3A_201 = tpu.memref_slice %arg14[%dma_wait3A_199, %dma_wait3A_200] : memref<8192x2048xf32, #tpu.memory_space<hbm>> -> memref<8x2048xf32, #tpu.memory_space<hbm>>
        %dma_wait3A_202 = arith.constant 0 : i32
        %dma_wait3A_203 = arith.constant 0 : i32
        %dma_wait3A_204 = tpu.memref_slice %arg14[%dma_wait3A_202, %dma_wait3A_203] : memref<8192x2048xf32, #tpu.memory_space<hbm>> -> memref<8x2048xf32, #tpu.memory_space<hbm>>
        tpu.wait_dma2 semaphore(%arg30 : memref<!tpu.dma_semaphore, #tpu.memory_space<semaphore_mem>>) src(%arg24 : memref<8x2048xf32, #tpu.memory_space<vmem>>) dst(%dma_wait3A_204 : memref<8x2048xf32, #tpu.memory_space<hbm>>)
      } else {
      }
      %dma_wait3A_138 = arith.constant 0 : i32
      %dma_wait3A_139 = tpu.memref_slice %arg16[%add3A_132, %dma_wait3A_138] : memref<64x8xi32, #tpu.memory_space<vmem>> -> memref<1x8xi32, #tpu.memory_space<vmem>>
      %dma_wait3A_140 = tpu.memref_squeeze %dma_wait3A_139 : memref<1x8xi32, #tpu.memory_space<vmem>> -> memref<8xi32, #tpu.memory_space<vmem>>
      %dma_wait3A_141 = arith.constant 0 : i32
      %dma_wait3A_142 = arith.constant 0 : i32
      %dma_wait3A_143 = tpu.memref_slice %arg8[%dma_wait3A_141, %dma_wait3A_142] : memref<100000x2048xf32, #tpu.memory_space<hbm>> -> memref<100000x2048xf32, #tpu.memory_space<hbm>>
      tpu.wait_indirect_dma semaphore(%arg28 : memref<!tpu.dma_semaphore, #tpu.memory_space<semaphore_mem>>) src(%dma_wait3A_143 : memref<100000x2048xf32, #tpu.memory_space<hbm>>) dst(%arg21 : memref<8x2048xf32, #tpu.memory_space<vmem>>)
      %dma_wait3A_144 = arith.constant 0 : i32
      %dma_wait3A_145 = tpu.memref_slice %arg17[%add3A_132, %dma_wait3A_144] : memref<64x8xi32, #tpu.memory_space<vmem>> -> memref<1x8xi32, #tpu.memory_space<vmem>>
      %dma_wait3A_146 = tpu.memref_squeeze %dma_wait3A_145 : memref<1x8xi32, #tpu.memory_space<vmem>> -> memref<8xi32, #tpu.memory_space<vmem>>
      %dma_wait3A_147 = arith.constant 0 : i32
      %dma_wait3A_148 = arith.constant 0 : i32
      %dma_wait3A_149 = tpu.memref_slice %arg9[%dma_wait3A_147, %dma_wait3A_148] : memref<2048x2048xf32, #tpu.memory_space<hbm>> -> memref<2048x2048xf32, #tpu.memory_space<hbm>>
      tpu.wait_indirect_dma semaphore(%arg28 : memref<!tpu.dma_semaphore, #tpu.memory_space<semaphore_mem>>) src(%dma_wait3A_149 : memref<2048x2048xf32, #tpu.memory_space<hbm>>) dst(%arg22 : memref<8x2048xf32, #tpu.memory_space<vmem>>)
      %slice3A_150 = vector.extract_strided_slice %get3A_62 {offsets = [8], sizes = [1], strides = [1]} : vector<16xi32> to vector<1xi32>
      %squeeze3A_151 = vector.extract %slice3A_150[0] : i32 from vector<1xi32>
      %convert_element_type3A_152 = arith.sitofp %squeeze3A_151 : i32 to f32
      %slice3A_153 = vector.extract_strided_slice %get3A_62 {offsets = [9], sizes = [1], strides = [1]} : vector<16xi32> to vector<1xi32>
      %squeeze3A_154 = vector.extract %slice3A_153[0] : i32 from vector<1xi32>
      %convert_element_type3A_155 = arith.sitofp %squeeze3A_154 : i32 to f32
      %slice3A_156 = vector.extract_strided_slice %get3A_62 {offsets = [10], sizes = [1], strides = [1]} : vector<16xi32> to vector<1xi32>
      %squeeze3A_157 = vector.extract %slice3A_156[0] : i32 from vector<1xi32>
      %convert_element_type3A_158 = arith.sitofp %squeeze3A_157 : i32 to f32
      %slice3A_159 = vector.extract_strided_slice %get3A_62 {offsets = [11], sizes = [1], strides = [1]} : vector<16xi32> to vector<1xi32>
      %squeeze3A_160 = vector.extract %slice3A_159[0] : i32 from vector<1xi32>
      %convert_element_type3A_161 = arith.sitofp %squeeze3A_160 : i32 to f32
      %slice3A_162 = vector.extract_strided_slice %get3A_62 {offsets = [12], sizes = [1], strides = [1]} : vector<16xi32> to vector<1xi32>
      %squeeze3A_163 = vector.extract %slice3A_162[0] : i32 from vector<1xi32>
      %convert_element_type3A_164 = arith.sitofp %squeeze3A_163 : i32 to f32
      %slice3A_165 = vector.extract_strided_slice %get3A_62 {offsets = [13], sizes = [1], strides = [1]} : vector<16xi32> to vector<1xi32>
      %squeeze3A_166 = vector.extract %slice3A_165[0] : i32 from vector<1xi32>
      %convert_element_type3A_167 = arith.sitofp %squeeze3A_166 : i32 to f32
      %slice3A_168 = vector.extract_strided_slice %get3A_62 {offsets = [14], sizes = [1], strides = [1]} : vector<16xi32> to vector<1xi32>
      %squeeze3A_169 = vector.extract %slice3A_168[0] : i32 from vector<1xi32>
      %convert_element_type3A_170 = arith.sitofp %squeeze3A_169 : i32 to f32
      %slice3A_171 = vector.extract_strided_slice %get3A_62 {offsets = [15], sizes = [1], strides = [1]} : vector<16xi32> to vector<1xi32>
      %squeeze3A_172 = vector.extract %slice3A_171[0] : i32 from vector<1xi32>
      %convert_element_type3A_173 = arith.sitofp %squeeze3A_172 : i32 to f32
      %parallel_loop3A_174 = arith.constant 0 : i32
      %parallel_loop3A_175 = arith.constant 2048 : i32
      %parallel_loop3A_176 = arith.constant 16 : i32
      scf.for %parallel_loop3A_199 = %parallel_loop3A_174 to %parallel_loop3A_175 step %parallel_loop3A_176  : i32 {
        %parallel_loop3A_200 = tpu.assume_multiple %parallel_loop3A_199, 16 : i32
        %parallel_loop3A_201 = arith.constant 0 : i32
        %parallel_loop3A_202 = arith.index_cast %parallel_loop3A_201 : i32 to index
        %parallel_loop3A_203 = arith.index_cast %parallel_loop3A_200 : i32 to index
        %parallel_loop3A_204 = tpu.vector_load %arg25[%parallel_loop3A_202, %parallel_loop3A_203] {strides = array<i32>} : memref<2x2048xf32, #tpu.memory_space<vmem>>, vector<1x16xf32>,
        %parallel_loop3A_205 = vector.shape_cast %parallel_loop3A_204 : vector<1x16xf32> to vector<16xf32>
        %parallel_loop3A_206 = arith.constant 1 : i32
        %parallel_loop3A_207 = arith.index_cast %parallel_loop3A_206 : i32 to index
        %parallel_loop3A_208 = arith.index_cast %parallel_loop3A_200 : i32 to index
        %parallel_loop3A_209 = tpu.vector_load %arg25[%parallel_loop3A_207, %parallel_loop3A_208] {strides = array<i32>} : memref<2x2048xf32, #tpu.memory_space<vmem>>, vector<1x16xf32>,
        %parallel_loop3A_210 = vector.shape_cast %parallel_loop3A_209 : vector<1x16xf32> to vector<16xf32>
        %parallel_loop3A_211 = arith.subf %parallel_loop3A_210, %parallel_loop3A_205 : vector<16xf32>
        %parallel_loop3A_212 = vector.broadcast %convert_element_type3A_152 : f32 to vector<16xf32>
        %parallel_loop3A_213 = arith.mulf %parallel_loop3A_212, %parallel_loop3A_211 : vector<16xf32>
        %parallel_loop3A_214 = arith.addf %parallel_loop3A_205, %parallel_loop3A_213 : vector<16xf32>
        %parallel_loop3A_215 = arith.constant 0 : i32
        %parallel_loop3A_216 = arith.index_cast %parallel_loop3A_215 : i32 to index
        %parallel_loop3A_217 = arith.index_cast %parallel_loop3A_200 : i32 to index
        %parallel_loop3A_218 = tpu.vector_load %arg21[%parallel_loop3A_216, %parallel_loop3A_217] {strides = array<i32>} : memref<8x2048xf32, #tpu.memory_space<vmem>>, vector<1x16xf32>,
        %parallel_loop3A_219 = vector.shape_cast %parallel_loop3A_218 : vector<1x16xf32> to vector<16xf32>
        %parallel_loop3A_220 = arith.constant 0 : i32
        %parallel_loop3A_221 = arith.index_cast %parallel_loop3A_220 : i32 to index
        %parallel_loop3A_222 = arith.index_cast %parallel_loop3A_200 : i32 to index
        %parallel_loop3A_223 = tpu.vector_load %arg22[%parallel_loop3A_221, %parallel_loop3A_222] {strides = array<i32>} : memref<8x2048xf32, #tpu.memory_space<vmem>>, vector<1x16xf32>,
        %parallel_loop3A_224 = vector.shape_cast %parallel_loop3A_223 : vector<1x16xf32> to vector<16xf32>
        %parallel_loop3A_225 = arith.addf %parallel_loop3A_219, %parallel_loop3A_224 : vector<16xf32>
        %parallel_loop3A_226 = arith.addf %parallel_loop3A_225, %parallel_loop3A_214 : vector<16xf32>
        %parallel_loop3A_227 = arith.constant 45.2548332 : f32
        %parallel_loop3A_228 = vector.broadcast %parallel_loop3A_227 : f32 to vector<16xf32>
        %parallel_loop3A_229 = arith.mulf %parallel_loop3A_226, %parallel_loop3A_228 : vector<16xf32>
        %parallel_loop3A_230 = arith.constant 0 : i32
        %parallel_loop3A_231 = arith.index_cast %parallel_loop3A_230 : i32 to index
        %parallel_loop3A_232 = arith.index_cast %parallel_loop3A_200 : i32 to index
        %parallel_loop3A_233 = tpu.vector_load %arg24[%parallel_loop3A_231, %parallel_loop3A_232] {strides = array<i32>} : memref<8x2048xf32, #tpu.memory_space<vmem>>, vector<1x16xf32>,
        %parallel_loop3A_234 = vector.shape_cast %parallel_loop3A_233 : vector<1x16xf32> to vector<16xf32>
        %parallel_loop3A_235 = vector.shape_cast %parallel_loop3A_229 : vector<16xf32> to vector<1x16xf32>
        tpu.vector_store %arg24[%parallel_loop3A_231, %parallel_loop3A_232], %parallel_loop3A_235 {strides = array<i32>} : memref<8x2048xf32, #tpu.memory_space<vmem>>, vector<1x16xf32>,
        %parallel_loop3A_236 = vector.broadcast %convert_element_type3A_155 : f32 to vector<16xf32>
        %parallel_loop3A_237 = arith.mulf %parallel_loop3A_236, %parallel_loop3A_211 : vector<16xf32>
        %parallel_loop3A_238 = arith.addf %parallel_loop3A_205, %parallel_loop3A_237 : vector<16xf32>
        %parallel_loop3A_239 = arith.constant 1 : i32
        %parallel_loop3A_240 = arith.index_cast %parallel_loop3A_239 : i32 to index
        %parallel_loop3A_241 = arith.index_cast %parallel_loop3A_200 : i32 to index
        %parallel_loop3A_242 = tpu.vector_load %arg21[%parallel_loop3A_240, %parallel_loop3A_241] {strides = array<i32>} : memref<8x2048xf32, #tpu.memory_space<vmem>>, vector<1x16xf32>,
        %parallel_loop3A_243 = vector.shape_cast %parallel_loop3A_242 : vector<1x16xf32> to vector<16xf32>
        %parallel_loop3A_244 = arith.constant 1 : i32
        %parallel_loop3A_245 = arith.index_cast %parallel_loop3A_244 : i32 to index
        %parallel_loop3A_246 = arith.index_cast %parallel_loop3A_200 : i32 to index
        %parallel_loop3A_247 = tpu.vector_load %arg22[%parallel_loop3A_245, %parallel_loop3A_246] {strides = array<i32>} : memref<8x2048xf32, #tpu.memory_space<vmem>>, vector<1x16xf32>,
        %parallel_loop3A_248 = vector.shape_cast %parallel_loop3A_247 : vector<1x16xf32> to vector<16xf32>
        %parallel_loop3A_249 = arith.addf %parallel_loop3A_243, %parallel_loop3A_248 : vector<16xf32>
        %parallel_loop3A_250 = arith.addf %parallel_loop3A_249, %parallel_loop3A_238 : vector<16xf32>
        %parallel_loop3A_251 = arith.constant 45.2548332 : f32
        %parallel_loop3A_252 = vector.broadcast %parallel_loop3A_251 : f32 to vector<16xf32>
        %parallel_loop3A_253 = arith.mulf %parallel_loop3A_250, %parallel_loop3A_252 : vector<16xf32>
        %parallel_loop3A_254 = arith.constant 1 : i32
        %parallel_loop3A_255 = arith.index_cast %parallel_loop3A_254 : i32 to index
        %parallel_loop3A_256 = arith.index_cast %parallel_loop3A_200 : i32 to index
        %parallel_loop3A_257 = tpu.vector_load %arg24[%parallel_loop3A_255, %parallel_loop3A_256] {strides = array<i32>} : memref<8x2048xf32, #tpu.memory_space<vmem>>, vector<1x16xf32>,
        %parallel_loop3A_258 = vector.shape_cast %parallel_loop3A_257 : vector<1x16xf32> to vector<16xf32>
        %parallel_loop3A_259 = vector.shape_cast %parallel_loop3A_253 : vector<16xf32> to vector<1x16xf32>
        tpu.vector_store %arg24[%parallel_loop3A_255, %parallel_loop3A_256], %parallel_loop3A_259 {strides = array<i32>} : memref<8x2048xf32, #tpu.memory_space<vmem>>, vector<1x16xf32>,
        %parallel_loop3A_260 = vector.broadcast %convert_element_type3A_158 : f32 to vector<16xf32>
        %parallel_loop3A_261 = arith.mulf %parallel_loop3A_260, %parallel_loop3A_211 : vector<16xf32>
        %parallel_loop3A_262 = arith.addf %parallel_loop3A_205, %parallel_loop3A_261 : vector<16xf32>
        %parallel_loop3A_263 = arith.constant 2 : i32
        %parallel_loop3A_264 = arith.index_cast %parallel_loop3A_263 : i32 to index
        %parallel_loop3A_265 = arith.index_cast %parallel_loop3A_200 : i32 to index
        %parallel_loop3A_266 = tpu.vector_load %arg21[%parallel_loop3A_264, %parallel_loop3A_265] {strides = array<i32>} : memref<8x2048xf32, #tpu.memory_space<vmem>>, vector<1x16xf32>,
        %parallel_loop3A_267 = vector.shape_cast %parallel_loop3A_266 : vector<1x16xf32> to vector<16xf32>
        %parallel_loop3A_268 = arith.constant 2 : i32
        %parallel_loop3A_269 = arith.index_cast %parallel_loop3A_268 : i32 to index
        %parallel_loop3A_270 = arith.index_cast %parallel_loop3A_200 : i32 to index
        %parallel_loop3A_271 = tpu.vector_load %arg22[%parallel_loop3A_269, %parallel_loop3A_270] {strides = array<i32>} : memref<8x2048xf32, #tpu.memory_space<vmem>>, vector<1x16xf32>,
        %parallel_loop3A_272 = vector.shape_cast %parallel_loop3A_271 : vector<1x16xf32> to vector<16xf32>
        %parallel_loop3A_273 = arith.addf %parallel_loop3A_267, %parallel_loop3A_272 : vector<16xf32>
        %parallel_loop3A_274 = arith.addf %parallel_loop3A_273, %parallel_loop3A_262 : vector<16xf32>
        %parallel_loop3A_275 = arith.constant 45.2548332 : f32
        %parallel_loop3A_276 = vector.broadcast %parallel_loop3A_275 : f32 to vector<16xf32>
        %parallel_loop3A_277 = arith.mulf %parallel_loop3A_274, %parallel_loop3A_276 : vector<16xf32>
        %parallel_loop3A_278 = arith.constant 2 : i32
        %parallel_loop3A_279 = arith.index_cast %parallel_loop3A_278 : i32 to index
        %parallel_loop3A_280 = arith.index_cast %parallel_loop3A_200 : i32 to index
        %parallel_loop3A_281 = tpu.vector_load %arg24[%parallel_loop3A_279, %parallel_loop3A_280] {strides = array<i32>} : memref<8x2048xf32, #tpu.memory_space<vmem>>, vector<1x16xf32>,
        %parallel_loop3A_282 = vector.shape_cast %parallel_loop3A_281 : vector<1x16xf32> to vector<16xf32>
        %parallel_loop3A_283 = vector.shape_cast %parallel_loop3A_277 : vector<16xf32> to vector<1x16xf32>
        tpu.vector_store %arg24[%parallel_loop3A_279, %parallel_loop3A_280], %parallel_loop3A_283 {strides = array<i32>} : memref<8x2048xf32, #tpu.memory_space<vmem>>, vector<1x16xf32>,
        %parallel_loop3A_284 = vector.broadcast %convert_element_type3A_161 : f32 to vector<16xf32>
        %parallel_loop3A_285 = arith.mulf %parallel_loop3A_284, %parallel_loop3A_211 : vector<16xf32>
        %parallel_loop3A_286 = arith.addf %parallel_loop3A_205, %parallel_loop3A_285 : vector<16xf32>
        %parallel_loop3A_287 = arith.constant 3 : i32
        %parallel_loop3A_288 = arith.index_cast %parallel_loop3A_287 : i32 to index
        %parallel_loop3A_289 = arith.index_cast %parallel_loop3A_200 : i32 to index
        %parallel_loop3A_290 = tpu.vector_load %arg21[%parallel_loop3A_288, %parallel_loop3A_289] {strides = array<i32>} : memref<8x2048xf32, #tpu.memory_space<vmem>>, vector<1x16xf32>,
        %parallel_loop3A_291 = vector.shape_cast %parallel_loop3A_290 : vector<1x16xf32> to vector<16xf32>
        %parallel_loop3A_292 = arith.constant 3 : i32
        %parallel_loop3A_293 = arith.index_cast %parallel_loop3A_292 : i32 to index
        %parallel_loop3A_294 = arith.index_cast %parallel_loop3A_200 : i32 to index
        %parallel_loop3A_295 = tpu.vector_load %arg22[%parallel_loop3A_293, %parallel_loop3A_294] {strides = array<i32>} : memref<8x2048xf32, #tpu.memory_space<vmem>>, vector<1x16xf32>,
        %parallel_loop3A_296 = vector.shape_cast %parallel_loop3A_295 : vector<1x16xf32> to vector<16xf32>
        %parallel_loop3A_297 = arith.addf %parallel_loop3A_291, %parallel_loop3A_296 : vector<16xf32>
        %parallel_loop3A_298 = arith.addf %parallel_loop3A_297, %parallel_loop3A_286 : vector<16xf32>
        %parallel_loop3A_299 = arith.constant 45.2548332 : f32
        %parallel_loop3A_300 = vector.broadcast %parallel_loop3A_299 : f32 to vector<16xf32>
        %parallel_loop3A_301 = arith.mulf %parallel_loop3A_298, %parallel_loop3A_300 : vector<16xf32>
        %parallel_loop3A_302 = arith.constant 3 : i32
        %parallel_loop3A_303 = arith.index_cast %parallel_loop3A_302 : i32 to index
        %parallel_loop3A_304 = arith.index_cast %parallel_loop3A_200 : i32 to index
        %parallel_loop3A_305 = tpu.vector_load %arg24[%parallel_loop3A_303, %parallel_loop3A_304] {strides = array<i32>} : memref<8x2048xf32, #tpu.memory_space<vmem>>, vector<1x16xf32>,
        %parallel_loop3A_306 = vector.shape_cast %parallel_loop3A_305 : vector<1x16xf32> to vector<16xf32>
        %parallel_loop3A_307 = vector.shape_cast %parallel_loop3A_301 : vector<16xf32> to vector<1x16xf32>
        tpu.vector_store %arg24[%parallel_loop3A_303, %parallel_loop3A_304], %parallel_loop3A_307 {strides = array<i32>} : memref<8x2048xf32, #tpu.memory_space<vmem>>, vector<1x16xf32>,
        %parallel_loop3A_308 = vector.broadcast %convert_element_type3A_164 : f32 to vector<16xf32>
        %parallel_loop3A_309 = arith.mulf %parallel_loop3A_308, %parallel_loop3A_211 : vector<16xf32>
        %parallel_loop3A_310 = arith.addf %parallel_loop3A_205, %parallel_loop3A_309 : vector<16xf32>
        %parallel_loop3A_311 = arith.constant 4 : i32
        %parallel_loop3A_312 = arith.index_cast %parallel_loop3A_311 : i32 to index
        %parallel_loop3A_313 = arith.index_cast %parallel_loop3A_200 : i32 to index
        %parallel_loop3A_314 = tpu.vector_load %arg21[%parallel_loop3A_312, %parallel_loop3A_313] {strides = array<i32>} : memref<8x2048xf32, #tpu.memory_space<vmem>>, vector<1x16xf32>,
        %parallel_loop3A_315 = vector.shape_cast %parallel_loop3A_314 : vector<1x16xf32> to vector<16xf32>
        %parallel_loop3A_316 = arith.constant 4 : i32
        %parallel_loop3A_317 = arith.index_cast %parallel_loop3A_316 : i32 to index
        %parallel_loop3A_318 = arith.index_cast %parallel_loop3A_200 : i32 to index
        %parallel_loop3A_319 = tpu.vector_load %arg22[%parallel_loop3A_317, %parallel_loop3A_318] {strides = array<i32>} : memref<8x2048xf32, #tpu.memory_space<vmem>>, vector<1x16xf32>,
        %parallel_loop3A_320 = vector.shape_cast %parallel_loop3A_319 : vector<1x16xf32> to vector<16xf32>
        %parallel_loop3A_321 = arith.addf %parallel_loop3A_315, %parallel_loop3A_320 : vector<16xf32>
        %parallel_loop3A_322 = arith.addf %parallel_loop3A_321, %parallel_loop3A_310 : vector<16xf32>
        %parallel_loop3A_323 = arith.constant 45.2548332 : f32
        %parallel_loop3A_324 = vector.broadcast %parallel_loop3A_323 : f32 to vector<16xf32>
        %parallel_loop3A_325 = arith.mulf %parallel_loop3A_322, %parallel_loop3A_324 : vector<16xf32>
        %parallel_loop3A_326 = arith.constant 4 : i32
        %parallel_loop3A_327 = arith.index_cast %parallel_loop3A_326 : i32 to index
        %parallel_loop3A_328 = arith.index_cast %parallel_loop3A_200 : i32 to index
        %parallel_loop3A_329 = tpu.vector_load %arg24[%parallel_loop3A_327, %parallel_loop3A_328] {strides = array<i32>} : memref<8x2048xf32, #tpu.memory_space<vmem>>, vector<1x16xf32>,
        %parallel_loop3A_330 = vector.shape_cast %parallel_loop3A_329 : vector<1x16xf32> to vector<16xf32>
        %parallel_loop3A_331 = vector.shape_cast %parallel_loop3A_325 : vector<16xf32> to vector<1x16xf32>
        tpu.vector_store %arg24[%parallel_loop3A_327, %parallel_loop3A_328], %parallel_loop3A_331 {strides = array<i32>} : memref<8x2048xf32, #tpu.memory_space<vmem>>, vector<1x16xf32>,
        %parallel_loop3A_332 = vector.broadcast %convert_element_type3A_167 : f32 to vector<16xf32>
        %parallel_loop3A_333 = arith.mulf %parallel_loop3A_332, %parallel_loop3A_211 : vector<16xf32>
        %parallel_loop3A_334 = arith.addf %parallel_loop3A_205, %parallel_loop3A_333 : vector<16xf32>
        %parallel_loop3A_335 = arith.constant 5 : i32
        %parallel_loop3A_336 = arith.index_cast %parallel_loop3A_335 : i32 to index
        %parallel_loop3A_337 = arith.index_cast %parallel_loop3A_200 : i32 to index
        %parallel_loop3A_338 = tpu.vector_load %arg21[%parallel_loop3A_336, %parallel_loop3A_337] {strides = array<i32>} : memref<8x2048xf32, #tpu.memory_space<vmem>>, vector<1x16xf32>,
        %parallel_loop3A_339 = vector.shape_cast %parallel_loop3A_338 : vector<1x16xf32> to vector<16xf32>
        %parallel_loop3A_340 = arith.constant 5 : i32
        %parallel_loop3A_341 = arith.index_cast %parallel_loop3A_340 : i32 to index
        %parallel_loop3A_342 = arith.index_cast %parallel_loop3A_200 : i32 to index
        %parallel_loop3A_343 = tpu.vector_load %arg22[%parallel_loop3A_341, %parallel_loop3A_342] {strides = array<i32>} : memref<8x2048xf32, #tpu.memory_space<vmem>>, vector<1x16xf32>,
        %parallel_loop3A_344 = vector.shape_cast %parallel_loop3A_343 : vector<1x16xf32> to vector<16xf32>
        %parallel_loop3A_345 = arith.addf %parallel_loop3A_339, %parallel_loop3A_344 : vector<16xf32>
        %parallel_loop3A_346 = arith.addf %parallel_loop3A_345, %parallel_loop3A_334 : vector<16xf32>
        %parallel_loop3A_347 = arith.constant 45.2548332 : f32
        %parallel_loop3A_348 = vector.broadcast %parallel_loop3A_347 : f32 to vector<16xf32>
        %parallel_loop3A_349 = arith.mulf %parallel_loop3A_346, %parallel_loop3A_348 : vector<16xf32>
        %parallel_loop3A_350 = arith.constant 5 : i32
        %parallel_loop3A_351 = arith.index_cast %parallel_loop3A_350 : i32 to index
        %parallel_loop3A_352 = arith.index_cast %parallel_loop3A_200 : i32 to index
        %parallel_loop3A_353 = tpu.vector_load %arg24[%parallel_loop3A_351, %parallel_loop3A_352] {strides = array<i32>} : memref<8x2048xf32, #tpu.memory_space<vmem>>, vector<1x16xf32>,
        %parallel_loop3A_354 = vector.shape_cast %parallel_loop3A_353 : vector<1x16xf32> to vector<16xf32>
        %parallel_loop3A_355 = vector.shape_cast %parallel_loop3A_349 : vector<16xf32> to vector<1x16xf32>
        tpu.vector_store %arg24[%parallel_loop3A_351, %parallel_loop3A_352], %parallel_loop3A_355 {strides = array<i32>} : memref<8x2048xf32, #tpu.memory_space<vmem>>, vector<1x16xf32>,
        %parallel_loop3A_356 = vector.broadcast %convert_element_type3A_170 : f32 to vector<16xf32>
        %parallel_loop3A_357 = arith.mulf %parallel_loop3A_356, %parallel_loop3A_211 : vector<16xf32>
        %parallel_loop3A_358 = arith.addf %parallel_loop3A_205, %parallel_loop3A_357 : vector<16xf32>
        %parallel_loop3A_359 = arith.constant 6 : i32
        %parallel_loop3A_360 = arith.index_cast %parallel_loop3A_359 : i32 to index
        %parallel_loop3A_361 = arith.index_cast %parallel_loop3A_200 : i32 to index
        %parallel_loop3A_362 = tpu.vector_load %arg21[%parallel_loop3A_360, %parallel_loop3A_361] {strides = array<i32>} : memref<8x2048xf32, #tpu.memory_space<vmem>>, vector<1x16xf32>,
        %parallel_loop3A_363 = vector.shape_cast %parallel_loop3A_362 : vector<1x16xf32> to vector<16xf32>
        %parallel_loop3A_364 = arith.constant 6 : i32
        %parallel_loop3A_365 = arith.index_cast %parallel_loop3A_364 : i32 to index
        %parallel_loop3A_366 = arith.index_cast %parallel_loop3A_200 : i32 to index
        %parallel_loop3A_367 = tpu.vector_load %arg22[%parallel_loop3A_365, %parallel_loop3A_366] {strides = array<i32>} : memref<8x2048xf32, #tpu.memory_space<vmem>>, vector<1x16xf32>,
        %parallel_loop3A_368 = vector.shape_cast %parallel_loop3A_367 : vector<1x16xf32> to vector<16xf32>
        %parallel_loop3A_369 = arith.addf %parallel_loop3A_363, %parallel_loop3A_368 : vector<16xf32>
        %parallel_loop3A_370 = arith.addf %parallel_loop3A_369, %parallel_loop3A_358 : vector<16xf32>
        %parallel_loop3A_371 = arith.constant 45.2548332 : f32
        %parallel_loop3A_372 = vector.broadcast %parallel_loop3A_371 : f32 to vector<16xf32>
        %parallel_loop3A_373 = arith.mulf %parallel_loop3A_370, %parallel_loop3A_372 : vector<16xf32>
        %parallel_loop3A_374 = arith.constant 6 : i32
        %parallel_loop3A_375 = arith.index_cast %parallel_loop3A_374 : i32 to index
        %parallel_loop3A_376 = arith.index_cast %parallel_loop3A_200 : i32 to index
        %parallel_loop3A_377 = tpu.vector_load %arg24[%parallel_loop3A_375, %parallel_loop3A_376] {strides = array<i32>} : memref<8x2048xf32, #tpu.memory_space<vmem>>, vector<1x16xf32>,
        %parallel_loop3A_378 = vector.shape_cast %parallel_loop3A_377 : vector<1x16xf32> to vector<16xf32>
        %parallel_loop3A_379 = vector.shape_cast %parallel_loop3A_373 : vector<16xf32> to vector<1x16xf32>
        tpu.vector_store %arg24[%parallel_loop3A_375, %parallel_loop3A_376], %parallel_loop3A_379 {strides = array<i32>} : memref<8x2048xf32, #tpu.memory_space<vmem>>, vector<1x16xf32>,
        %parallel_loop3A_380 = vector.broadcast %convert_element_type3A_173 : f32 to vector<16xf32>
        %parallel_loop3A_381 = arith.mulf %parallel_loop3A_380, %parallel_loop3A_211 : vector<16xf32>
        %parallel_loop3A_382 = arith.addf %parallel_loop3A_205, %parallel_loop3A_381 : vector<16xf32>
        %parallel_loop3A_383 = arith.constant 7 : i32
        %parallel_loop3A_384 = arith.index_cast %parallel_loop3A_383 : i32 to index
        %parallel_loop3A_385 = arith.index_cast %parallel_loop3A_200 : i32 to index
        %parallel_loop3A_386 = tpu.vector_load %arg21[%parallel_loop3A_384, %parallel_loop3A_385] {strides = array<i32>} : memref<8x2048xf32, #tpu.memory_space<vmem>>, vector<1x16xf32>,
        %parallel_loop3A_387 = vector.shape_cast %parallel_loop3A_386 : vector<1x16xf32> to vector<16xf32>
        %parallel_loop3A_388 = arith.constant 7 : i32
        %parallel_loop3A_389 = arith.index_cast %parallel_loop3A_388 : i32 to index
        %parallel_loop3A_390 = arith.index_cast %parallel_loop3A_200 : i32 to index
        %parallel_loop3A_391 = tpu.vector_load %arg22[%parallel_loop3A_389, %parallel_loop3A_390] {strides = array<i32>} : memref<8x2048xf32, #tpu.memory_space<vmem>>, vector<1x16xf32>,
        %parallel_loop3A_392 = vector.shape_cast %parallel_loop3A_391 : vector<1x16xf32> to vector<16xf32>
        %parallel_loop3A_393 = arith.addf %parallel_loop3A_387, %parallel_loop3A_392 : vector<16xf32>
        %parallel_loop3A_394 = arith.addf %parallel_loop3A_393, %parallel_loop3A_382 : vector<16xf32>
        %parallel_loop3A_395 = arith.constant 45.2548332 : f32
        %parallel_loop3A_396 = vector.broadcast %parallel_loop3A_395 : f32 to vector<16xf32>
        %parallel_loop3A_397 = arith.mulf %parallel_loop3A_394, %parallel_loop3A_396 : vector<16xf32>
        %parallel_loop3A_398 = arith.constant 7 : i32
        %parallel_loop3A_399 = arith.index_cast %parallel_loop3A_398 : i32 to index
        %parallel_loop3A_400 = arith.index_cast %parallel_loop3A_200 : i32 to index
        %parallel_loop3A_401 = tpu.vector_load %arg24[%parallel_loop3A_399, %parallel_loop3A_400] {strides = array<i32>} : memref<8x2048xf32, #tpu.memory_space<vmem>>, vector<1x16xf32>,
        %parallel_loop3A_402 = vector.shape_cast %parallel_loop3A_401 : vector<1x16xf32> to vector<16xf32>
        %parallel_loop3A_403 = vector.shape_cast %parallel_loop3A_397 : vector<16xf32> to vector<1x16xf32>
        tpu.vector_store %arg24[%parallel_loop3A_399, %parallel_loop3A_400], %parallel_loop3A_403 {strides = array<i32>} : memref<8x2048xf32, #tpu.memory_space<vmem>>, vector<1x16xf32>,
      } {sc.loop_unroll_factor = 2 : i64, sc.parallel_access}
      %mul3A_177 = arith.constant 8 : i32
      %mul3A_178 = arith.muli %add3A_130, %mul3A_177 : i32
      %add3A_179 = arith.addi %mul3A_2, %mul3A_178 : i32
      %multiple_of3A_180 = tpu.assume_multiple %add3A_179, 8 : i32
      %dma_start3A_181 = arith.constant 0 : i32
      %dma_start3A_182 = tpu.memref_slice %arg14[%multiple_of3A_180, %dma_start3A_181] : memref<8192x2048xf32, #tpu.memory_space<hbm>> -> memref<8x2048xf32, #tpu.memory_space<hbm>>
      %dma_start3A_183 = arith.constant 0 : i32
      %dma_start3A_184 = tpu.memref_slice %arg14[%multiple_of3A_180, %dma_start3A_183] : memref<8192x2048xf32, #tpu.memory_space<hbm>> -> memref<8x2048xf32, #tpu.memory_space<hbm>>
      tpu.enqueue_dma source(%arg24 : memref<8x2048xf32, #tpu.memory_space<vmem>>) target(%dma_start3A_184 : memref<8x2048xf32, #tpu.memory_space<hbm>>) target_semaphore(%arg30 : memref<!tpu.dma_semaphore, #tpu.memory_space<semaphore_mem>>)
      %add3A_185 = arith.constant 2 : i32
      %add3A_186 = arith.addi %add3A_130, %add3A_185 : i32
      %lt3A_187 = arith.constant 32 : i32
      %lt3A_188 = arith.cmpi slt, %add3A_186, %lt3A_187 : i32
      %convert_element_type3A_189 = arith.extui %lt3A_188 : i1 to i32
      %cond3A_190 = arith.constant 0 : i32
      %cond3A_191 = arith.cmpi ne, %convert_element_type3A_189, %cond3A_190 : i32
      scf.if %cond3A_191 {
        %add3A_199 = arith.constant 2 : i32
        %add3A_200 = arith.addi %add3A_132, %add3A_199 : i32
        %dma_start3A_201 = arith.constant 0 : i32
        %dma_start3A_202 = tpu.memref_slice %arg16[%add3A_200, %dma_start3A_201] : memref<64x8xi32, #tpu.memory_space<vmem>> -> memref<1x8xi32, #tpu.memory_space<vmem>>
        %dma_start3A_203 = tpu.memref_squeeze %dma_start3A_202 : memref<1x8xi32, #tpu.memory_space<vmem>> -> memref<8xi32, #tpu.memory_space<vmem>>
        %dma_start3A_204 = arith.constant 0 : i32
        %dma_start3A_205 = arith.constant 0 : i32
        %dma_start3A_206 = tpu.memref_slice %arg8[%dma_start3A_204, %dma_start3A_205] : memref<100000x2048xf32, #tpu.memory_space<hbm>> -> memref<100000x2048xf32, #tpu.memory_space<hbm>>
        tpu.enqueue_indirect_dma source(%dma_start3A_206 : memref<100000x2048xf32, #tpu.memory_space<hbm>>) target(%arg21 : memref<8x2048xf32, #tpu.memory_space<vmem>>) offsets(%dma_start3A_203 : memref<8xi32, #tpu.memory_space<vmem>>) semaphore(%arg28 : memref<!tpu.dma_semaphore, #tpu.memory_space<semaphore_mem>>)
        %dma_start3A_207 = arith.constant 0 : i32
        %dma_start3A_208 = tpu.memref_slice %arg17[%add3A_200, %dma_start3A_207] : memref<64x8xi32, #tpu.memory_space<vmem>> -> memref<1x8xi32, #tpu.memory_space<vmem>>
        %dma_start3A_209 = tpu.memref_squeeze %dma_start3A_208 : memref<1x8xi32, #tpu.memory_space<vmem>> -> memref<8xi32, #tpu.memory_space<vmem>>
        %dma_start3A_210 = arith.constant 0 : i32
        %dma_start3A_211 = arith.constant 0 : i32
        %dma_start3A_212 = tpu.memref_slice %arg9[%dma_start3A_210, %dma_start3A_211] : memref<2048x2048xf32, #tpu.memory_space<hbm>> -> memref<2048x2048xf32, #tpu.memory_space<hbm>>
        tpu.enqueue_indirect_dma source(%dma_start3A_212 : memref<2048x2048xf32, #tpu.memory_space<hbm>>) target(%arg22 : memref<8x2048xf32, #tpu.memory_space<vmem>>) offsets(%dma_start3A_209 : memref<8xi32, #tpu.memory_space<vmem>>) semaphore(%arg28 : memref<!tpu.dma_semaphore, #tpu.memory_space<semaphore_mem>>)
      } else {
      }
      %add3A_192 = arith.constant 2 : i32
      %add3A_193 = arith.addi %add3A_130, %add3A_192 : i32
      %ge3A_194 = arith.constant 32 : i32
      %ge3A_195 = arith.cmpi sge, %add3A_193, %ge3A_194 : i32
      %convert_element_type3A_196 = arith.extui %ge3A_195 : i1 to i32
      %cond3A_197 = arith.constant 0 : i32
      %cond3A_198 = arith.cmpi ne, %convert_element_type3A_196, %cond3A_197 : i32
      scf.if %cond3A_198 {
        %add3A_199 = arith.constant 2 : i32
        %add3A_200 = arith.addi %add3A_132, %add3A_199 : i32
        %dma_start3A_201 = arith.constant 0 : i32
        %dma_start3A_202 = tpu.memref_slice %arg16[%add3A_200, %dma_start3A_201] : memref<64x8xi32, #tpu.memory_space<vmem>> -> memref<1x8xi32, #tpu.memory_space<vmem>>
        %dma_start3A_203 = tpu.memref_squeeze %dma_start3A_202 : memref<1x8xi32, #tpu.memory_space<vmem>> -> memref<8xi32, #tpu.memory_space<vmem>>
        %dma_start3A_204 = arith.constant 0 : i32
        %dma_start3A_205 = arith.constant 0 : i32
        %dma_start3A_206 = tpu.memref_slice %arg11[%dma_start3A_204, %dma_start3A_205] : memref<100000x2048xf32, #tpu.memory_space<hbm>> -> memref<100000x2048xf32, #tpu.memory_space<hbm>>
        tpu.enqueue_indirect_dma source(%dma_start3A_206 : memref<100000x2048xf32, #tpu.memory_space<hbm>>) target(%arg21 : memref<8x2048xf32, #tpu.memory_space<vmem>>) offsets(%dma_start3A_203 : memref<8xi32, #tpu.memory_space<vmem>>) semaphore(%arg28 : memref<!tpu.dma_semaphore, #tpu.memory_space<semaphore_mem>>)
        %dma_start3A_207 = arith.constant 0 : i32
        %dma_start3A_208 = tpu.memref_slice %arg17[%add3A_200, %dma_start3A_207] : memref<64x8xi32, #tpu.memory_space<vmem>> -> memref<1x8xi32, #tpu.memory_space<vmem>>
        %dma_start3A_209 = tpu.memref_squeeze %dma_start3A_208 : memref<1x8xi32, #tpu.memory_space<vmem>> -> memref<8xi32, #tpu.memory_space<vmem>>
        %dma_start3A_210 = arith.constant 0 : i32
        %dma_start3A_211 = arith.constant 0 : i32
        %dma_start3A_212 = tpu.memref_slice %arg12[%dma_start3A_210, %dma_start3A_211] : memref<4096x2048xf32, #tpu.memory_space<hbm>> -> memref<4096x2048xf32, #tpu.memory_space<hbm>>
        tpu.enqueue_indirect_dma source(%dma_start3A_212 : memref<4096x2048xf32, #tpu.memory_space<hbm>>) target(%arg22 : memref<8x2048xf32, #tpu.memory_space<vmem>>) offsets(%dma_start3A_209 : memref<8xi32, #tpu.memory_space<vmem>>) semaphore(%arg28 : memref<!tpu.dma_semaphore, #tpu.memory_space<semaphore_mem>>)
      } else {
      }
    }
    %scan3A_36 = arith.constant 16 : i32
    %scan3A_37 = arith.constant 0 : i32
    %scan3A_38 = arith.constant 0 : i32
    %scan3A_39 = arith.constant 16 : i32
    %scan3A_40 = arith.addi %scan3A_38, %scan3A_39 : i32
    %scan3A_41 = arith.constant 1 : i32
    scf.for %scan3A_54 = %scan3A_38 to %scan3A_40 step %scan3A_41  : i32 {
      %mul3A_55 = arith.constant 2 : i32
      %mul3A_56 = arith.muli %scan3A_54, %mul3A_55 : i32
      %mul3A_57 = arith.constant 8 : i32
      %mul3A_58 = arith.muli %mul3A_56, %mul3A_57 : i32
      %add3A_59 = arith.constant 256 : i32
      %add3A_60 = arith.addi %add3A_59, %mul3A_58 : i32
      %multiple_of3A = tpu.assume_multiple %add3A_60, 16 : i32
      %get3A = arith.index_cast %multiple_of3A : i32 to index
      %get3A_61 = tpu.vector_load %arg18[%get3A] {strides = array<i32>} : memref<512xi32, #tpu.memory_space<vmem>>, vector<16xi32>,
      %get3A_62 = vector.shape_cast %get3A_61 : vector<16xi32> to vector<16xi32>
      %mul3A_63 = arith.constant 2 : i32
      %mul3A_64 = arith.muli %mul3A_63, %scan3A_54 : i32
      %add3A_65 = arith.constant 0 : i32
      %add3A_66 = arith.addi %mul3A_64, %add3A_65 : i32
      %add3A_67 = arith.constant 32 : i32
      %add3A_68 = arith.addi %add3A_66, %add3A_67 : i32
      %dma_wait3A_69 = arith.constant 0 : i32
      %dma_wait3A_70 = arith.constant 0 : i32
      %dma_wait3A_71 = tpu.memref_slice %arg15[%dma_wait3A_69, %dma_wait3A_70] : memref<8192x2048xf32, #tpu.memory_space<hbm>> -> memref<8x2048xf32, #tpu.memory_space<hbm>>
      %dma_wait3A_72 = arith.constant 0 : i32
      %dma_wait3A_73 = arith.constant 0 : i32
      %dma_wait3A_74 = tpu.memref_slice %arg15[%dma_wait3A_72, %dma_wait3A_73] : memref<8192x2048xf32, #tpu.memory_space<hbm>> -> memref<8x2048xf32, #tpu.memory_space<hbm>>
      tpu.wait_dma2 semaphore(%arg29 : memref<!tpu.dma_semaphore, #tpu.memory_space<semaphore_mem>>) src(%arg23 : memref<8x2048xf32, #tpu.memory_space<vmem>>) dst(%dma_wait3A_74 : memref<8x2048xf32, #tpu.memory_space<hbm>>)
      %dma_wait3A_75 = arith.constant 0 : i32
      %dma_wait3A_76 = tpu.memref_slice %arg16[%add3A_68, %dma_wait3A_75] : memref<64x8xi32, #tpu.memory_space<vmem>> -> memref<1x8xi32, #tpu.memory_space<vmem>>
      %dma_wait3A_77 = tpu.memref_squeeze %dma_wait3A_76 : memref<1x8xi32, #tpu.memory_space<vmem>> -> memref<8xi32, #tpu.memory_space<vmem>>
      %dma_wait3A_78 = arith.constant 0 : i32
      %dma_wait3A_79 = arith.constant 0 : i32
      %dma_wait3A_80 = tpu.memref_slice %arg11[%dma_wait3A_78, %dma_wait3A_79] : memref<100000x2048xf32, #tpu.memory_space<hbm>> -> memref<100000x2048xf32, #tpu.memory_space<hbm>>
      tpu.wait_indirect_dma semaphore(%arg27 : memref<!tpu.dma_semaphore, #tpu.memory_space<semaphore_mem>>) src(%dma_wait3A_80 : memref<100000x2048xf32, #tpu.memory_space<hbm>>) dst(%arg19 : memref<8x2048xf32, #tpu.memory_space<vmem>>)
      %dma_wait3A_81 = arith.constant 0 : i32
      %dma_wait3A_82 = tpu.memref_slice %arg17[%add3A_68, %dma_wait3A_81] : memref<64x8xi32, #tpu.memory_space<vmem>> -> memref<1x8xi32, #tpu.memory_space<vmem>>
      %dma_wait3A_83 = tpu.memref_squeeze %dma_wait3A_82 : memref<1x8xi32, #tpu.memory_space<vmem>> -> memref<8xi32, #tpu.memory_space<vmem>>
      %dma_wait3A_84 = arith.constant 0 : i32
      %dma_wait3A_85 = arith.constant 0 : i32
      %dma_wait3A_86 = tpu.memref_slice %arg12[%dma_wait3A_84, %dma_wait3A_85] : memref<4096x2048xf32, #tpu.memory_space<hbm>> -> memref<4096x2048xf32, #tpu.memory_space<hbm>>
      tpu.wait_indirect_dma semaphore(%arg27 : memref<!tpu.dma_semaphore, #tpu.memory_space<semaphore_mem>>) src(%dma_wait3A_86 : memref<4096x2048xf32, #tpu.memory_space<hbm>>) dst(%arg20 : memref<8x2048xf32, #tpu.memory_space<vmem>>)
      %slice3A = vector.extract_strided_slice %get3A_62 {offsets = [0], sizes = [1], strides = [1]} : vector<16xi32> to vector<1xi32>
      %squeeze3A = vector.extract %slice3A[0] : i32 from vector<1xi32>
      %convert_element_type3A = arith.sitofp %squeeze3A : i32 to f32
      %slice3A_87 = vector.extract_strided_slice %get3A_62 {offsets = [1], sizes = [1], strides = [1]} : vector<16xi32> to vector<1xi32>
      %squeeze3A_88 = vector.extract %slice3A_87[0] : i32 from vector<1xi32>
      %convert_element_type3A_89 = arith.sitofp %squeeze3A_88 : i32 to f32
      %slice3A_90 = vector.extract_strided_slice %get3A_62 {offsets = [2], sizes = [1], strides = [1]} : vector<16xi32> to vector<1xi32>
      %squeeze3A_91 = vector.extract %slice3A_90[0] : i32 from vector<1xi32>
      %convert_element_type3A_92 = arith.sitofp %squeeze3A_91 : i32 to f32
      %slice3A_93 = vector.extract_strided_slice %get3A_62 {offsets = [3], sizes = [1], strides = [1]} : vector<16xi32> to vector<1xi32>
      %squeeze3A_94 = vector.extract %slice3A_93[0] : i32 from vector<1xi32>
      %convert_element_type3A_95 = arith.sitofp %squeeze3A_94 : i32 to f32
      %slice3A_96 = vector.extract_strided_slice %get3A_62 {offsets = [4], sizes = [1], strides = [1]} : vector<16xi32> to vector<1xi32>
      %squeeze3A_97 = vector.extract %slice3A_96[0] : i32 from vector<1xi32>
      %convert_element_type3A_98 = arith.sitofp %squeeze3A_97 : i32 to f32
      %slice3A_99 = vector.extract_strided_slice %get3A_62 {offsets = [5], sizes = [1], strides = [1]} : vector<16xi32> to vector<1xi32>
      %squeeze3A_100 = vector.extract %slice3A_99[0] : i32 from vector<1xi32>
      %convert_element_type3A_101 = arith.sitofp %squeeze3A_100 : i32 to f32
      %slice3A_102 = vector.extract_strided_slice %get3A_62 {offsets = [6], sizes = [1], strides = [1]} : vector<16xi32> to vector<1xi32>
      %squeeze3A_103 = vector.extract %slice3A_102[0] : i32 from vector<1xi32>
      %convert_element_type3A_104 = arith.sitofp %squeeze3A_103 : i32 to f32
      %slice3A_105 = vector.extract_strided_slice %get3A_62 {offsets = [7], sizes = [1], strides = [1]} : vector<16xi32> to vector<1xi32>
      %squeeze3A_106 = vector.extract %slice3A_105[0] : i32 from vector<1xi32>
      %convert_element_type3A_107 = arith.sitofp %squeeze3A_106 : i32 to f32
      %parallel_loop3A = arith.constant 0 : i32
      %parallel_loop3A_108 = arith.constant 2048 : i32
      %parallel_loop3A_109 = arith.constant 16 : i32
      scf.for %parallel_loop3A_189 = %parallel_loop3A to %parallel_loop3A_108 step %parallel_loop3A_109  : i32 {
        %parallel_loop3A_190 = tpu.assume_multiple %parallel_loop3A_189, 16 : i32
        %parallel_loop3A_191 = arith.constant 0 : i32
        %parallel_loop3A_192 = arith.index_cast %parallel_loop3A_191 : i32 to index
        %parallel_loop3A_193 = arith.index_cast %parallel_loop3A_190 : i32 to index
        %parallel_loop3A_194 = tpu.vector_load %arg26[%parallel_loop3A_192, %parallel_loop3A_193] {strides = array<i32>} : memref<2x2048xf32, #tpu.memory_space<vmem>>, vector<1x16xf32>,
        %parallel_loop3A_195 = vector.shape_cast %parallel_loop3A_194 : vector<1x16xf32> to vector<16xf32>
        %parallel_loop3A_196 = arith.constant 1 : i32
        %parallel_loop3A_197 = arith.index_cast %parallel_loop3A_196 : i32 to index
        %parallel_loop3A_198 = arith.index_cast %parallel_loop3A_190 : i32 to index
        %parallel_loop3A_199 = tpu.vector_load %arg26[%parallel_loop3A_197, %parallel_loop3A_198] {strides = array<i32>} : memref<2x2048xf32, #tpu.memory_space<vmem>>, vector<1x16xf32>,
        %parallel_loop3A_200 = vector.shape_cast %parallel_loop3A_199 : vector<1x16xf32> to vector<16xf32>
        %parallel_loop3A_201 = arith.subf %parallel_loop3A_200, %parallel_loop3A_195 : vector<16xf32>
        %parallel_loop3A_202 = vector.broadcast %convert_element_type3A : f32 to vector<16xf32>
        %parallel_loop3A_203 = arith.mulf %parallel_loop3A_202, %parallel_loop3A_201 : vector<16xf32>
        %parallel_loop3A_204 = arith.addf %parallel_loop3A_195, %parallel_loop3A_203 : vector<16xf32>
        %parallel_loop3A_205 = arith.constant 0 : i32
        %parallel_loop3A_206 = arith.index_cast %parallel_loop3A_205 : i32 to index
        %parallel_loop3A_207 = arith.index_cast %parallel_loop3A_190 : i32 to index
        %parallel_loop3A_208 = tpu.vector_load %arg19[%parallel_loop3A_206, %parallel_loop3A_207] {strides = array<i32>} : memref<8x2048xf32, #tpu.memory_space<vmem>>, vector<1x16xf32>,
        %parallel_loop3A_209 = vector.shape_cast %parallel_loop3A_208 : vector<1x16xf32> to vector<16xf32>
        %parallel_loop3A_210 = arith.constant 0 : i32
        %parallel_loop3A_211 = arith.index_cast %parallel_loop3A_210 : i32 to index
        %parallel_loop3A_212 = arith.index_cast %parallel_loop3A_190 : i32 to index
        %parallel_loop3A_213 = tpu.vector_load %arg20[%parallel_loop3A_211, %parallel_loop3A_212] {strides = array<i32>} : memref<8x2048xf32, #tpu.memory_space<vmem>>, vector<1x16xf32>,
        %parallel_loop3A_214 = vector.shape_cast %parallel_loop3A_213 : vector<1x16xf32> to vector<16xf32>
        %parallel_loop3A_215 = arith.addf %parallel_loop3A_209, %parallel_loop3A_214 : vector<16xf32>
        %parallel_loop3A_216 = arith.addf %parallel_loop3A_215, %parallel_loop3A_204 : vector<16xf32>
        %parallel_loop3A_217 = arith.constant 45.2548332 : f32
        %parallel_loop3A_218 = vector.broadcast %parallel_loop3A_217 : f32 to vector<16xf32>
        %parallel_loop3A_219 = arith.mulf %parallel_loop3A_216, %parallel_loop3A_218 : vector<16xf32>
        %parallel_loop3A_220 = arith.constant 0 : i32
        %parallel_loop3A_221 = arith.index_cast %parallel_loop3A_220 : i32 to index
        %parallel_loop3A_222 = arith.index_cast %parallel_loop3A_190 : i32 to index
        %parallel_loop3A_223 = tpu.vector_load %arg23[%parallel_loop3A_221, %parallel_loop3A_222] {strides = array<i32>} : memref<8x2048xf32, #tpu.memory_space<vmem>>, vector<1x16xf32>,
        %parallel_loop3A_224 = vector.shape_cast %parallel_loop3A_223 : vector<1x16xf32> to vector<16xf32>
        %parallel_loop3A_225 = vector.shape_cast %parallel_loop3A_219 : vector<16xf32> to vector<1x16xf32>
        tpu.vector_store %arg23[%parallel_loop3A_221, %parallel_loop3A_222], %parallel_loop3A_225 {strides = array<i32>} : memref<8x2048xf32, #tpu.memory_space<vmem>>, vector<1x16xf32>,
        %parallel_loop3A_226 = vector.broadcast %convert_element_type3A_89 : f32 to vector<16xf32>
        %parallel_loop3A_227 = arith.mulf %parallel_loop3A_226, %parallel_loop3A_201 : vector<16xf32>
        %parallel_loop3A_228 = arith.addf %parallel_loop3A_195, %parallel_loop3A_227 : vector<16xf32>
        %parallel_loop3A_229 = arith.constant 1 : i32
        %parallel_loop3A_230 = arith.index_cast %parallel_loop3A_229 : i32 to index
        %parallel_loop3A_231 = arith.index_cast %parallel_loop3A_190 : i32 to index
        %parallel_loop3A_232 = tpu.vector_load %arg19[%parallel_loop3A_230, %parallel_loop3A_231] {strides = array<i32>} : memref<8x2048xf32, #tpu.memory_space<vmem>>, vector<1x16xf32>,
        %parallel_loop3A_233 = vector.shape_cast %parallel_loop3A_232 : vector<1x16xf32> to vector<16xf32>
        %parallel_loop3A_234 = arith.constant 1 : i32
        %parallel_loop3A_235 = arith.index_cast %parallel_loop3A_234 : i32 to index
        %parallel_loop3A_236 = arith.index_cast %parallel_loop3A_190 : i32 to index
        %parallel_loop3A_237 = tpu.vector_load %arg20[%parallel_loop3A_235, %parallel_loop3A_236] {strides = array<i32>} : memref<8x2048xf32, #tpu.memory_space<vmem>>, vector<1x16xf32>,
        %parallel_loop3A_238 = vector.shape_cast %parallel_loop3A_237 : vector<1x16xf32> to vector<16xf32>
        %parallel_loop3A_239 = arith.addf %parallel_loop3A_233, %parallel_loop3A_238 : vector<16xf32>
        %parallel_loop3A_240 = arith.addf %parallel_loop3A_239, %parallel_loop3A_228 : vector<16xf32>
        %parallel_loop3A_241 = arith.constant 45.2548332 : f32
        %parallel_loop3A_242 = vector.broadcast %parallel_loop3A_241 : f32 to vector<16xf32>
        %parallel_loop3A_243 = arith.mulf %parallel_loop3A_240, %parallel_loop3A_242 : vector<16xf32>
        %parallel_loop3A_244 = arith.constant 1 : i32
        %parallel_loop3A_245 = arith.index_cast %parallel_loop3A_244 : i32 to index
        %parallel_loop3A_246 = arith.index_cast %parallel_loop3A_190 : i32 to index
        %parallel_loop3A_247 = tpu.vector_load %arg23[%parallel_loop3A_245, %parallel_loop3A_246] {strides = array<i32>} : memref<8x2048xf32, #tpu.memory_space<vmem>>, vector<1x16xf32>,
        %parallel_loop3A_248 = vector.shape_cast %parallel_loop3A_247 : vector<1x16xf32> to vector<16xf32>
        %parallel_loop3A_249 = vector.shape_cast %parallel_loop3A_243 : vector<16xf32> to vector<1x16xf32>
        tpu.vector_store %arg23[%parallel_loop3A_245, %parallel_loop3A_246], %parallel_loop3A_249 {strides = array<i32>} : memref<8x2048xf32, #tpu.memory_space<vmem>>, vector<1x16xf32>,
        %parallel_loop3A_250 = vector.broadcast %convert_element_type3A_92 : f32 to vector<16xf32>
        %parallel_loop3A_251 = arith.mulf %parallel_loop3A_250, %parallel_loop3A_201 : vector<16xf32>
        %parallel_loop3A_252 = arith.addf %parallel_loop3A_195, %parallel_loop3A_251 : vector<16xf32>
        %parallel_loop3A_253 = arith.constant 2 : i32
        %parallel_loop3A_254 = arith.index_cast %parallel_loop3A_253 : i32 to index
        %parallel_loop3A_255 = arith.index_cast %parallel_loop3A_190 : i32 to index
        %parallel_loop3A_256 = tpu.vector_load %arg19[%parallel_loop3A_254, %parallel_loop3A_255] {strides = array<i32>} : memref<8x2048xf32, #tpu.memory_space<vmem>>, vector<1x16xf32>,
        %parallel_loop3A_257 = vector.shape_cast %parallel_loop3A_256 : vector<1x16xf32> to vector<16xf32>
        %parallel_loop3A_258 = arith.constant 2 : i32
        %parallel_loop3A_259 = arith.index_cast %parallel_loop3A_258 : i32 to index
        %parallel_loop3A_260 = arith.index_cast %parallel_loop3A_190 : i32 to index
        %parallel_loop3A_261 = tpu.vector_load %arg20[%parallel_loop3A_259, %parallel_loop3A_260] {strides = array<i32>} : memref<8x2048xf32, #tpu.memory_space<vmem>>, vector<1x16xf32>,
        %parallel_loop3A_262 = vector.shape_cast %parallel_loop3A_261 : vector<1x16xf32> to vector<16xf32>
        %parallel_loop3A_263 = arith.addf %parallel_loop3A_257, %parallel_loop3A_262 : vector<16xf32>
        %parallel_loop3A_264 = arith.addf %parallel_loop3A_263, %parallel_loop3A_252 : vector<16xf32>
        %parallel_loop3A_265 = arith.constant 45.2548332 : f32
        %parallel_loop3A_266 = vector.broadcast %parallel_loop3A_265 : f32 to vector<16xf32>
        %parallel_loop3A_267 = arith.mulf %parallel_loop3A_264, %parallel_loop3A_266 : vector<16xf32>
        %parallel_loop3A_268 = arith.constant 2 : i32
        %parallel_loop3A_269 = arith.index_cast %parallel_loop3A_268 : i32 to index
        %parallel_loop3A_270 = arith.index_cast %parallel_loop3A_190 : i32 to index
        %parallel_loop3A_271 = tpu.vector_load %arg23[%parallel_loop3A_269, %parallel_loop3A_270] {strides = array<i32>} : memref<8x2048xf32, #tpu.memory_space<vmem>>, vector<1x16xf32>,
        %parallel_loop3A_272 = vector.shape_cast %parallel_loop3A_271 : vector<1x16xf32> to vector<16xf32>
        %parallel_loop3A_273 = vector.shape_cast %parallel_loop3A_267 : vector<16xf32> to vector<1x16xf32>
        tpu.vector_store %arg23[%parallel_loop3A_269, %parallel_loop3A_270], %parallel_loop3A_273 {strides = array<i32>} : memref<8x2048xf32, #tpu.memory_space<vmem>>, vector<1x16xf32>,
        %parallel_loop3A_274 = vector.broadcast %convert_element_type3A_95 : f32 to vector<16xf32>
        %parallel_loop3A_275 = arith.mulf %parallel_loop3A_274, %parallel_loop3A_201 : vector<16xf32>
        %parallel_loop3A_276 = arith.addf %parallel_loop3A_195, %parallel_loop3A_275 : vector<16xf32>
        %parallel_loop3A_277 = arith.constant 3 : i32
        %parallel_loop3A_278 = arith.index_cast %parallel_loop3A_277 : i32 to index
        %parallel_loop3A_279 = arith.index_cast %parallel_loop3A_190 : i32 to index
        %parallel_loop3A_280 = tpu.vector_load %arg19[%parallel_loop3A_278, %parallel_loop3A_279] {strides = array<i32>} : memref<8x2048xf32, #tpu.memory_space<vmem>>, vector<1x16xf32>,
        %parallel_loop3A_281 = vector.shape_cast %parallel_loop3A_280 : vector<1x16xf32> to vector<16xf32>
        %parallel_loop3A_282 = arith.constant 3 : i32
        %parallel_loop3A_283 = arith.index_cast %parallel_loop3A_282 : i32 to index
        %parallel_loop3A_284 = arith.index_cast %parallel_loop3A_190 : i32 to index
        %parallel_loop3A_285 = tpu.vector_load %arg20[%parallel_loop3A_283, %parallel_loop3A_284] {strides = array<i32>} : memref<8x2048xf32, #tpu.memory_space<vmem>>, vector<1x16xf32>,
        %parallel_loop3A_286 = vector.shape_cast %parallel_loop3A_285 : vector<1x16xf32> to vector<16xf32>
        %parallel_loop3A_287 = arith.addf %parallel_loop3A_281, %parallel_loop3A_286 : vector<16xf32>
        %parallel_loop3A_288 = arith.addf %parallel_loop3A_287, %parallel_loop3A_276 : vector<16xf32>
        %parallel_loop3A_289 = arith.constant 45.2548332 : f32
        %parallel_loop3A_290 = vector.broadcast %parallel_loop3A_289 : f32 to vector<16xf32>
        %parallel_loop3A_291 = arith.mulf %parallel_loop3A_288, %parallel_loop3A_290 : vector<16xf32>
        %parallel_loop3A_292 = arith.constant 3 : i32
        %parallel_loop3A_293 = arith.index_cast %parallel_loop3A_292 : i32 to index
        %parallel_loop3A_294 = arith.index_cast %parallel_loop3A_190 : i32 to index
        %parallel_loop3A_295 = tpu.vector_load %arg23[%parallel_loop3A_293, %parallel_loop3A_294] {strides = array<i32>} : memref<8x2048xf32, #tpu.memory_space<vmem>>, vector<1x16xf32>,
        %parallel_loop3A_296 = vector.shape_cast %parallel_loop3A_295 : vector<1x16xf32> to vector<16xf32>
        %parallel_loop3A_297 = vector.shape_cast %parallel_loop3A_291 : vector<16xf32> to vector<1x16xf32>
        tpu.vector_store %arg23[%parallel_loop3A_293, %parallel_loop3A_294], %parallel_loop3A_297 {strides = array<i32>} : memref<8x2048xf32, #tpu.memory_space<vmem>>, vector<1x16xf32>,
        %parallel_loop3A_298 = vector.broadcast %convert_element_type3A_98 : f32 to vector<16xf32>
        %parallel_loop3A_299 = arith.mulf %parallel_loop3A_298, %parallel_loop3A_201 : vector<16xf32>
        %parallel_loop3A_300 = arith.addf %parallel_loop3A_195, %parallel_loop3A_299 : vector<16xf32>
        %parallel_loop3A_301 = arith.constant 4 : i32
        %parallel_loop3A_302 = arith.index_cast %parallel_loop3A_301 : i32 to index
        %parallel_loop3A_303 = arith.index_cast %parallel_loop3A_190 : i32 to index
        %parallel_loop3A_304 = tpu.vector_load %arg19[%parallel_loop3A_302, %parallel_loop3A_303] {strides = array<i32>} : memref<8x2048xf32, #tpu.memory_space<vmem>>, vector<1x16xf32>,
        %parallel_loop3A_305 = vector.shape_cast %parallel_loop3A_304 : vector<1x16xf32> to vector<16xf32>
        %parallel_loop3A_306 = arith.constant 4 : i32
        %parallel_loop3A_307 = arith.index_cast %parallel_loop3A_306 : i32 to index
        %parallel_loop3A_308 = arith.index_cast %parallel_loop3A_190 : i32 to index
        %parallel_loop3A_309 = tpu.vector_load %arg20[%parallel_loop3A_307, %parallel_loop3A_308] {strides = array<i32>} : memref<8x2048xf32, #tpu.memory_space<vmem>>, vector<1x16xf32>,
        %parallel_loop3A_310 = vector.shape_cast %parallel_loop3A_309 : vector<1x16xf32> to vector<16xf32>
        %parallel_loop3A_311 = arith.addf %parallel_loop3A_305, %parallel_loop3A_310 : vector<16xf32>
        %parallel_loop3A_312 = arith.addf %parallel_loop3A_311, %parallel_loop3A_300 : vector<16xf32>
        %parallel_loop3A_313 = arith.constant 45.2548332 : f32
        %parallel_loop3A_314 = vector.broadcast %parallel_loop3A_313 : f32 to vector<16xf32>
        %parallel_loop3A_315 = arith.mulf %parallel_loop3A_312, %parallel_loop3A_314 : vector<16xf32>
        %parallel_loop3A_316 = arith.constant 4 : i32
        %parallel_loop3A_317 = arith.index_cast %parallel_loop3A_316 : i32 to index
        %parallel_loop3A_318 = arith.index_cast %parallel_loop3A_190 : i32 to index
        %parallel_loop3A_319 = tpu.vector_load %arg23[%parallel_loop3A_317, %parallel_loop3A_318] {strides = array<i32>} : memref<8x2048xf32, #tpu.memory_space<vmem>>, vector<1x16xf32>,
        %parallel_loop3A_320 = vector.shape_cast %parallel_loop3A_319 : vector<1x16xf32> to vector<16xf32>
        %parallel_loop3A_321 = vector.shape_cast %parallel_loop3A_315 : vector<16xf32> to vector<1x16xf32>
        tpu.vector_store %arg23[%parallel_loop3A_317, %parallel_loop3A_318], %parallel_loop3A_321 {strides = array<i32>} : memref<8x2048xf32, #tpu.memory_space<vmem>>, vector<1x16xf32>,
        %parallel_loop3A_322 = vector.broadcast %convert_element_type3A_101 : f32 to vector<16xf32>
        %parallel_loop3A_323 = arith.mulf %parallel_loop3A_322, %parallel_loop3A_201 : vector<16xf32>
        %parallel_loop3A_324 = arith.addf %parallel_loop3A_195, %parallel_loop3A_323 : vector<16xf32>
        %parallel_loop3A_325 = arith.constant 5 : i32
        %parallel_loop3A_326 = arith.index_cast %parallel_loop3A_325 : i32 to index
        %parallel_loop3A_327 = arith.index_cast %parallel_loop3A_190 : i32 to index
        %parallel_loop3A_328 = tpu.vector_load %arg19[%parallel_loop3A_326, %parallel_loop3A_327] {strides = array<i32>} : memref<8x2048xf32, #tpu.memory_space<vmem>>, vector<1x16xf32>,
        %parallel_loop3A_329 = vector.shape_cast %parallel_loop3A_328 : vector<1x16xf32> to vector<16xf32>
        %parallel_loop3A_330 = arith.constant 5 : i32
        %parallel_loop3A_331 = arith.index_cast %parallel_loop3A_330 : i32 to index
        %parallel_loop3A_332 = arith.index_cast %parallel_loop3A_190 : i32 to index
        %parallel_loop3A_333 = tpu.vector_load %arg20[%parallel_loop3A_331, %parallel_loop3A_332] {strides = array<i32>} : memref<8x2048xf32, #tpu.memory_space<vmem>>, vector<1x16xf32>,
        %parallel_loop3A_334 = vector.shape_cast %parallel_loop3A_333 : vector<1x16xf32> to vector<16xf32>
        %parallel_loop3A_335 = arith.addf %parallel_loop3A_329, %parallel_loop3A_334 : vector<16xf32>
        %parallel_loop3A_336 = arith.addf %parallel_loop3A_335, %parallel_loop3A_324 : vector<16xf32>
        %parallel_loop3A_337 = arith.constant 45.2548332 : f32
        %parallel_loop3A_338 = vector.broadcast %parallel_loop3A_337 : f32 to vector<16xf32>
        %parallel_loop3A_339 = arith.mulf %parallel_loop3A_336, %parallel_loop3A_338 : vector<16xf32>
        %parallel_loop3A_340 = arith.constant 5 : i32
        %parallel_loop3A_341 = arith.index_cast %parallel_loop3A_340 : i32 to index
        %parallel_loop3A_342 = arith.index_cast %parallel_loop3A_190 : i32 to index
        %parallel_loop3A_343 = tpu.vector_load %arg23[%parallel_loop3A_341, %parallel_loop3A_342] {strides = array<i32>} : memref<8x2048xf32, #tpu.memory_space<vmem>>, vector<1x16xf32>,
        %parallel_loop3A_344 = vector.shape_cast %parallel_loop3A_343 : vector<1x16xf32> to vector<16xf32>
        %parallel_loop3A_345 = vector.shape_cast %parallel_loop3A_339 : vector<16xf32> to vector<1x16xf32>
        tpu.vector_store %arg23[%parallel_loop3A_341, %parallel_loop3A_342], %parallel_loop3A_345 {strides = array<i32>} : memref<8x2048xf32, #tpu.memory_space<vmem>>, vector<1x16xf32>,
        %parallel_loop3A_346 = vector.broadcast %convert_element_type3A_104 : f32 to vector<16xf32>
        %parallel_loop3A_347 = arith.mulf %parallel_loop3A_346, %parallel_loop3A_201 : vector<16xf32>
        %parallel_loop3A_348 = arith.addf %parallel_loop3A_195, %parallel_loop3A_347 : vector<16xf32>
        %parallel_loop3A_349 = arith.constant 6 : i32
        %parallel_loop3A_350 = arith.index_cast %parallel_loop3A_349 : i32 to index
        %parallel_loop3A_351 = arith.index_cast %parallel_loop3A_190 : i32 to index
        %parallel_loop3A_352 = tpu.vector_load %arg19[%parallel_loop3A_350, %parallel_loop3A_351] {strides = array<i32>} : memref<8x2048xf32, #tpu.memory_space<vmem>>, vector<1x16xf32>,
        %parallel_loop3A_353 = vector.shape_cast %parallel_loop3A_352 : vector<1x16xf32> to vector<16xf32>
        %parallel_loop3A_354 = arith.constant 6 : i32
        %parallel_loop3A_355 = arith.index_cast %parallel_loop3A_354 : i32 to index
        %parallel_loop3A_356 = arith.index_cast %parallel_loop3A_190 : i32 to index
        %parallel_loop3A_357 = tpu.vector_load %arg20[%parallel_loop3A_355, %parallel_loop3A_356] {strides = array<i32>} : memref<8x2048xf32, #tpu.memory_space<vmem>>, vector<1x16xf32>,
        %parallel_loop3A_358 = vector.shape_cast %parallel_loop3A_357 : vector<1x16xf32> to vector<16xf32>
        %parallel_loop3A_359 = arith.addf %parallel_loop3A_353, %parallel_loop3A_358 : vector<16xf32>
        %parallel_loop3A_360 = arith.addf %parallel_loop3A_359, %parallel_loop3A_348 : vector<16xf32>
        %parallel_loop3A_361 = arith.constant 45.2548332 : f32
        %parallel_loop3A_362 = vector.broadcast %parallel_loop3A_361 : f32 to vector<16xf32>
        %parallel_loop3A_363 = arith.mulf %parallel_loop3A_360, %parallel_loop3A_362 : vector<16xf32>
        %parallel_loop3A_364 = arith.constant 6 : i32
        %parallel_loop3A_365 = arith.index_cast %parallel_loop3A_364 : i32 to index
        %parallel_loop3A_366 = arith.index_cast %parallel_loop3A_190 : i32 to index
        %parallel_loop3A_367 = tpu.vector_load %arg23[%parallel_loop3A_365, %parallel_loop3A_366] {strides = array<i32>} : memref<8x2048xf32, #tpu.memory_space<vmem>>, vector<1x16xf32>,
        %parallel_loop3A_368 = vector.shape_cast %parallel_loop3A_367 : vector<1x16xf32> to vector<16xf32>
        %parallel_loop3A_369 = vector.shape_cast %parallel_loop3A_363 : vector<16xf32> to vector<1x16xf32>
        tpu.vector_store %arg23[%parallel_loop3A_365, %parallel_loop3A_366], %parallel_loop3A_369 {strides = array<i32>} : memref<8x2048xf32, #tpu.memory_space<vmem>>, vector<1x16xf32>,
        %parallel_loop3A_370 = vector.broadcast %convert_element_type3A_107 : f32 to vector<16xf32>
        %parallel_loop3A_371 = arith.mulf %parallel_loop3A_370, %parallel_loop3A_201 : vector<16xf32>
        %parallel_loop3A_372 = arith.addf %parallel_loop3A_195, %parallel_loop3A_371 : vector<16xf32>
        %parallel_loop3A_373 = arith.constant 7 : i32
        %parallel_loop3A_374 = arith.index_cast %parallel_loop3A_373 : i32 to index
        %parallel_loop3A_375 = arith.index_cast %parallel_loop3A_190 : i32 to index
        %parallel_loop3A_376 = tpu.vector_load %arg19[%parallel_loop3A_374, %parallel_loop3A_375] {strides = array<i32>} : memref<8x2048xf32, #tpu.memory_space<vmem>>, vector<1x16xf32>,
        %parallel_loop3A_377 = vector.shape_cast %parallel_loop3A_376 : vector<1x16xf32> to vector<16xf32>
        %parallel_loop3A_378 = arith.constant 7 : i32
        %parallel_loop3A_379 = arith.index_cast %parallel_loop3A_378 : i32 to index
        %parallel_loop3A_380 = arith.index_cast %parallel_loop3A_190 : i32 to index
        %parallel_loop3A_381 = tpu.vector_load %arg20[%parallel_loop3A_379, %parallel_loop3A_380] {strides = array<i32>} : memref<8x2048xf32, #tpu.memory_space<vmem>>, vector<1x16xf32>,
        %parallel_loop3A_382 = vector.shape_cast %parallel_loop3A_381 : vector<1x16xf32> to vector<16xf32>
        %parallel_loop3A_383 = arith.addf %parallel_loop3A_377, %parallel_loop3A_382 : vector<16xf32>
        %parallel_loop3A_384 = arith.addf %parallel_loop3A_383, %parallel_loop3A_372 : vector<16xf32>
        %parallel_loop3A_385 = arith.constant 45.2548332 : f32
        %parallel_loop3A_386 = vector.broadcast %parallel_loop3A_385 : f32 to vector<16xf32>
        %parallel_loop3A_387 = arith.mulf %parallel_loop3A_384, %parallel_loop3A_386 : vector<16xf32>
        %parallel_loop3A_388 = arith.constant 7 : i32
        %parallel_loop3A_389 = arith.index_cast %parallel_loop3A_388 : i32 to index
        %parallel_loop3A_390 = arith.index_cast %parallel_loop3A_190 : i32 to index
        %parallel_loop3A_391 = tpu.vector_load %arg23[%parallel_loop3A_389, %parallel_loop3A_390] {strides = array<i32>} : memref<8x2048xf32, #tpu.memory_space<vmem>>, vector<1x16xf32>,
        %parallel_loop3A_392 = vector.shape_cast %parallel_loop3A_391 : vector<1x16xf32> to vector<16xf32>
        %parallel_loop3A_393 = vector.shape_cast %parallel_loop3A_387 : vector<16xf32> to vector<1x16xf32>
        tpu.vector_store %arg23[%parallel_loop3A_389, %parallel_loop3A_390], %parallel_loop3A_393 {strides = array<i32>} : memref<8x2048xf32, #tpu.memory_space<vmem>>, vector<1x16xf32>,
      } {sc.loop_unroll_factor = 2 : i64, sc.parallel_access}
      %mul3A_110 = arith.constant 8 : i32
      %mul3A_111 = arith.muli %add3A_66, %mul3A_110 : i32
      %add3A_112 = arith.addi %mul3A_2, %mul3A_111 : i32
      %multiple_of3A_113 = tpu.assume_multiple %add3A_112, 8 : i32
      %dma_start3A_114 = arith.constant 0 : i32
      %dma_start3A_115 = tpu.memref_slice %arg15[%multiple_of3A_113, %dma_start3A_114] : memref<8192x2048xf32, #tpu.memory_space<hbm>> -> memref<8x2048xf32, #tpu.memory_space<hbm>>
      %dma_start3A_116 = arith.constant 0 : i32
      %dma_start3A_117 = tpu.memref_slice %arg15[%multiple_of3A_113, %dma_start3A_116] : memref<8192x2048xf32, #tpu.memory_space<hbm>> -> memref<8x2048xf32, #tpu.memory_space<hbm>>
      tpu.enqueue_dma source(%arg23 : memref<8x2048xf32, #tpu.memory_space<vmem>>) target(%dma_start3A_117 : memref<8x2048xf32, #tpu.memory_space<hbm>>) target_semaphore(%arg29 : memref<!tpu.dma_semaphore, #tpu.memory_space<semaphore_mem>>)
      %add3A_118 = arith.constant 2 : i32
      %add3A_119 = arith.addi %add3A_66, %add3A_118 : i32
      %lt3A = arith.constant 32 : i32
      %lt3A_120 = arith.cmpi slt, %add3A_119, %lt3A : i32
      %convert_element_type3A_121 = arith.extui %lt3A_120 : i1 to i32
      %cond3A = arith.constant 0 : i32
      %cond3A_122 = arith.cmpi ne, %convert_element_type3A_121, %cond3A : i32
      scf.if %cond3A_122 {
        %add3A_189 = arith.constant 2 : i32
        %add3A_190 = arith.addi %add3A_68, %add3A_189 : i32
        %dma_start3A_191 = arith.constant 0 : i32
        %dma_start3A_192 = tpu.memref_slice %arg16[%add3A_190, %dma_start3A_191] : memref<64x8xi32, #tpu.memory_space<vmem>> -> memref<1x8xi32, #tpu.memory_space<vmem>>
        %dma_start3A_193 = tpu.memref_squeeze %dma_start3A_192 : memref<1x8xi32, #tpu.memory_space<vmem>> -> memref<8xi32, #tpu.memory_space<vmem>>
        %dma_start3A_194 = arith.constant 0 : i32
        %dma_start3A_195 = arith.constant 0 : i32
        %dma_start3A_196 = tpu.memref_slice %arg11[%dma_start3A_194, %dma_start3A_195] : memref<100000x2048xf32, #tpu.memory_space<hbm>> -> memref<100000x2048xf32, #tpu.memory_space<hbm>>
        tpu.enqueue_indirect_dma source(%dma_start3A_196 : memref<100000x2048xf32, #tpu.memory_space<hbm>>) target(%arg19 : memref<8x2048xf32, #tpu.memory_space<vmem>>) offsets(%dma_start3A_193 : memref<8xi32, #tpu.memory_space<vmem>>) semaphore(%arg27 : memref<!tpu.dma_semaphore, #tpu.memory_space<semaphore_mem>>)
        %dma_start3A_197 = arith.constant 0 : i32
        %dma_start3A_198 = tpu.memref_slice %arg17[%add3A_190, %dma_start3A_197] : memref<64x8xi32, #tpu.memory_space<vmem>> -> memref<1x8xi32, #tpu.memory_space<vmem>>
        %dma_start3A_199 = tpu.memref_squeeze %dma_start3A_198 : memref<1x8xi32, #tpu.memory_space<vmem>> -> memref<8xi32, #tpu.memory_space<vmem>>
        %dma_start3A_200 = arith.constant 0 : i32
        %dma_start3A_201 = arith.constant 0 : i32
        %dma_start3A_202 = tpu.memref_slice %arg12[%dma_start3A_200, %dma_start3A_201] : memref<4096x2048xf32, #tpu.memory_space<hbm>> -> memref<4096x2048xf32, #tpu.memory_space<hbm>>
        tpu.enqueue_indirect_dma source(%dma_start3A_202 : memref<4096x2048xf32, #tpu.memory_space<hbm>>) target(%arg20 : memref<8x2048xf32, #tpu.memory_space<vmem>>) offsets(%dma_start3A_199 : memref<8xi32, #tpu.memory_space<vmem>>) semaphore(%arg27 : memref<!tpu.dma_semaphore, #tpu.memory_space<semaphore_mem>>)
      } else {
      }
      %mul3A_123 = arith.constant 2 : i32
      %mul3A_124 = arith.muli %mul3A_123, %scan3A_54 : i32
      %add3A_125 = arith.constant 1 : i32
      %add3A_126 = arith.addi %mul3A_124, %add3A_125 : i32
      %add3A_127 = arith.constant 32 : i32
      %add3A_128 = arith.addi %add3A_126, %add3A_127 : i32
      %dma_wait3A_129 = arith.constant 0 : i32
      %dma_wait3A_130 = arith.constant 0 : i32
      %dma_wait3A_131 = tpu.memref_slice %arg15[%dma_wait3A_129, %dma_wait3A_130] : memref<8192x2048xf32, #tpu.memory_space<hbm>> -> memref<8x2048xf32, #tpu.memory_space<hbm>>
      %dma_wait3A_132 = arith.constant 0 : i32
      %dma_wait3A_133 = arith.constant 0 : i32
      %dma_wait3A_134 = tpu.memref_slice %arg15[%dma_wait3A_132, %dma_wait3A_133] : memref<8192x2048xf32, #tpu.memory_space<hbm>> -> memref<8x2048xf32, #tpu.memory_space<hbm>>
      tpu.wait_dma2 semaphore(%arg30 : memref<!tpu.dma_semaphore, #tpu.memory_space<semaphore_mem>>) src(%arg24 : memref<8x2048xf32, #tpu.memory_space<vmem>>) dst(%dma_wait3A_134 : memref<8x2048xf32, #tpu.memory_space<hbm>>)
      %dma_wait3A_135 = arith.constant 0 : i32
      %dma_wait3A_136 = tpu.memref_slice %arg16[%add3A_128, %dma_wait3A_135] : memref<64x8xi32, #tpu.memory_space<vmem>> -> memref<1x8xi32, #tpu.memory_space<vmem>>
      %dma_wait3A_137 = tpu.memref_squeeze %dma_wait3A_136 : memref<1x8xi32, #tpu.memory_space<vmem>> -> memref<8xi32, #tpu.memory_space<vmem>>
      %dma_wait3A_138 = arith.constant 0 : i32
      %dma_wait3A_139 = arith.constant 0 : i32
      %dma_wait3A_140 = tpu.memref_slice %arg11[%dma_wait3A_138, %dma_wait3A_139] : memref<100000x2048xf32, #tpu.memory_space<hbm>> -> memref<100000x2048xf32, #tpu.memory_space<hbm>>
      tpu.wait_indirect_dma semaphore(%arg28 : memref<!tpu.dma_semaphore, #tpu.memory_space<semaphore_mem>>) src(%dma_wait3A_140 : memref<100000x2048xf32, #tpu.memory_space<hbm>>) dst(%arg21 : memref<8x2048xf32, #tpu.memory_space<vmem>>)
      %dma_wait3A_141 = arith.constant 0 : i32
      %dma_wait3A_142 = tpu.memref_slice %arg17[%add3A_128, %dma_wait3A_141] : memref<64x8xi32, #tpu.memory_space<vmem>> -> memref<1x8xi32, #tpu.memory_space<vmem>>
      %dma_wait3A_143 = tpu.memref_squeeze %dma_wait3A_142 : memref<1x8xi32, #tpu.memory_space<vmem>> -> memref<8xi32, #tpu.memory_space<vmem>>
      %dma_wait3A_144 = arith.constant 0 : i32
      %dma_wait3A_145 = arith.constant 0 : i32
      %dma_wait3A_146 = tpu.memref_slice %arg12[%dma_wait3A_144, %dma_wait3A_145] : memref<4096x2048xf32, #tpu.memory_space<hbm>> -> memref<4096x2048xf32, #tpu.memory_space<hbm>>
      tpu.wait_indirect_dma semaphore(%arg28 : memref<!tpu.dma_semaphore, #tpu.memory_space<semaphore_mem>>) src(%dma_wait3A_146 : memref<4096x2048xf32, #tpu.memory_space<hbm>>) dst(%arg22 : memref<8x2048xf32, #tpu.memory_space<vmem>>)
      %slice3A_147 = vector.extract_strided_slice %get3A_62 {offsets = [8], sizes = [1], strides = [1]} : vector<16xi32> to vector<1xi32>
      %squeeze3A_148 = vector.extract %slice3A_147[0] : i32 from vector<1xi32>
      %convert_element_type3A_149 = arith.sitofp %squeeze3A_148 : i32 to f32
      %slice3A_150 = vector.extract_strided_slice %get3A_62 {offsets = [9], sizes = [1], strides = [1]} : vector<16xi32> to vector<1xi32>
      %squeeze3A_151 = vector.extract %slice3A_150[0] : i32 from vector<1xi32>
      %convert_element_type3A_152 = arith.sitofp %squeeze3A_151 : i32 to f32
      %slice3A_153 = vector.extract_strided_slice %get3A_62 {offsets = [10], sizes = [1], strides = [1]} : vector<16xi32> to vector<1xi32>
      %squeeze3A_154 = vector.extract %slice3A_153[0] : i32 from vector<1xi32>
      %convert_element_type3A_155 = arith.sitofp %squeeze3A_154 : i32 to f32
      %slice3A_156 = vector.extract_strided_slice %get3A_62 {offsets = [11], sizes = [1], strides = [1]} : vector<16xi32> to vector<1xi32>
      %squeeze3A_157 = vector.extract %slice3A_156[0] : i32 from vector<1xi32>
      %convert_element_type3A_158 = arith.sitofp %squeeze3A_157 : i32 to f32
      %slice3A_159 = vector.extract_strided_slice %get3A_62 {offsets = [12], sizes = [1], strides = [1]} : vector<16xi32> to vector<1xi32>
      %squeeze3A_160 = vector.extract %slice3A_159[0] : i32 from vector<1xi32>
      %convert_element_type3A_161 = arith.sitofp %squeeze3A_160 : i32 to f32
      %slice3A_162 = vector.extract_strided_slice %get3A_62 {offsets = [13], sizes = [1], strides = [1]} : vector<16xi32> to vector<1xi32>
      %squeeze3A_163 = vector.extract %slice3A_162[0] : i32 from vector<1xi32>
      %convert_element_type3A_164 = arith.sitofp %squeeze3A_163 : i32 to f32
      %slice3A_165 = vector.extract_strided_slice %get3A_62 {offsets = [14], sizes = [1], strides = [1]} : vector<16xi32> to vector<1xi32>
      %squeeze3A_166 = vector.extract %slice3A_165[0] : i32 from vector<1xi32>
      %convert_element_type3A_167 = arith.sitofp %squeeze3A_166 : i32 to f32
      %slice3A_168 = vector.extract_strided_slice %get3A_62 {offsets = [15], sizes = [1], strides = [1]} : vector<16xi32> to vector<1xi32>
      %squeeze3A_169 = vector.extract %slice3A_168[0] : i32 from vector<1xi32>
      %convert_element_type3A_170 = arith.sitofp %squeeze3A_169 : i32 to f32
      %parallel_loop3A_171 = arith.constant 0 : i32
      %parallel_loop3A_172 = arith.constant 2048 : i32
      %parallel_loop3A_173 = arith.constant 16 : i32
      scf.for %parallel_loop3A_189 = %parallel_loop3A_171 to %parallel_loop3A_172 step %parallel_loop3A_173  : i32 {
        %parallel_loop3A_190 = tpu.assume_multiple %parallel_loop3A_189, 16 : i32
        %parallel_loop3A_191 = arith.constant 0 : i32
        %parallel_loop3A_192 = arith.index_cast %parallel_loop3A_191 : i32 to index
        %parallel_loop3A_193 = arith.index_cast %parallel_loop3A_190 : i32 to index
        %parallel_loop3A_194 = tpu.vector_load %arg26[%parallel_loop3A_192, %parallel_loop3A_193] {strides = array<i32>} : memref<2x2048xf32, #tpu.memory_space<vmem>>, vector<1x16xf32>,
        %parallel_loop3A_195 = vector.shape_cast %parallel_loop3A_194 : vector<1x16xf32> to vector<16xf32>
        %parallel_loop3A_196 = arith.constant 1 : i32
        %parallel_loop3A_197 = arith.index_cast %parallel_loop3A_196 : i32 to index
        %parallel_loop3A_198 = arith.index_cast %parallel_loop3A_190 : i32 to index
        %parallel_loop3A_199 = tpu.vector_load %arg26[%parallel_loop3A_197, %parallel_loop3A_198] {strides = array<i32>} : memref<2x2048xf32, #tpu.memory_space<vmem>>, vector<1x16xf32>,
        %parallel_loop3A_200 = vector.shape_cast %parallel_loop3A_199 : vector<1x16xf32> to vector<16xf32>
        %parallel_loop3A_201 = arith.subf %parallel_loop3A_200, %parallel_loop3A_195 : vector<16xf32>
        %parallel_loop3A_202 = vector.broadcast %convert_element_type3A_149 : f32 to vector<16xf32>
        %parallel_loop3A_203 = arith.mulf %parallel_loop3A_202, %parallel_loop3A_201 : vector<16xf32>
        %parallel_loop3A_204 = arith.addf %parallel_loop3A_195, %parallel_loop3A_203 : vector<16xf32>
        %parallel_loop3A_205 = arith.constant 0 : i32
        %parallel_loop3A_206 = arith.index_cast %parallel_loop3A_205 : i32 to index
        %parallel_loop3A_207 = arith.index_cast %parallel_loop3A_190 : i32 to index
        %parallel_loop3A_208 = tpu.vector_load %arg21[%parallel_loop3A_206, %parallel_loop3A_207] {strides = array<i32>} : memref<8x2048xf32, #tpu.memory_space<vmem>>, vector<1x16xf32>,
        %parallel_loop3A_209 = vector.shape_cast %parallel_loop3A_208 : vector<1x16xf32> to vector<16xf32>
        %parallel_loop3A_210 = arith.constant 0 : i32
        %parallel_loop3A_211 = arith.index_cast %parallel_loop3A_210 : i32 to index
        %parallel_loop3A_212 = arith.index_cast %parallel_loop3A_190 : i32 to index
        %parallel_loop3A_213 = tpu.vector_load %arg22[%parallel_loop3A_211, %parallel_loop3A_212] {strides = array<i32>} : memref<8x2048xf32, #tpu.memory_space<vmem>>, vector<1x16xf32>,
        %parallel_loop3A_214 = vector.shape_cast %parallel_loop3A_213 : vector<1x16xf32> to vector<16xf32>
        %parallel_loop3A_215 = arith.addf %parallel_loop3A_209, %parallel_loop3A_214 : vector<16xf32>
        %parallel_loop3A_216 = arith.addf %parallel_loop3A_215, %parallel_loop3A_204 : vector<16xf32>
        %parallel_loop3A_217 = arith.constant 45.2548332 : f32
        %parallel_loop3A_218 = vector.broadcast %parallel_loop3A_217 : f32 to vector<16xf32>
        %parallel_loop3A_219 = arith.mulf %parallel_loop3A_216, %parallel_loop3A_218 : vector<16xf32>
        %parallel_loop3A_220 = arith.constant 0 : i32
        %parallel_loop3A_221 = arith.index_cast %parallel_loop3A_220 : i32 to index
        %parallel_loop3A_222 = arith.index_cast %parallel_loop3A_190 : i32 to index
        %parallel_loop3A_223 = tpu.vector_load %arg24[%parallel_loop3A_221, %parallel_loop3A_222] {strides = array<i32>} : memref<8x2048xf32, #tpu.memory_space<vmem>>, vector<1x16xf32>,
        %parallel_loop3A_224 = vector.shape_cast %parallel_loop3A_223 : vector<1x16xf32> to vector<16xf32>
        %parallel_loop3A_225 = vector.shape_cast %parallel_loop3A_219 : vector<16xf32> to vector<1x16xf32>
        tpu.vector_store %arg24[%parallel_loop3A_221, %parallel_loop3A_222], %parallel_loop3A_225 {strides = array<i32>} : memref<8x2048xf32, #tpu.memory_space<vmem>>, vector<1x16xf32>,
        %parallel_loop3A_226 = vector.broadcast %convert_element_type3A_152 : f32 to vector<16xf32>
        %parallel_loop3A_227 = arith.mulf %parallel_loop3A_226, %parallel_loop3A_201 : vector<16xf32>
        %parallel_loop3A_228 = arith.addf %parallel_loop3A_195, %parallel_loop3A_227 : vector<16xf32>
        %parallel_loop3A_229 = arith.constant 1 : i32
        %parallel_loop3A_230 = arith.index_cast %parallel_loop3A_229 : i32 to index
        %parallel_loop3A_231 = arith.index_cast %parallel_loop3A_190 : i32 to index
        %parallel_loop3A_232 = tpu.vector_load %arg21[%parallel_loop3A_230, %parallel_loop3A_231] {strides = array<i32>} : memref<8x2048xf32, #tpu.memory_space<vmem>>, vector<1x16xf32>,
        %parallel_loop3A_233 = vector.shape_cast %parallel_loop3A_232 : vector<1x16xf32> to vector<16xf32>
        %parallel_loop3A_234 = arith.constant 1 : i32
        %parallel_loop3A_235 = arith.index_cast %parallel_loop3A_234 : i32 to index
        %parallel_loop3A_236 = arith.index_cast %parallel_loop3A_190 : i32 to index
        %parallel_loop3A_237 = tpu.vector_load %arg22[%parallel_loop3A_235, %parallel_loop3A_236] {strides = array<i32>} : memref<8x2048xf32, #tpu.memory_space<vmem>>, vector<1x16xf32>,
        %parallel_loop3A_238 = vector.shape_cast %parallel_loop3A_237 : vector<1x16xf32> to vector<16xf32>
        %parallel_loop3A_239 = arith.addf %parallel_loop3A_233, %parallel_loop3A_238 : vector<16xf32>
        %parallel_loop3A_240 = arith.addf %parallel_loop3A_239, %parallel_loop3A_228 : vector<16xf32>
        %parallel_loop3A_241 = arith.constant 45.2548332 : f32
        %parallel_loop3A_242 = vector.broadcast %parallel_loop3A_241 : f32 to vector<16xf32>
        %parallel_loop3A_243 = arith.mulf %parallel_loop3A_240, %parallel_loop3A_242 : vector<16xf32>
        %parallel_loop3A_244 = arith.constant 1 : i32
        %parallel_loop3A_245 = arith.index_cast %parallel_loop3A_244 : i32 to index
        %parallel_loop3A_246 = arith.index_cast %parallel_loop3A_190 : i32 to index
        %parallel_loop3A_247 = tpu.vector_load %arg24[%parallel_loop3A_245, %parallel_loop3A_246] {strides = array<i32>} : memref<8x2048xf32, #tpu.memory_space<vmem>>, vector<1x16xf32>,
        %parallel_loop3A_248 = vector.shape_cast %parallel_loop3A_247 : vector<1x16xf32> to vector<16xf32>
        %parallel_loop3A_249 = vector.shape_cast %parallel_loop3A_243 : vector<16xf32> to vector<1x16xf32>
        tpu.vector_store %arg24[%parallel_loop3A_245, %parallel_loop3A_246], %parallel_loop3A_249 {strides = array<i32>} : memref<8x2048xf32, #tpu.memory_space<vmem>>, vector<1x16xf32>,
        %parallel_loop3A_250 = vector.broadcast %convert_element_type3A_155 : f32 to vector<16xf32>
        %parallel_loop3A_251 = arith.mulf %parallel_loop3A_250, %parallel_loop3A_201 : vector<16xf32>
        %parallel_loop3A_252 = arith.addf %parallel_loop3A_195, %parallel_loop3A_251 : vector<16xf32>
        %parallel_loop3A_253 = arith.constant 2 : i32
        %parallel_loop3A_254 = arith.index_cast %parallel_loop3A_253 : i32 to index
        %parallel_loop3A_255 = arith.index_cast %parallel_loop3A_190 : i32 to index
        %parallel_loop3A_256 = tpu.vector_load %arg21[%parallel_loop3A_254, %parallel_loop3A_255] {strides = array<i32>} : memref<8x2048xf32, #tpu.memory_space<vmem>>, vector<1x16xf32>,
        %parallel_loop3A_257 = vector.shape_cast %parallel_loop3A_256 : vector<1x16xf32> to vector<16xf32>
        %parallel_loop3A_258 = arith.constant 2 : i32
        %parallel_loop3A_259 = arith.index_cast %parallel_loop3A_258 : i32 to index
        %parallel_loop3A_260 = arith.index_cast %parallel_loop3A_190 : i32 to index
        %parallel_loop3A_261 = tpu.vector_load %arg22[%parallel_loop3A_259, %parallel_loop3A_260] {strides = array<i32>} : memref<8x2048xf32, #tpu.memory_space<vmem>>, vector<1x16xf32>,
        %parallel_loop3A_262 = vector.shape_cast %parallel_loop3A_261 : vector<1x16xf32> to vector<16xf32>
        %parallel_loop3A_263 = arith.addf %parallel_loop3A_257, %parallel_loop3A_262 : vector<16xf32>
        %parallel_loop3A_264 = arith.addf %parallel_loop3A_263, %parallel_loop3A_252 : vector<16xf32>
        %parallel_loop3A_265 = arith.constant 45.2548332 : f32
        %parallel_loop3A_266 = vector.broadcast %parallel_loop3A_265 : f32 to vector<16xf32>
        %parallel_loop3A_267 = arith.mulf %parallel_loop3A_264, %parallel_loop3A_266 : vector<16xf32>
        %parallel_loop3A_268 = arith.constant 2 : i32
        %parallel_loop3A_269 = arith.index_cast %parallel_loop3A_268 : i32 to index
        %parallel_loop3A_270 = arith.index_cast %parallel_loop3A_190 : i32 to index
        %parallel_loop3A_271 = tpu.vector_load %arg24[%parallel_loop3A_269, %parallel_loop3A_270] {strides = array<i32>} : memref<8x2048xf32, #tpu.memory_space<vmem>>, vector<1x16xf32>,
        %parallel_loop3A_272 = vector.shape_cast %parallel_loop3A_271 : vector<1x16xf32> to vector<16xf32>
        %parallel_loop3A_273 = vector.shape_cast %parallel_loop3A_267 : vector<16xf32> to vector<1x16xf32>
        tpu.vector_store %arg24[%parallel_loop3A_269, %parallel_loop3A_270], %parallel_loop3A_273 {strides = array<i32>} : memref<8x2048xf32, #tpu.memory_space<vmem>>, vector<1x16xf32>,
        %parallel_loop3A_274 = vector.broadcast %convert_element_type3A_158 : f32 to vector<16xf32>
        %parallel_loop3A_275 = arith.mulf %parallel_loop3A_274, %parallel_loop3A_201 : vector<16xf32>
        %parallel_loop3A_276 = arith.addf %parallel_loop3A_195, %parallel_loop3A_275 : vector<16xf32>
        %parallel_loop3A_277 = arith.constant 3 : i32
        %parallel_loop3A_278 = arith.index_cast %parallel_loop3A_277 : i32 to index
        %parallel_loop3A_279 = arith.index_cast %parallel_loop3A_190 : i32 to index
        %parallel_loop3A_280 = tpu.vector_load %arg21[%parallel_loop3A_278, %parallel_loop3A_279] {strides = array<i32>} : memref<8x2048xf32, #tpu.memory_space<vmem>>, vector<1x16xf32>,
        %parallel_loop3A_281 = vector.shape_cast %parallel_loop3A_280 : vector<1x16xf32> to vector<16xf32>
        %parallel_loop3A_282 = arith.constant 3 : i32
        %parallel_loop3A_283 = arith.index_cast %parallel_loop3A_282 : i32 to index
        %parallel_loop3A_284 = arith.index_cast %parallel_loop3A_190 : i32 to index
        %parallel_loop3A_285 = tpu.vector_load %arg22[%parallel_loop3A_283, %parallel_loop3A_284] {strides = array<i32>} : memref<8x2048xf32, #tpu.memory_space<vmem>>, vector<1x16xf32>,
        %parallel_loop3A_286 = vector.shape_cast %parallel_loop3A_285 : vector<1x16xf32> to vector<16xf32>
        %parallel_loop3A_287 = arith.addf %parallel_loop3A_281, %parallel_loop3A_286 : vector<16xf32>
        %parallel_loop3A_288 = arith.addf %parallel_loop3A_287, %parallel_loop3A_276 : vector<16xf32>
        %parallel_loop3A_289 = arith.constant 45.2548332 : f32
        %parallel_loop3A_290 = vector.broadcast %parallel_loop3A_289 : f32 to vector<16xf32>
        %parallel_loop3A_291 = arith.mulf %parallel_loop3A_288, %parallel_loop3A_290 : vector<16xf32>
        %parallel_loop3A_292 = arith.constant 3 : i32
        %parallel_loop3A_293 = arith.index_cast %parallel_loop3A_292 : i32 to index
        %parallel_loop3A_294 = arith.index_cast %parallel_loop3A_190 : i32 to index
        %parallel_loop3A_295 = tpu.vector_load %arg24[%parallel_loop3A_293, %parallel_loop3A_294] {strides = array<i32>} : memref<8x2048xf32, #tpu.memory_space<vmem>>, vector<1x16xf32>,
        %parallel_loop3A_296 = vector.shape_cast %parallel_loop3A_295 : vector<1x16xf32> to vector<16xf32>
        %parallel_loop3A_297 = vector.shape_cast %parallel_loop3A_291 : vector<16xf32> to vector<1x16xf32>
        tpu.vector_store %arg24[%parallel_loop3A_293, %parallel_loop3A_294], %parallel_loop3A_297 {strides = array<i32>} : memref<8x2048xf32, #tpu.memory_space<vmem>>, vector<1x16xf32>,
        %parallel_loop3A_298 = vector.broadcast %convert_element_type3A_161 : f32 to vector<16xf32>
        %parallel_loop3A_299 = arith.mulf %parallel_loop3A_298, %parallel_loop3A_201 : vector<16xf32>
        %parallel_loop3A_300 = arith.addf %parallel_loop3A_195, %parallel_loop3A_299 : vector<16xf32>
        %parallel_loop3A_301 = arith.constant 4 : i32
        %parallel_loop3A_302 = arith.index_cast %parallel_loop3A_301 : i32 to index
        %parallel_loop3A_303 = arith.index_cast %parallel_loop3A_190 : i32 to index
        %parallel_loop3A_304 = tpu.vector_load %arg21[%parallel_loop3A_302, %parallel_loop3A_303] {strides = array<i32>} : memref<8x2048xf32, #tpu.memory_space<vmem>>, vector<1x16xf32>,
        %parallel_loop3A_305 = vector.shape_cast %parallel_loop3A_304 : vector<1x16xf32> to vector<16xf32>
        %parallel_loop3A_306 = arith.constant 4 : i32
        %parallel_loop3A_307 = arith.index_cast %parallel_loop3A_306 : i32 to index
        %parallel_loop3A_308 = arith.index_cast %parallel_loop3A_190 : i32 to index
        %parallel_loop3A_309 = tpu.vector_load %arg22[%parallel_loop3A_307, %parallel_loop3A_308] {strides = array<i32>} : memref<8x2048xf32, #tpu.memory_space<vmem>>, vector<1x16xf32>,
        %parallel_loop3A_310 = vector.shape_cast %parallel_loop3A_309 : vector<1x16xf32> to vector<16xf32>
        %parallel_loop3A_311 = arith.addf %parallel_loop3A_305, %parallel_loop3A_310 : vector<16xf32>
        %parallel_loop3A_312 = arith.addf %parallel_loop3A_311, %parallel_loop3A_300 : vector<16xf32>
        %parallel_loop3A_313 = arith.constant 45.2548332 : f32
        %parallel_loop3A_314 = vector.broadcast %parallel_loop3A_313 : f32 to vector<16xf32>
        %parallel_loop3A_315 = arith.mulf %parallel_loop3A_312, %parallel_loop3A_314 : vector<16xf32>
        %parallel_loop3A_316 = arith.constant 4 : i32
        %parallel_loop3A_317 = arith.index_cast %parallel_loop3A_316 : i32 to index
        %parallel_loop3A_318 = arith.index_cast %parallel_loop3A_190 : i32 to index
        %parallel_loop3A_319 = tpu.vector_load %arg24[%parallel_loop3A_317, %parallel_loop3A_318] {strides = array<i32>} : memref<8x2048xf32, #tpu.memory_space<vmem>>, vector<1x16xf32>,
        %parallel_loop3A_320 = vector.shape_cast %parallel_loop3A_319 : vector<1x16xf32> to vector<16xf32>
        %parallel_loop3A_321 = vector.shape_cast %parallel_loop3A_315 : vector<16xf32> to vector<1x16xf32>
        tpu.vector_store %arg24[%parallel_loop3A_317, %parallel_loop3A_318], %parallel_loop3A_321 {strides = array<i32>} : memref<8x2048xf32, #tpu.memory_space<vmem>>, vector<1x16xf32>,
        %parallel_loop3A_322 = vector.broadcast %convert_element_type3A_164 : f32 to vector<16xf32>
        %parallel_loop3A_323 = arith.mulf %parallel_loop3A_322, %parallel_loop3A_201 : vector<16xf32>
        %parallel_loop3A_324 = arith.addf %parallel_loop3A_195, %parallel_loop3A_323 : vector<16xf32>
        %parallel_loop3A_325 = arith.constant 5 : i32
        %parallel_loop3A_326 = arith.index_cast %parallel_loop3A_325 : i32 to index
        %parallel_loop3A_327 = arith.index_cast %parallel_loop3A_190 : i32 to index
        %parallel_loop3A_328 = tpu.vector_load %arg21[%parallel_loop3A_326, %parallel_loop3A_327] {strides = array<i32>} : memref<8x2048xf32, #tpu.memory_space<vmem>>, vector<1x16xf32>,
        %parallel_loop3A_329 = vector.shape_cast %parallel_loop3A_328 : vector<1x16xf32> to vector<16xf32>
        %parallel_loop3A_330 = arith.constant 5 : i32
        %parallel_loop3A_331 = arith.index_cast %parallel_loop3A_330 : i32 to index
        %parallel_loop3A_332 = arith.index_cast %parallel_loop3A_190 : i32 to index
        %parallel_loop3A_333 = tpu.vector_load %arg22[%parallel_loop3A_331, %parallel_loop3A_332] {strides = array<i32>} : memref<8x2048xf32, #tpu.memory_space<vmem>>, vector<1x16xf32>,
        %parallel_loop3A_334 = vector.shape_cast %parallel_loop3A_333 : vector<1x16xf32> to vector<16xf32>
        %parallel_loop3A_335 = arith.addf %parallel_loop3A_329, %parallel_loop3A_334 : vector<16xf32>
        %parallel_loop3A_336 = arith.addf %parallel_loop3A_335, %parallel_loop3A_324 : vector<16xf32>
        %parallel_loop3A_337 = arith.constant 45.2548332 : f32
        %parallel_loop3A_338 = vector.broadcast %parallel_loop3A_337 : f32 to vector<16xf32>
        %parallel_loop3A_339 = arith.mulf %parallel_loop3A_336, %parallel_loop3A_338 : vector<16xf32>
        %parallel_loop3A_340 = arith.constant 5 : i32
        %parallel_loop3A_341 = arith.index_cast %parallel_loop3A_340 : i32 to index
        %parallel_loop3A_342 = arith.index_cast %parallel_loop3A_190 : i32 to index
        %parallel_loop3A_343 = tpu.vector_load %arg24[%parallel_loop3A_341, %parallel_loop3A_342] {strides = array<i32>} : memref<8x2048xf32, #tpu.memory_space<vmem>>, vector<1x16xf32>,
        %parallel_loop3A_344 = vector.shape_cast %parallel_loop3A_343 : vector<1x16xf32> to vector<16xf32>
        %parallel_loop3A_345 = vector.shape_cast %parallel_loop3A_339 : vector<16xf32> to vector<1x16xf32>
        tpu.vector_store %arg24[%parallel_loop3A_341, %parallel_loop3A_342], %parallel_loop3A_345 {strides = array<i32>} : memref<8x2048xf32, #tpu.memory_space<vmem>>, vector<1x16xf32>,
        %parallel_loop3A_346 = vector.broadcast %convert_element_type3A_167 : f32 to vector<16xf32>
        %parallel_loop3A_347 = arith.mulf %parallel_loop3A_346, %parallel_loop3A_201 : vector<16xf32>
        %parallel_loop3A_348 = arith.addf %parallel_loop3A_195, %parallel_loop3A_347 : vector<16xf32>
        %parallel_loop3A_349 = arith.constant 6 : i32
        %parallel_loop3A_350 = arith.index_cast %parallel_loop3A_349 : i32 to index
        %parallel_loop3A_351 = arith.index_cast %parallel_loop3A_190 : i32 to index
        %parallel_loop3A_352 = tpu.vector_load %arg21[%parallel_loop3A_350, %parallel_loop3A_351] {strides = array<i32>} : memref<8x2048xf32, #tpu.memory_space<vmem>>, vector<1x16xf32>,
        %parallel_loop3A_353 = vector.shape_cast %parallel_loop3A_352 : vector<1x16xf32> to vector<16xf32>
        %parallel_loop3A_354 = arith.constant 6 : i32
        %parallel_loop3A_355 = arith.index_cast %parallel_loop3A_354 : i32 to index
        %parallel_loop3A_356 = arith.index_cast %parallel_loop3A_190 : i32 to index
        %parallel_loop3A_357 = tpu.vector_load %arg22[%parallel_loop3A_355, %parallel_loop3A_356] {strides = array<i32>} : memref<8x2048xf32, #tpu.memory_space<vmem>>, vector<1x16xf32>,
        %parallel_loop3A_358 = vector.shape_cast %parallel_loop3A_357 : vector<1x16xf32> to vector<16xf32>
        %parallel_loop3A_359 = arith.addf %parallel_loop3A_353, %parallel_loop3A_358 : vector<16xf32>
        %parallel_loop3A_360 = arith.addf %parallel_loop3A_359, %parallel_loop3A_348 : vector<16xf32>
        %parallel_loop3A_361 = arith.constant 45.2548332 : f32
        %parallel_loop3A_362 = vector.broadcast %parallel_loop3A_361 : f32 to vector<16xf32>
        %parallel_loop3A_363 = arith.mulf %parallel_loop3A_360, %parallel_loop3A_362 : vector<16xf32>
        %parallel_loop3A_364 = arith.constant 6 : i32
        %parallel_loop3A_365 = arith.index_cast %parallel_loop3A_364 : i32 to index
        %parallel_loop3A_366 = arith.index_cast %parallel_loop3A_190 : i32 to index
        %parallel_loop3A_367 = tpu.vector_load %arg24[%parallel_loop3A_365, %parallel_loop3A_366] {strides = array<i32>} : memref<8x2048xf32, #tpu.memory_space<vmem>>, vector<1x16xf32>,
        %parallel_loop3A_368 = vector.shape_cast %parallel_loop3A_367 : vector<1x16xf32> to vector<16xf32>
        %parallel_loop3A_369 = vector.shape_cast %parallel_loop3A_363 : vector<16xf32> to vector<1x16xf32>
        tpu.vector_store %arg24[%parallel_loop3A_365, %parallel_loop3A_366], %parallel_loop3A_369 {strides = array<i32>} : memref<8x2048xf32, #tpu.memory_space<vmem>>, vector<1x16xf32>,
        %parallel_loop3A_370 = vector.broadcast %convert_element_type3A_170 : f32 to vector<16xf32>
        %parallel_loop3A_371 = arith.mulf %parallel_loop3A_370, %parallel_loop3A_201 : vector<16xf32>
        %parallel_loop3A_372 = arith.addf %parallel_loop3A_195, %parallel_loop3A_371 : vector<16xf32>
        %parallel_loop3A_373 = arith.constant 7 : i32
        %parallel_loop3A_374 = arith.index_cast %parallel_loop3A_373 : i32 to index
        %parallel_loop3A_375 = arith.index_cast %parallel_loop3A_190 : i32 to index
        %parallel_loop3A_376 = tpu.vector_load %arg21[%parallel_loop3A_374, %parallel_loop3A_375] {strides = array<i32>} : memref<8x2048xf32, #tpu.memory_space<vmem>>, vector<1x16xf32>,
        %parallel_loop3A_377 = vector.shape_cast %parallel_loop3A_376 : vector<1x16xf32> to vector<16xf32>
        %parallel_loop3A_378 = arith.constant 7 : i32
        %parallel_loop3A_379 = arith.index_cast %parallel_loop3A_378 : i32 to index
        %parallel_loop3A_380 = arith.index_cast %parallel_loop3A_190 : i32 to index
        %parallel_loop3A_381 = tpu.vector_load %arg22[%parallel_loop3A_379, %parallel_loop3A_380] {strides = array<i32>} : memref<8x2048xf32, #tpu.memory_space<vmem>>, vector<1x16xf32>,
        %parallel_loop3A_382 = vector.shape_cast %parallel_loop3A_381 : vector<1x16xf32> to vector<16xf32>
        %parallel_loop3A_383 = arith.addf %parallel_loop3A_377, %parallel_loop3A_382 : vector<16xf32>
        %parallel_loop3A_384 = arith.addf %parallel_loop3A_383, %parallel_loop3A_372 : vector<16xf32>
        %parallel_loop3A_385 = arith.constant 45.2548332 : f32
        %parallel_loop3A_386 = vector.broadcast %parallel_loop3A_385 : f32 to vector<16xf32>
        %parallel_loop3A_387 = arith.mulf %parallel_loop3A_384, %parallel_loop3A_386 : vector<16xf32>
        %parallel_loop3A_388 = arith.constant 7 : i32
        %parallel_loop3A_389 = arith.index_cast %parallel_loop3A_388 : i32 to index
        %parallel_loop3A_390 = arith.index_cast %parallel_loop3A_190 : i32 to index
        %parallel_loop3A_391 = tpu.vector_load %arg24[%parallel_loop3A_389, %parallel_loop3A_390] {strides = array<i32>} : memref<8x2048xf32, #tpu.memory_space<vmem>>, vector<1x16xf32>,
        %parallel_loop3A_392 = vector.shape_cast %parallel_loop3A_391 : vector<1x16xf32> to vector<16xf32>
        %parallel_loop3A_393 = vector.shape_cast %parallel_loop3A_387 : vector<16xf32> to vector<1x16xf32>
        tpu.vector_store %arg24[%parallel_loop3A_389, %parallel_loop3A_390], %parallel_loop3A_393 {strides = array<i32>} : memref<8x2048xf32, #tpu.memory_space<vmem>>, vector<1x16xf32>,
      } {sc.loop_unroll_factor = 2 : i64, sc.parallel_access}
      %mul3A_174 = arith.constant 8 : i32
      %mul3A_175 = arith.muli %add3A_126, %mul3A_174 : i32
      %add3A_176 = arith.addi %mul3A_2, %mul3A_175 : i32
      %multiple_of3A_177 = tpu.assume_multiple %add3A_176, 8 : i32
      %dma_start3A_178 = arith.constant 0 : i32
      %dma_start3A_179 = tpu.memref_slice %arg15[%multiple_of3A_177, %dma_start3A_178] : memref<8192x2048xf32, #tpu.memory_space<hbm>> -> memref<8x2048xf32, #tpu.memory_space<hbm>>
      %dma_start3A_180 = arith.constant 0 : i32
      %dma_start3A_181 = tpu.memref_slice %arg15[%multiple_of3A_177, %dma_start3A_180] : memref<8192x2048xf32, #tpu.memory_space<hbm>> -> memref<8x2048xf32, #tpu.memory_space<hbm>>
      tpu.enqueue_dma source(%arg24 : memref<8x2048xf32, #tpu.memory_space<vmem>>) target(%dma_start3A_181 : memref<8x2048xf32, #tpu.memory_space<hbm>>) target_semaphore(%arg30 : memref<!tpu.dma_semaphore, #tpu.memory_space<semaphore_mem>>)
      %add3A_182 = arith.constant 2 : i32
      %add3A_183 = arith.addi %add3A_126, %add3A_182 : i32
      %lt3A_184 = arith.constant 32 : i32
      %lt3A_185 = arith.cmpi slt, %add3A_183, %lt3A_184 : i32
      %convert_element_type3A_186 = arith.extui %lt3A_185 : i1 to i32
      %cond3A_187 = arith.constant 0 : i32
      %cond3A_188 = arith.cmpi ne, %convert_element_type3A_186, %cond3A_187 : i32
      scf.if %cond3A_188 {
        %add3A_189 = arith.constant 2 : i32
        %add3A_190 = arith.addi %add3A_128, %add3A_189 : i32
        %dma_start3A_191 = arith.constant 0 : i32
        %dma_start3A_192 = tpu.memref_slice %arg16[%add3A_190, %dma_start3A_191] : memref<64x8xi32, #tpu.memory_space<vmem>> -> memref<1x8xi32, #tpu.memory_space<vmem>>
        %dma_start3A_193 = tpu.memref_squeeze %dma_start3A_192 : memref<1x8xi32, #tpu.memory_space<vmem>> -> memref<8xi32, #tpu.memory_space<vmem>>
        %dma_start3A_194 = arith.constant 0 : i32
        %dma_start3A_195 = arith.constant 0 : i32
        %dma_start3A_196 = tpu.memref_slice %arg11[%dma_start3A_194, %dma_start3A_195] : memref<100000x2048xf32, #tpu.memory_space<hbm>> -> memref<100000x2048xf32, #tpu.memory_space<hbm>>
        tpu.enqueue_indirect_dma source(%dma_start3A_196 : memref<100000x2048xf32, #tpu.memory_space<hbm>>) target(%arg21 : memref<8x2048xf32, #tpu.memory_space<vmem>>) offsets(%dma_start3A_193 : memref<8xi32, #tpu.memory_space<vmem>>) semaphore(%arg28 : memref<!tpu.dma_semaphore, #tpu.memory_space<semaphore_mem>>)
        %dma_start3A_197 = arith.constant 0 : i32
        %dma_start3A_198 = tpu.memref_slice %arg17[%add3A_190, %dma_start3A_197] : memref<64x8xi32, #tpu.memory_space<vmem>> -> memref<1x8xi32, #tpu.memory_space<vmem>>
        %dma_start3A_199 = tpu.memref_squeeze %dma_start3A_198 : memref<1x8xi32, #tpu.memory_space<vmem>> -> memref<8xi32, #tpu.memory_space<vmem>>
        %dma_start3A_200 = arith.constant 0 : i32
        %dma_start3A_201 = arith.constant 0 : i32
        %dma_start3A_202 = tpu.memref_slice %arg12[%dma_start3A_200, %dma_start3A_201] : memref<4096x2048xf32, #tpu.memory_space<hbm>> -> memref<4096x2048xf32, #tpu.memory_space<hbm>>
        tpu.enqueue_indirect_dma source(%dma_start3A_202 : memref<4096x2048xf32, #tpu.memory_space<hbm>>) target(%arg22 : memref<8x2048xf32, #tpu.memory_space<vmem>>) offsets(%dma_start3A_199 : memref<8xi32, #tpu.memory_space<vmem>>) semaphore(%arg28 : memref<!tpu.dma_semaphore, #tpu.memory_space<semaphore_mem>>)
      } else {
      }
    }
    %scan3A_42 = arith.constant 16 : i32
    %dma_wait3A = arith.constant 0 : i32
    %dma_wait3A_43 = arith.constant 0 : i32
    %dma_wait3A_44 = tpu.memref_slice %arg15[%dma_wait3A, %dma_wait3A_43] : memref<8192x2048xf32, #tpu.memory_space<hbm>> -> memref<8x2048xf32, #tpu.memory_space<hbm>>
    %dma_wait3A_45 = arith.constant 0 : i32
    %dma_wait3A_46 = arith.constant 0 : i32
    %dma_wait3A_47 = tpu.memref_slice %arg15[%dma_wait3A_45, %dma_wait3A_46] : memref<8192x2048xf32, #tpu.memory_space<hbm>> -> memref<8x2048xf32, #tpu.memory_space<hbm>>
    tpu.wait_dma2 semaphore(%arg29 : memref<!tpu.dma_semaphore, #tpu.memory_space<semaphore_mem>>) src(%arg23 : memref<8x2048xf32, #tpu.memory_space<vmem>>) dst(%dma_wait3A_47 : memref<8x2048xf32, #tpu.memory_space<hbm>>)
    %dma_wait3A_48 = arith.constant 0 : i32
    %dma_wait3A_49 = arith.constant 0 : i32
    %dma_wait3A_50 = tpu.memref_slice %arg15[%dma_wait3A_48, %dma_wait3A_49] : memref<8192x2048xf32, #tpu.memory_space<hbm>> -> memref<8x2048xf32, #tpu.memory_space<hbm>>
    %dma_wait3A_51 = arith.constant 0 : i32
    %dma_wait3A_52 = arith.constant 0 : i32
    %dma_wait3A_53 = tpu.memref_slice %arg15[%dma_wait3A_51, %dma_wait3A_52] : memref<8192x2048xf32, #tpu.memory_space<hbm>> -> memref<8x2048xf32, #tpu.memory_space<hbm>>
    tpu.wait_dma2 semaphore(%arg30 : memref<!tpu.dma_semaphore, #tpu.memory_space<semaphore_mem>>) src(%arg24 : memref<8x2048xf32, #tpu.memory_space<vmem>>) dst(%dma_wait3A_53 : memref<8x2048xf32, #tpu.memory_space<hbm>>)
    return
  }
}

</mosaic_0001>

<sc_bundles>
// kernel: _twin_emb.3.cloned.1.call-start
scs
__scs_entry_jumppad:
0x0: {  	(pc) =	sbr.rel $0x88, $3  }
0x1: {  	(tag) =	ssettag $0x0;
	lr =	simm.s32 $0x1  }
0x2: {  	[smem:$0x3F95] =	sst lr;
	_ =	strace $0xD0000000  }
0x3: {  	_ = 	snop  }
0x4: {  	_ = 	snop  }
0x5: {  	_ = 	snop  }
0x6: {  	_ = 	snop  }
0x7: {  	_ = 	snop  }
__scs_overlays_trampoline_lowered:
0x8: {  	[smem:$0x3FA4] =	sst s0  }
0x9: {  	[smem:$0x3FA5] =	sst s1  }
0xa: {  	[smem:$0x3FA6] =	sst s2  }
0xb: {  	[smem:$0x3FA7] =	sst s3  }
0xc: {  	[smem:$0x3FA8] =	sst s4  }
0xd: {  	[smem:$0x3FA9] =	sst s5  }
0xe: {  	[smem:$0x3FAA] =	sst s6  }
0xf: {  	[smem:$0x3FAB] =	sst s7  }
0x10: {  	[smem:$0x3FAC] =	sst s8  }
0x11: {  	[smem:$0x3FAD] =	sst s9;
	s0 =	simm.s32 @!p0 $0x0  }
0x12: {  	s1 =	sld [smem:$0x3F93];
	s0 =	simm.s32 @p0 $0x1  }
0x13: {  	[smem:$0x3FAE] =	sst s0;
	s0 =	simm.s32 @!p1 $0x0  }
0x14: {  	s2 =	sld [smem:$0x3F92];
	s0 =	simm.s32 @p1 $0x1  }
0x15: {  	[smem:$0x3FAF] =	sst s0;
	s0 =	simm.s32 @!p2 $0x0  }
0x16: {  	s3 =	sld [smem:$0x3FDB];
	s0 =	simm.s32 @p2 $0x1  }
0x17: {  	s4 =	simm.s32 $0x1BF5;
	[smem:$0x3FB1] =	sst s0  }
0x18: {  	s0 =	sld [smem:$0x3F94];
	_ =	swait.ge [sflag:s4], $0x0  }
0x19: {  	s7 =	sld [smem:$0x3F95]  }
0x1a: {  	s8 =	sadd.s32 $0xFFFFE003, lr  }
0x1b: {  	s9 =	sadd.s32 $0xFFFFFEF7, lr;
	s5 =	simm.s32 $0xFFFFFFFF;
	p2 =	slt.u32 s8, $0xFFFFF086  }
0x1c: {  	p1 =	slt.u32 s9, $0xF7A;
	s5 =	simm.s32 @!p2 $0x0  }
0x1d: {  	s5 =	simm.s32 @p1 $0x1;
	p0 =	seq.s32 s7, s2  }
0x1e: {  	s7 =	smul.u32 @!p0 $0xF7A, s2;
	p2 =	seq.s32 @!p0 s5, $0x0  }
0x1f: {  	s9 =	smul.u32 $0xF7A, s1;
	s8 =	simm.s32 @!p0 $0x1BF5;
	p2 =	por !p2, p0  }
0x20: {  	[sflag:s8] =	ssyncset.s32 @!p0 $0xFFFFF086;
	s6 =	sadd.s32 @!p0 s3, s7;
	s7 =	simm.s32 @!p0 $0x108  }
0x21: {  	s3 =	sadd.s32 s3, s9;
	s6 =	sadd.s32 @!p0 $0x88, s6;
	s7 =	simm.s32 @p2 $0x1082  }
0x22: {  	[simem:s7], [sflag:s8] =	dma.local @!p0 [hbm:s6], $0xF7A  }
0x23: {  	s9 =	sor.u32 $0xD0000000, s2;
	s6 =	simm.s32 $0x108;
	_ =	swait.ge @!p0 [sflag:s8], $0x0  }
0x24: {  	s3 =	sadd.s32 $0x88, s3;
	s6 =	simm.s32 @!p1 $0x1082;
	[sflag:s4] =	ssyncset.s32 $0xFFFFF086  }
0x25: {  	[simem:s6], [sflag:s4] =	dma.local [hbm:s3], $0xF7A  }
0x26: {  	[smem:$0x3F95] =	sst s1;
	(tag) =	ssettag s2;
	_ =	strace s9  }
0x27: {  	s1 =	sld [smem:$0x3FA5]  }
0x28: {  	s2 =	sld [smem:$0x3FA6]  }
0x29: {  	s4 =	sld [smem:$0x3FA8]  }
0x2a: {  	p0 =	seq.s32 s5, $0x0;
	s5 =	sld [smem:$0x3FA9]  }
0x2b: {  	s6 =	sld [smem:$0x3FAA]  }
0x2c: {  	s7 =	sld [smem:$0x3FAB]  }
0x2d: {  	s3 =	simm.s32 $0x108;
	s8 =	sld [smem:$0x3FAC]  }
0x2e: {  	s3 =	simm.s32 @!p0 $0x1082;
	s9 =	sld [smem:$0x3FAD]  }
0x2f: {  	lr =	sadd.s32 s0, s3;
	s0 =	sld [smem:$0x3FA4]  }
0x30: {  	s3 =	sld [smem:$0x3FA7]  }
0x31: {  	[smem:$0x3FB0] =	sst s10  }
0x32: {  	s10 =	sld [smem:$0x3FAE];
	_ =	sdelay $0x3  }
0x33: {  	p0 =	seq.s32 s10, $0x1;
	s10 =	sld [smem:$0x3FB0];
	_ =	sdelay $0x3  }
0x34: {  	[smem:$0x3FB0] =	sst s10  }
0x35: {  	s10 =	sld [smem:$0x3FAF];
	_ =	sdelay $0x3  }
0x36: {  	p1 =	seq.s32 s10, $0x1;
	s10 =	sld [smem:$0x3FB0];
	_ =	sdelay $0x3  }
0x37: {  	[smem:$0x3FB0] =	sst s10  }
0x38: {  	s10 =	sld [smem:$0x3FB1]  }
0x39: {  	_ = 	snop;
	(pc) =	sbr.ind lr, $3  }
0x3a: {  	_ = 	snop  }
0x3b: {  	_ = 	snop  }
0x3c: {  	p2 =	seq.s32 s10, $0x1;
	s10 =	sld [smem:$0x3FB0]  }
0x3d: {  	_ =	shalt  }
0x3e: {  	_ =	shalt  }
0x3f: {  	_ =	shalt  }
0x40: {  	_ =	shalt  }
0x41: {  	_ =	shalt  }
0x42: {  	_ =	shalt  }
0x43: {  	_ =	shalt  }
0x44: {  	_ =	shalt  }
0x45: {  	_ =	shalt  }
0x46: {  	_ =	shalt  }
0x47: {  	_ =	shalt  }
0x48: {  	_ =	shalt  }
0x49: {  	_ =	shalt  }
0x4a: {  	_ =	shalt  }
0x4b: {  	_ =	shalt  }
0x4c: {  	_ =	shalt  }
0x4d: {  	_ =	shalt  }
0x4e: {  	_ =	shalt  }
0x4f: {  	_ =	shalt  }
0x50: {  	_ =	shalt  }
0x51: {  	_ =	shalt  }
0x52: {  	_ =	shalt  }
0x53: {  	_ =	shalt  }
0x54: {  	_ =	shalt  }
0x55: {  	_ =	shalt  }
0x56: {  	_ =	shalt  }
0x57: {  	_ =	shalt  }
0x58: {  	_ =	shalt  }
0x59: {  	_ =	shalt  }
0x5a: {  	_ =	shalt  }
0x5b: {  	_ =	shalt  }
0x5c: {  	_ =	shalt  }
0x5d: {  	_ =	shalt  }
0x5e: {  	_ =	shalt  }
0x5f: {  	_ =	shalt  }
0x60: {  	_ =	shalt  }
0x61: {  	_ =	shalt  }
0x62: {  	_ =	shalt  }
0x63: {  	_ =	shalt  }
0x64: {  	_ =	shalt  }
0x65: {  	_ =	shalt  }
0x66: {  	_ =	shalt  }
0x67: {  	_ =	shalt  }
0x68: {  	_ =	shalt  }
0x69: {  	_ =	shalt  }
0x6a: {  	_ =	shalt  }
0x6b: {  	_ =	shalt  }
0x6c: {  	_ =	shalt  }
0x6d: {  	_ =	shalt  }
0x6e: {  	_ =	shalt  }
0x6f: {  	_ =	shalt  }
0x70: {  	_ =	shalt  }
0x71: {  	_ =	shalt  }
0x72: {  	_ =	shalt  }
0x73: {  	_ =	shalt  }
0x74: {  	_ =	shalt  }
0x75: {  	_ =	shalt  }
0x76: {  	_ =	shalt  }
0x77: {  	_ =	shalt  }
0x78: {  	_ =	shalt  }
0x79: {  	_ =	shalt  }
0x7a: {  	_ =	shalt  }
0x7b: {  	_ =	shalt  }
0x7c: {  	_ =	shalt  }
0x7d: {  	_ =	shalt  }
0x7e: {  	_ =	shalt  }
0x7f: {  	_ =	shalt  }
0x80: {  	_ =	shalt  }
0x81: {  	_ =	shalt  }
0x82: {  	_ =	shalt  }
0x83: {  	_ =	shalt  }
0x84: {  	_ =	shalt  }
0x85: {  	_ =	shalt  }
0x86: {  	_ =	shalt  }
0x87: {  	_ =	shalt  }
.Lfunc_end0:
.L_simem_size_0:
called_computation_lowered:
.L_overlay_start_0:
0x88: {  	s2 =	sld [smem:$0x3FD9]  }
0x89: {  	s3 =	sld [smem:$0x3FFE];
	_ =	sdelay $0x1  }
0x8a: {  	s1 =	srdreg.scid  }
0x8b: {  	s0 =	sand.u32 $0x1, s1  }
0x8c: {  	s29 =	sshll.u32 s0, $0xA;
	s2 =	sadd.s32 s3, s2  }
0x8d: {  	s2 =	sadd.s32 s2, s29  }
0x8e: {  	[smem:$0x3FBC] =	sst s2  }
0x8f: {  	_ = 	snop  }
0x90: {  	s2 =	sld [smem:$0x3FC7]  }
0x91: {  	s30 =	sld [smem:$0x3FC4]  }
0x92: {  	s4 =	sld [smem:$0x3FC3]  }
0x93: {  	s5 =	sld [smem:$0x3FC2]  }
0x94: {  	s6 =	sld [smem:$0x3FC1]  }
0x95: {  	s7 =	sld [smem:$0x3FD0]  }
0x96: {  	s8 =	sld [smem:$0x3FC0]  }
0x97: {  	s9 =	sld [smem:$0x3FBF]  }
0x98: {  	s11 =	simm.s32 $0xA;
	s12 =	simm.s32 $0x10;
	s10 =	sld [smem:$0x3FBE]  }
0x99: {  	[smem:s12], [sflag:s11] =	dma.local [hbm:s7], $0x1  }
0x9a: {  	_ =	swait.eq [sflag:s11], $0x1  }
0x9b: {  	[sflag:s11] =	ssyncset.done $0x0  }
0x9c: {  	s31 =	sld [smem:$0x10];
	[sflag:s11] =	ssyncadd.s32 $0xFFFFFFFF  }
0x9d: {  	s17 =	sld [smem:$0x11];
	(tm) =	ssettm $0x1  }
0x9e: {  	s18 =	sld [smem:$0x3FFB];
	_ =	sdelay $0x3  }
0x9f: {  	_ =	strace s18  }
0xa0: {  	s12 =	sld [smem:$0x3FFC];
	_ =	sdelay $0x3  }
0xa1: {  	_ =	strace s12  }
0xa2: {  	s12 =	sld [smem:$0x3FFD];
	_ =	sdelay $0x3  }
0xa3: {  	_ =	strace s12  }
0xa4: {  	_ =	strace $0x8FFFFFFF  }
0xa5: {  	s19 =	sld [smem:$0x3FDB];
	_ =	sdelay $0x1  }
0xa6: {  	s13 =	simm.s32 $_scs_section_size  }
0xa7: {  	s14 =	simm.s32 $_size__tile_overlayer_lowered;
	s15 =	simm.s32 $_tile_overlayer_lowered  }
0xa8: {  	s22 =	simm.s32 $0x1BFF;
	s21 =	sshll.u32 s15, $0x1;
	s12 =	sadd.s32 s13, s19  }
0xa9: {  	s16 =	simm.s32 $0x0;
	s20 =	sshll.u32 s14, $0x1;
	s14 =	sadd.s32 s21, s12  }
0xaa: {  	[timem:s16], [sflag:s22] =	dma.local [hbm:s14], s20  }
0xab: {  	_ =	swait.ge [sflag:s22], s20  }
0xac: {  	s13 =	ssub.s32 $0x0, s20;
	[sflag:s22] =	ssyncset.done $0x0  }
0xad: {  	[sflag:s22] =	ssyncadd.s32 s13;
	_ =	sdelay $0x1  }
0xae: {  	s23 =	simm.s32 $0x1B8B  }
0xaf: {  	_ =	swait.ge [sflag:s23], $0x1  }
0xb0: {  	[sflag:s23] =	ssyncset.done $0x0  }
0xb1: {  	s25 =	simm.s32 $0x1B8E;
	s24 =	sld [smem:$0x3FFE];
	[sflag:s23] =	ssyncadd.s32 $0xFFFFFFFF  }
0xb2: {  	s26 =	simm.s32 $execute0_lowered;
	[smem:$0x3FD2] =	sst s25  }
0xb3: {  	s14 =	sshll.u32 s26, $0x1;
	_ =	strace $0x80000046;
	[dreg:$0x1] =	wrdreg $0xFFFFFFFF  }
0xb4: {  	s28 =	simm.s32 $_size_execute0_lowered;
	s12 =	sadd.s32 s12, s14;
	[dreg:$0x0] =	wrdreg $0x0  }
0xb5: {  	s14 =	sshll.u32 s28, $0x1;
	[dreg:$0x2] =	wrdreg s12  }
0xb6: {  	[dreg:$0x3] =	wrdreg s14  }
0xb7: {  	[dreg:$0x4] =	wrdreg $0xC0  }
0xb8: {  	_ =	task [dreg:s16], $0x5FFFF  }
0xb9: {  	[dreg:$0x1] =	wrdreg $0xFFFFFFFF  }
0xba: {  	[dreg:$0x0] =	wrdreg $0x60  }
0xbb: {  	[dreg:$0x2] =	wrdreg s24  }
0xbc: {  	[dreg:$0x3] =	wrdreg s2  }
0xbd: {  	[dreg:$0x4] =	wrdreg s30  }
0xbe: {  	[dreg:$0x5] =	wrdreg s4  }
0xbf: {  	[dreg:$0x6] =	wrdreg s5  }
0xc0: {  	[dreg:$0x7] =	wrdreg s6  }
0xc1: {  	[dreg:$0x8] =	wrdreg s8  }
0xc2: {  	[dreg:$0x9] =	wrdreg s9  }
0xc3: {  	[dreg:$0xa] =	wrdreg s10  }
0xc4: {  	[dreg:$0xb] =	wrdreg s31  }
0xc5: {  	[dreg:$0xc] =	wrdreg s17  }
0xc6: {  	[dreg:$0xd] =	wrdreg $0x9  }
0xc7: {  	_ =	task.clear_ibuf [dreg:s16], $0xEFFFF;
	_ =	strace $0x90000046  }
0xc8: {  	s29 =	simm.s32 $0x9;
	_ =	strace $0x80000048  }
0xc9: {  	_ =	swait.ge [sflag:s29], $0x1  }
0xca: {  	[sflag:s29] =	ssyncadd.s32 $0xFFFFFFFF  }
0xcb: {  	_ =	strace $0x90000048  }
0xcc: {  	_ =	sfence  }
0xcd: {  	s30 =	sld [smem:$0x0];
	_ =	sdelay $0x2  }
0xce: {  	s31 =	sshll.u32 s1, $0xD;
	s1 =	sshrl.u32 s1, $0x2  }
0xcf: {  	s3 =	sand.u32 $0x4000, s31;
	s1 =	sadd.s32 s1, s30  }
0xd0: {  	s0 =	sor.u32 s3, s0;
	s1 =	sshll.u32 s1, $0x11  }
0xd1: {  	s0 =	sor.u32 s1, s0  }
0xd2: {  	s0 =	sadd.s32 $0x8F2B, s0  }
0xd3: {  	[sflag:s0] =	ssyncadd.remote.s32 $0x1  }
0xd4: {  	_ =	sfence.sel $0xFFFF  }
0xd5: {  	[dreg:$0x0] =	wrdreg $0xFFFFFFFF;
	(pc) =	sbr.abs _section_cstart, $3  }
0xd6: {  	[dreg:$0x1] =	wrdreg $0xFFFFFFFF  }
0xd7: {  	_ =	task.clear_ibuf [dreg:s16], $0x2FFFF;
	_ =	strace $0x9FFFFFFF  }
0xd8: {  	(tm) =	ssettm $0x7FFFFFFF  }
0xd9: {  	_ =	shalt  }
tec
execute0_lowered:
.L_overlay_start_1:
0x0: {  	(tag) =	ssettag $0x1  }
0x1: {  	s0 =	rddreg [dreg:$0x0]  }
0x2: {  	s1 =	rddreg [dreg:$0x1]  }
0x3: {  	s2 =	rddreg [dreg:$0x2]  }
0x4: {  	s7 =	rddreg [dreg:$0x3]  }
0x5: {  	s8 =	rddreg [dreg:$0x4]  }
0x6: {  	s9 =	rddreg [dreg:$0x6]  }
0x7: {  	s12 =	rddreg [dreg:$0x7];
	s10 =	simm.s32 $0x0  }
0x8: {  	[smem:$0x7FF] =	sst s10;
	s30 =	sadd.s32 $0x100, s7  }
0x9: {  	s31 =	sadd.s32 $0x200, s7;
	_ =	strace $0x80000047;
	[dreg:$0xe] =	wrdreg s30  }
0xa: {  	s14 =	sadd.s32 $0x400, s7;
	[dreg:$0xf] =	wrdreg s31  }
0xb: {  	s15 =	sadd.s32 $0x500, s7;
	[dreg:$0x11] =	wrdreg s14  }
0xc: {  	s16 =	sadd.s32 $0x600, s7;
	[dreg:$0x12] =	wrdreg s15  }
0xd: {  	s17 =	sadd.s32 $0x700, s7;
	[dreg:$0x13] =	wrdreg s16  }
0xe: {  	s21 =	sadd.s32 $0x100, s8;
	[dreg:$0x14] =	wrdreg s17  }
0xf: {  	s3 =	srdreg.scid;
	s22 =	sadd.s32 $0x200, s8;
	[dreg:$0x1a] =	wrdreg s21  }
0x10: {  	s4 =	stileid.u32;
	s23 =	sadd.s32 $0x300, s8;
	[dreg:$0x1b] =	wrdreg s22  }
0x11: {  	s3 =	sand.u32 $0x1, s3;
	s24 =	sadd.s32 $0x400, s8;
	[dreg:$0x1c] =	wrdreg s23  }
0x12: {  	s4 =	sshll.u32 s4, $0x1;
	s25 =	sadd.s32 $0x500, s8;
	[dreg:$0x1d] =	wrdreg s24  }
0x13: {  	s26 =	sadd.s32 $0x600, s8;
	s28 =	sadd.s32 $0x700, s8;
	[dreg:$0x1e] =	wrdreg s25  }
0x14: {  	s8 =	sadd.s32 $0x500, s12;
	s4 =	sor.u32 s3, s4;
	[dreg:$0x1f] =	wrdreg s26  }
0x15: {  	s3 =	ssub.s32 $0x2, s3;
	[smem:$0x7F8] =	sst s28;
	s30 =	sadd.s32 $0x300, s9  }
0x16: {  	s31 =	sadd.s32 $0x400, s9;
	s21 =	sadd.s32 $0x500, s9;
	s22 =	sadd.s32 $0x600, s9  }
0x17: {  	s23 =	sadd.s32 $0x700, s9;
	s24 =	sadd.s32 $0x100, s12;
	s25 =	sadd.s32 $0x200, s12  }
0x18: {  	s14 =	simm.s32 $0x4;
	s15 =	simm.s32 $0x2;
	[smem:$0x7FA] =	sst s30  }
0x19: {  	s5 =	sshll.u32 s4, $0x9;
	s6 =	sshrl.u32 s3, $0x1;
	[smem:$0x7FB] =	sst s31  }
0x1a: {  	s11 =	sshll.u32 s4, $0x8;
	s4 =	sshll.u32 s4, $0x7;
	[smem:$0x7FC] =	sst s21  }
0x1b: {  	s0 =	sadd.s32 s5, s0;
	s3 =	ssub.s32 s3, s6;
	s6 =	sadd.s32 $0x300, s7  }
0x1c: {  	s13 =	sand.u32 $0x1800, s11;
	s5 =	sadd.s32 $0x600, s0;
	[dreg:$0x10] =	wrdreg s6  }
0x1d: {  	s4 =	sand.u32 $0x380, s4;
	s29 =	sadd.s32 $0x4600, s0;
	[dreg:$0xc] =	wrdreg s5  }
0x1e: {  	s4 =	sor.u32 s4, s13;
	s19 =	sadd.s32 $0x8600, s0;
	[dreg:$0xd] =	wrdreg s29  }
0x1f: {  	s0 =	sadd.s32 $0xC600, s0;
	s20 =	smax.u32 s3, $0x1;
	[dreg:$0x17] =	wrdreg s19  }
0x20: {  	s13 =	sadd.s32 $0x100, s9;
	s3 =	sadd.s32 $0x700, s12;
	[dreg:$0x18] =	wrdreg s0  }
.Ltmp0:
0x21: {  	s4 =	sshrl.u32 s4, $0x3;
	[dreg:$0x19] =	wrdreg s20;
	(pc) =	sbr.rel .LBB2_1-.Ltmp0, $4  }
0x22: {  	s29 =	sadd.s32 $0x200, s9;
	s0 =	sadd.s32 $0x300, s12;
	[smem:$0x7FD] =	sst s13  }
0x23: {  	v0 =	vlaneseq.u32;
	s9 =	sadd.s32 $0x600, s12;
	s1 =	sadd.s32 s1, s4;
	[smem:$0x7F9] =	sst s29  }
0x24: {  	v1 =	vshrl.u32 v0, $0x3;
	s5 =	simm.s32 $0x1;
	s18 =	sadd.s32 s2, s4;
	[dreg:$0x15] =	wrdreg s1  }
0x25: {  	vm0 =	vmmov $0xffff;
	v0 =	vand.u32 $0x7, v0;
	v1 =	vmul.u32 $0x8, v1;
	s4 =	simm.s32 $0x0;
	[dreg:$0x16] =	wrdreg s18;
	s1 =	sadd.s32 $0x400, s12  }
.LBB2_19:
0x26: {  	s2 =	simm.s32 $0x3  }
0x27: {  	_ =	swait.ge [sflag:s2], $0x4000  }
0x28: {  	[sflag:s2] =	ssyncset.done $0x0  }
0x29: {  	[sflag:s2] =	ssyncadd.s32 $0xFFFFC000  }
0x2a: {  	_ =	swait.ge [sflag:s14], $0x4000  }
0x2b: {  	s4 =	sld [smem:$0x7F7];
	_ =	sdelay $0x2  }
0x2c: {  	s31 =	rddreg [dreg:$0x19];
	s4 =	sadd.s32 $0x1, s4  }
0x2d: {  	p0 =	sne.s32 s4, s31  }
.Ltmp1:
0x2e: {  	_ = 	snop;
	(pc) =	sbr.rel @!p0 .LBB2_20-.Ltmp1, $3  }
0x2f: {  	_ =	sdelay $0x1  }
0x30: {  	[sflag:s14] =	ssyncset.done $0x0  }
0x31: {  	[sflag:s14] =	ssyncadd.s32 $0xFFFFC000  }
.LBB2_1:
0x32: {  	[smem:$0x7F7] =	sst s4  }
0x33: {  	s2 =	rddreg [dreg:$0x5];
	s7 =	simm.s32 $0x1C200;
	s21 =	simm.s32 $0x5  }
0x34: {  	[tilespmem:s7], [sflag:$0x5] =	stream.linear.gather [hbm4b:s2+s10], $0x1000, $0x38;
	[tilespmem:$0x1E200] =	vst v63  }
0x35: {  	_ =	swait.ge [sflag:s21], $0x1000  }
0x36: {  	[sflag:s21] =	ssyncset.done $0x0  }
0x37: {  	[sflag:s21] =	ssyncadd.s32 $0xFFFFF000  }
0x38: {  	s13 =	simm.s32 $0x1D200;
	s12 =	rddreg [dreg:$0x8]  }
0x39: {  	[tilespmem:s13], [sflag:$0x5] =	stream.linear.gather [hbm4b:s12+s10], $0x1000, $0x38;
	[tilespmem:$0x1E200] =	vst v63  }
0x3a: {  	_ =	swait.ge [sflag:s21], $0x1000  }
0x3b: {  	[sflag:s21] =	ssyncset.done $0x0  }
0x3c: {  	s16 =	rddreg [dreg:$0xc];
	[sflag:s21] =	ssyncadd.s32 $0xFFFFF000  }
0x3d: {  	[tilespmem:s10], [sflag:$0x5] =	stream.linear.gather [hbm4b:s16+s10], $0x1000, $0x38;
	[tilespmem:$0x1E200] =	vst v63  }
0x3e: {  	_ =	swait.ge [sflag:s21], $0x1000  }
0x3f: {  	[sflag:s21] =	ssyncset.done $0x0  }
0x40: {  	s18 =	simm.s32 $0x2000;
	s17 =	rddreg [dreg:$0xd];
	[sflag:s21] =	ssyncadd.s32 $0xFFFFF000  }
0x41: {  	[tilespmem:s18], [sflag:$0x5] =	stream.linear.gather [hbm4b:s17+s10], $0x1000, $0x38;
	[tilespmem:$0x1E200] =	vst v63  }
0x42: {  	_ =	swait.ge [sflag:s21], $0x1000  }
0x43: {  	[sflag:s21] =	ssyncset.done $0x0  }
0x44: {  	[sflag:s21] =	ssyncadd.s32 $0xFFFFF000  }
0x45: {  	v2 =	vld.msk [tilespmem:$0x0], $0xff;
	_ =	sdelay $0x4  }
0x46: {  	v3 =	vshll.u32 v2, $0x4  }
0x47: {  	v2 =	vand.u32 $0x7, v2;
	v3 =	vand.u32 $0xFFFFFF80, v3  }
0x48: {  	v2 =	vor.u32 v2, v3  }
0x49: {  	v2 =	vperm.xlane v2, v0;
	_ =	sdelay $0x1  }
0x4a: {  	v2 =	vadd.s32 v1, v2;
	_ =	sdelay $0x3  }
0x4b: {  	s20 =	simm.s32 $0x4200;
	s19 =	rddreg [dreg:$0x3]  }
0x4c: {  	[tilespmem:s20], [sflag:$0x1] =	stream.indirect_vreg.gather [hbm4b:s19+s10], $0x80, v2, vm0, $0xb8;
	[tilespmem:$0x1E200] =	vst v63  }
0x4d: {  	s26 =	simm.s32 $0x4A00;
	s6 =	rddreg [dreg:$0xe]  }
0x4e: {  	[tilespmem:s26], [sflag:$0x1] =	stream.indirect_vreg.gather [hbm4b:s6+s10], $0x80, v2, vm0, $0xb8;
	[tilespmem:$0x1E200] =	vst v63  }
0x4f: {  	s28 =	simm.s32 $0x5200;
	s7 =	rddreg [dreg:$0xf]  }
0x50: {  	[tilespmem:s28], [sflag:$0x1] =	stream.indirect_vreg.gather [hbm4b:s7+s10], $0x80, v2, vm0, $0xb8;
	[tilespmem:$0x1E200] =	vst v63  }
0x51: {  	s29 =	simm.s32 $0x5A00;
	s12 =	rddreg [dreg:$0x10]  }
0x52: {  	[tilespmem:s29], [sflag:$0x1] =	stream.indirect_vreg.gather [hbm4b:s12+s10], $0x80, v2, vm0, $0xb8;
	[tilespmem:$0x1E200] =	vst v63  }
0x53: {  	s30 =	simm.s32 $0x6200;
	s16 =	rddreg [dreg:$0x11]  }
0x54: {  	[tilespmem:s30], [sflag:$0x1] =	stream.indirect_vreg.gather [hbm4b:s16+s10], $0x80, v2, vm0, $0xb8;
	[tilespmem:$0x1E200] =	vst v63  }
0x55: {  	s31 =	simm.s32 $0x6A00;
	s17 =	rddreg [dreg:$0x12]  }
0x56: {  	[tilespmem:s31], [sflag:$0x1] =	stream.indirect_vreg.gather [hbm4b:s17+s10], $0x80, v2, vm0, $0xb8;
	[tilespmem:$0x1E200] =	vst v63  }
0x57: {  	s4 =	simm.s32 $0x7200;
	s18 =	rddreg [dreg:$0x13]  }
0x58: {  	[tilespmem:s4], [sflag:$0x1] =	stream.indirect_vreg.gather [hbm4b:s18+s10], $0x80, v2, vm0, $0xb8;
	[tilespmem:$0x1E200] =	vst v63  }
0x59: {  	s13 =	simm.s32 $0x7A00;
	s19 =	rddreg [dreg:$0x14]  }
0x5a: {  	[tilespmem:s13], [sflag:$0x1] =	stream.indirect_vreg.gather [hbm4b:s19+s10], $0x80, v2, vm0, $0xb8;
	[tilespmem:$0x1E200] =	vst v63  }
0x5b: {  	v2 =	vld.msk [tilespmem:$0x2000], $0xff;
	_ =	sdelay $0x4  }
0x5c: {  	v3 =	vshll.u32 v2, $0x4  }
0x5d: {  	v2 =	vand.u32 $0x7, v2;
	v3 =	vand.u32 $0xFFFFFF80, v3  }
0x5e: {  	v2 =	vor.u32 v2, v3  }
0x5f: {  	v2 =	vperm.xlane v2, v0;
	_ =	sdelay $0x1  }
0x60: {  	v2 =	vadd.s32 v1, v2;
	_ =	sdelay $0x3  }
0x61: {  	s20 =	rddreg [dreg:$0x4];
	s26 =	simm.s32 $0x8200  }
0x62: {  	[tilespmem:s26], [sflag:$0x1] =	stream.indirect_vreg.gather [hbm4b:s20+s10], $0x80, v2, vm0, $0xb8;
	[tilespmem:$0x1E200] =	vst v63  }
0x63: {  	s28 =	simm.s32 $0x8A00;
	s20 =	rddreg [dreg:$0x1a]  }
0x64: {  	[tilespmem:s28], [sflag:$0x1] =	stream.indirect_vreg.gather [hbm4b:s20+s10], $0x80, v2, vm0, $0xb8;
	[tilespmem:$0x1E200] =	vst v63  }
0x65: {  	s29 =	simm.s32 $0x9200;
	s26 =	rddreg [dreg:$0x1b]  }
0x66: {  	[tilespmem:s29], [sflag:$0x1] =	stream.indirect_vreg.gather [hbm4b:s26+s10], $0x80, v2, vm0, $0xb8;
	[tilespmem:$0x1E200] =	vst v63  }
0x67: {  	s30 =	simm.s32 $0x9A00;
	s28 =	rddreg [dreg:$0x1c]  }
0x68: {  	[tilespmem:s30], [sflag:$0x1] =	stream.indirect_vreg.gather [hbm4b:s28+s10], $0x80, v2, vm0, $0xb8;
	[tilespmem:$0x1E200] =	vst v63  }
0x69: {  	s31 =	simm.s32 $0xA200;
	s29 =	rddreg [dreg:$0x1d]  }
0x6a: {  	[tilespmem:s31], [sflag:$0x1] =	stream.indirect_vreg.gather [hbm4b:s29+s10], $0x80, v2, vm0, $0xb8;
	[tilespmem:$0x1E200] =	vst v63  }
0x6b: {  	s4 =	simm.s32 $0xAA00;
	s30 =	rddreg [dreg:$0x1e]  }
0x6c: {  	[tilespmem:s4], [sflag:$0x1] =	stream.indirect_vreg.gather [hbm4b:s30+s10], $0x80, v2, vm0, $0xb8;
	[tilespmem:$0x1E200] =	vst v63  }
0x6d: {  	s13 =	simm.s32 $0xB200;
	s31 =	rddreg [dreg:$0x1f]  }
0x6e: {  	[tilespmem:s13], [sflag:$0x1] =	stream.indirect_vreg.gather [hbm4b:s31+s10], $0x80, v2, vm0, $0xb8;
	[tilespmem:$0x1E200] =	vst v63  }
0x6f: {  	s13 =	sld [smem:$0x7F8];
	_ =	sdelay $0x1  }
0x70: {  	s2 =	simm.s32 $0xBA00  }
0x71: {  	[tilespmem:s2], [sflag:$0x1] =	stream.indirect_vreg.gather [hbm4b:s13+s10], $0x80, v2, vm0, $0xb8;
	[tilespmem:$0x1E200] =	vst v63  }
0x72: {  	v2 =	vld.msk [tilespmem:$0x80], $0xff;
	_ =	sdelay $0x4  }
0x73: {  	v3 =	vshll.u32 v2, $0x4  }
0x74: {  	v2 =	vand.u32 $0x7, v2;
	v3 =	vand.u32 $0xFFFFFF80, v3  }
0x75: {  	v2 =	vor.u32 v2, v3  }
0x76: {  	v2 =	vperm.xlane v2, v0;
	_ =	sdelay $0x1  }
0x77: {  	v2 =	vadd.s32 v1, v2;
	_ =	sdelay $0x3  }
0x78: {  	s4 =	simm.s32 $0xC200;
	s2 =	rddreg [dreg:$0x3]  }
0x79: {  	[tilespmem:s4], [sflag:$0x2] =	stream.indirect_vreg.gather [hbm4b:s2+s10], $0x80, v2, vm0, $0xb8;
	[tilespmem:$0x1E200] =	vst v63  }
0x7a: {  	s2 =	simm.s32 $0xCA00  }
0x7b: {  	[tilespmem:s2], [sflag:$0x2] =	stream.indirect_vreg.gather [hbm4b:s6+s10], $0x80, v2, vm0, $0xb8;
	[tilespmem:$0x1E200] =	vst v63  }
0x7c: {  	s6 =	simm.s32 $0xD200  }
0x7d: {  	[tilespmem:s6], [sflag:$0x2] =	stream.indirect_vreg.gather [hbm4b:s7+s10], $0x80, v2, vm0, $0xb8;
	[tilespmem:$0x1E200] =	vst v63  }
0x7e: {  	s2 =	simm.s32 $0xDA00  }
0x7f: {  	[tilespmem:s2], [sflag:$0x2] =	stream.indirect_vreg.gather [hbm4b:s12+s10], $0x80, v2, vm0, $0xb8;
	[tilespmem:$0x1E200] =	vst v63  }
0x80: {  	s6 =	simm.s32 $0xE200  }
0x81: {  	[tilespmem:s6], [sflag:$0x2] =	stream.indirect_vreg.gather [hbm4b:s16+s10], $0x80, v2, vm0, $0xb8;
	[tilespmem:$0x1E200] =	vst v63  }
0x82: {  	s7 =	simm.s32 $0xEA00  }
0x83: {  	[tilespmem:s7], [sflag:$0x2] =	stream.indirect_vreg.gather [hbm4b:s17+s10], $0x80, v2, vm0, $0xb8;
	[tilespmem:$0x1E200] =	vst v63  }
0x84: {  	s12 =	simm.s32 $0xF200  }
0x85: {  	[tilespmem:s12], [sflag:$0x2] =	stream.indirect_vreg.gather [hbm4b:s18+s10], $0x80, v2, vm0, $0xb8;
	[tilespmem:$0x1E200] =	vst v63  }
0x86: {  	s16 =	simm.s32 $0xFA00  }
0x87: {  	[tilespmem:s16], [sflag:$0x2] =	stream.indirect_vreg.gather [hbm4b:s19+s10], $0x80, v2, vm0, $0xb8;
	[tilespmem:$0x1E200] =	vst v63  }
0x88: {  	v2 =	vld.msk [tilespmem:$0x2080], $0xff;
	_ =	sdelay $0x4  }
0x89: {  	v3 =	vshll.u32 v2, $0x4  }
0x8a: {  	v2 =	vand.u32 $0x7, v2;
	v3 =	vand.u32 $0xFFFFFF80, v3  }
0x8b: {  	v2 =	vor.u32 v2, v3  }
0x8c: {  	v2 =	vperm.xlane v2, v0;
	_ =	sdelay $0x1  }
0x8d: {  	v2 =	vadd.s32 v1, v2;
	_ =	sdelay $0x3  }
0x8e: {  	s17 =	simm.s32 $0x10200;
	s18 =	rddreg [dreg:$0x4]  }
0x8f: {  	[tilespmem:s17], [sflag:$0x2] =	stream.indirect_vreg.gather [hbm4b:s18+s10], $0x80, v2, vm0, $0xb8;
	[tilespmem:$0x1E200] =	vst v63  }
0x90: {  	s19 =	simm.s32 $0x10A00  }
0x91: {  	[tilespmem:s19], [sflag:$0x2] =	stream.indirect_vreg.gather [hbm4b:s20+s10], $0x80, v2, vm0, $0xb8;
	[tilespmem:$0x1E200] =	vst v63  }
0x92: {  	s20 =	simm.s32 $0x11200  }
0x93: {  	[tilespmem:s20], [sflag:$0x2] =	stream.indirect_vreg.gather [hbm4b:s26+s10], $0x80, v2, vm0, $0xb8;
	[tilespmem:$0x1E200] =	vst v63  }
0x94: {  	s26 =	simm.s32 $0x11A00  }
0x95: {  	[tilespmem:s26], [sflag:$0x2] =	stream.indirect_vreg.gather [hbm4b:s28+s10], $0x80, v2, vm0, $0xb8;
	[tilespmem:$0x1E200] =	vst v63  }
0x96: {  	s2 =	simm.s32 $0x12200  }
0x97: {  	[tilespmem:s2], [sflag:$0x2] =	stream.indirect_vreg.gather [hbm4b:s29+s10], $0x80, v2, vm0, $0xb8;
	[tilespmem:$0x1E200] =	vst v63  }
0x98: {  	s6 =	simm.s32 $0x12A00  }
0x99: {  	[tilespmem:s6], [sflag:$0x2] =	stream.indirect_vreg.gather [hbm4b:s30+s10], $0x80, v2, vm0, $0xb8;
	[tilespmem:$0x1E200] =	vst v63  }
0x9a: {  	s7 =	simm.s32 $0x13200  }
0x9b: {  	[tilespmem:s7], [sflag:$0x2] =	stream.indirect_vreg.gather [hbm4b:s31+s10], $0x80, v2, vm0, $0xb8;
	[tilespmem:$0x1E200] =	vst v63  }
0x9c: {  	s12 =	simm.s32 $0x13A00  }
0x9d: {  	[tilespmem:s12], [sflag:$0x2] =	stream.indirect_vreg.gather [hbm4b:s13+s10], $0x80, v2, vm0, $0xb8;
	[tilespmem:$0x1E200] =	vst v63  }
0x9e: {  	s16 =	rddreg [dreg:$0x17];
	s17 =	simm.s32 $0x1000  }
0x9f: {  	[tilespmem:s17], [sflag:$0x5] =	stream.linear.gather [hbm4b:s16+s10], $0x1000, $0x38;
	[tilespmem:$0x1E200] =	vst v63  }
0xa0: {  	s13 =	sld [smem:$0x7FD];
	_ =	swait.ge [sflag:s21], $0x1000  }
0xa1: {  	[sflag:s21] =	ssyncset.done $0x0  }
0xa2: {  	s19 =	simm.s32 $0x3000;
	s18 =	rddreg [dreg:$0x18];
	[sflag:s21] =	ssyncadd.s32 $0xFFFFF000  }
0xa3: {  	[tilespmem:s19], [sflag:$0x5] =	stream.linear.gather [hbm4b:s18+s10], $0x1000, $0x38;
	[tilespmem:$0x1E200] =	vst v63  }
0xa4: {  	_ =	swait.ge [sflag:s21], $0x1000  }
0xa5: {  	s26 =	simm.s32 $0x80;
	s28 =	simm.s32 $0x400;
	[sflag:s21] =	ssyncset.done $0x0  }
0xa6: {  	s29 =	simm.s32 $0x4000;
	s20 =	rddreg [dreg:$0x15];
	[sflag:s21] =	ssyncadd.s32 $0xFFFFF000  }
0xa7: {  	[tilespmem:s29], [sflag:$0x5] =	stream.strided.gather [hbm4b:s20+s26], $0x100, s28, s26, $0x38;
	[tilespmem:$0x1E200] =	vst v63  }
0xa8: {  	_ =	swait.ge [sflag:s21], $0x100  }
0xa9: {  	[sflag:s21] =	ssyncset.done $0x0  }
0xaa: {  	s31 =	simm.s32 $0x4100;
	s30 =	rddreg [dreg:$0x16];
	[sflag:s21] =	ssyncadd.s32 $0xFFFFFF00  }
0xab: {  	[tilespmem:s31], [sflag:$0x5] =	stream.strided.gather [hbm4b:s30+s26], $0x100, s28, s26, $0x38;
	[tilespmem:$0x1E200] =	vst v63  }
0xac: {  	_ =	swait.ge [sflag:s21], $0x100  }
0xad: {  	[sflag:s21] =	ssyncset.done $0x0  }
0xae: {  	s17 =	simm.s32 $0x0;
	[sflag:s21] =	ssyncadd.s32 $0xFFFFFF00;
	s21 =	sld [smem:$0x7FC]  }
.LBB2_2:
0xaf: {  	p0 =	seq.s32 s17, $0x0  }
0xb0: {  	s18 =	sshll.u32 s17, $0x4;
	s19 =	simm.s32 @!p0 $0x3  }
0xb1: {  	v2 =	vld [tilespmem:s18+$0x4000];
	_ =	swait.ge @!p0 [sflag:s19], $0x4000  }
0xb2: {  	[sflag:s19] =	ssyncset.done @!p0 $0x0  }
0xb3: {  	[sflag:s19] =	ssyncadd.s32 @!p0 $0xFFFFC000  }
0xb4: {  	_ =	swait.ge [sflag:s5], $0x4000  }
0xb5: {  	s7 =	simm.s32 $0x0;
	[sflag:s5] =	ssyncset.done $0x0  }
0xb6: {  	s26 =	simm.s32 $0x0;
	s19 =	sand.u32 $0x7FFFFC00, s7;
	[sflag:s5] =	ssyncadd.s32 $0xFFFFC000  }
0xb7: {  	s28 =	sand.u32 $0x60, s26;
	s20 =	sshrl.u32 s19, $0x2;
	_ =	swait.ge [sflag:s5], $0x4000  }
0xb8: {  	s30 =	sor.u32 $0x10, s28;
	s20 =	sadd.s32 $0x1C200, s20;
	[sflag:s5] =	ssyncset.done $0x0  }
0xb9: {  	s4 =	sor.u32 s30, s20;
	[sflag:s5] =	ssyncadd.s32 $0xFFFFC000  }
0xba: {  	v16 =	vld [tilespmem:s4+$0x0]  }
0xbb: {  	s20 =	sor.u32 s28, s20;
	v3 =	vld [tilespmem:s4+$0x80]  }
0xbc: {  	v11 =	vld [tilespmem:s20+$0x0]  }
0xbd: {  	s28 =	sor.u32 s28, s19;
	v8 =	vld [tilespmem:s20+$0x80]  }
0xbe: {  	v37 =	vld [tilespmem:s28+$0x4200]  }
0xbf: {  	v59 =	vld [tilespmem:s28+$0x8200]  }
0xc0: {  	(v2sf) =	vpush v2, $0x0;
	s20 =	sor.u32 s30, s19;
	v44 =	vld [tilespmem:s28+$0x4300]  }
0xc1: {  	(v2sf) =	vpush v2, $0x1;
	v9 =	vld [tilespmem:s20+$0x4580]  }
0xc2: {  	(v2sf) =	vpush v2, $0x2;
	v10 =	vld [tilespmem:s20+$0x8580]  }
0xc3: {  	(v2sf) =	vpush v2, $0x3;
	v17 =	vld [tilespmem:s20+$0x4200]  }
0xc4: {  	v19 =	vld [tilespmem:s20+$0x8200];
	(v2sf) =	vpush v2, $0x4  }
0xc5: {  	v20 =	vld [tilespmem:s20+$0x4280];
	(v2sf) =	vpush v2, $0x5  }
0xc6: {  	v21 =	vld [tilespmem:s20+$0x8280];
	(v2sf) =	vpush v2, $0x6  }
0xc7: {  	v22 =	vld [tilespmem:s20+$0x4300];
	(v2sf) =	vpush v2, $0x7  }
0xc8: {  	v23 =	vld [tilespmem:s20+$0x8300]  }
0xc9: {  	v25 =	vld [tilespmem:s20+$0x4380]  }
0xca: {  	v27 =	vld [tilespmem:s20+$0x8380]  }
0xcb: {  	v30 =	vld [tilespmem:s20+$0x4400]  }
0xcc: {  	v32 =	vld [tilespmem:s20+$0x8400]  }
0xcd: {  	v36 =	vld [tilespmem:s20+$0x4480]  }
0xce: {  	v41 =	vld [tilespmem:s20+$0x8480]  }
0xcf: {  	v56 =	vld [tilespmem:s20+$0x4500];
	s29 =	spop (v2sf)  }
0xd0: {  	v58 =	vld [tilespmem:s20+$0x8500];
	v18 =	vsub.f32 v3, v16;
	s31 =	spop (v2sf)  }
0xd1: {  	v13 =	vsub.f32 v8, v11;
	v25 =	vadd.f32 v27, v25;
	v27 =	vld [tilespmem:s28+$0x8300];
	s6 =	spop (v2sf)  }
0xd2: {  	v10 =	vadd.f32 v10, v9;
	v19 =	vadd.f32 v19, v17;
	s16 =	spop (v2sf)  }
0xd3: {  	v21 =	vadd.f32 v21, v20;
	v23 =	vadd.f32 v23, v22;
	s29 =	scvt.s32.f32 s29;
	s4 =	spop (v2sf)  }
0xd4: {  	v30 =	vadd.f32 v32, v30;
	v20 =	vadd.f32 v59, v37;
	s31 =	scvt.s32.f32 s31;
	s2 =	spop (v2sf)  }
0xd5: {  	v36 =	vadd.f32 v41, v36;
	v17 =	vadd.f32 v58, v56;
	s6 =	scvt.s32.f32 s6;
	s12 =	spop (v2sf)  }
0xd6: {  	v63 =	vadd.f32 v27, v44;
	v4 =	vmov s29;
	s16 =	scvt.s32.f32 s16;
	v5 =	vmov s31;
	s7 =	spop (v2sf)  }
0xd7: {  	v14 =	vmul.f32 v18, v4;
	v15 =	vmul.f32 v13, v4;
	v6 =	vmov s6;
	s7 =	scvt.s32.f32 s7  }
0xd8: {  	s4 =	scvt.s32.f32 s4;
	v24 =	vmul.f32 v18, v5;
	v28 =	vmul.f32 v13, v5;
	v7 =	vmov s16  }
0xd9: {  	v26 =	vmul.f32 v18, v6;
	v29 =	vmul.f32 v13, v6;
	v3 =	vmov s7  }
0xda: {  	s2 =	scvt.s32.f32 s2;
	v31 =	vadd.f32 v14, v16;
	v8 =	vmov s4;
	v12 =	vmul.f32 v18, v3  }
0xdb: {  	v14 =	vmul.f32 v13, v7;
	v40 =	vmul.f32 v18, v7;
	v24 =	vadd.f32 v24, v16  }
0xdc: {  	s31 =	scvt.s32.f32 s12;
	v9 =	vmov s2;
	v33 =	vmul.f32 v13, v8;
	v12 =	vadd.f32 v12, v16  }
0xdd: {  	v42 =	vmul.f32 v18, v8;
	v26 =	vadd.f32 v26, v16;
	v35 =	vmul.f32 v13, v9  }
0xde: {  	v57 =	vmul.f32 v18, v9;
	v12 =	vadd.f32 v10, v12;
	v10 =	vmov s31  }
0xdf: {  	v40 =	vadd.f32 v40, v16;
	v42 =	vadd.f32 v42, v16;
	v18 =	vmul.f32 v18, v10  }
0xe0: {  	v43 =	vld [tilespmem:s28+$0x4280];
	v39 =	vmul.f32 v13, v3;
	v38 =	vmul.f32 v13, v10;
	v13 =	vadd.f32 v35, v11  }
0xe1: {  	v35 =	vadd.f32 v57, v16;
	v16 =	vadd.f32 v18, v16;
	v18 =	vld [tilespmem:s28+$0x8280]  }
0xe2: {  	v34 =	vadd.f32 v15, v11;
	v28 =	vadd.f32 v28, v11  }
0xe3: {  	v29 =	vadd.f32 v29, v11;
	v19 =	vadd.f32 v31, v19  }
0xe4: {  	v60 =	vld [tilespmem:s28+$0x4380];
	v31 =	vadd.f32 v34, v20;
	v15 =	vadd.f32 v14, v11  }
0xe5: {  	v61 =	vld [tilespmem:s28+$0x8380];
	v21 =	vadd.f32 v21, v24;
	v14 =	vadd.f32 v33, v11  }
0xe6: {  	v22 =	vld [tilespmem:s28+$0x8400];
	v26 =	vadd.f32 v23, v26;
	v12 =	vmul.f32 $4.525483320e+01, v12;
	v24 =	vadd.f32 v18, v43  }
0xe7: {  	v20 =	vld [tilespmem:s28+$0x4400];
	v31 =	vmul.f32 $4.525483320e+01, v31;
	v25 =	vadd.f32 v25, v40;
	v23 =	vadd.f32 v36, v35  }
0xe8: {  	v62 =	vmul.f32 $4.525483320e+01, v19;
	v19 =	vld [tilespmem:s28+$0x8480];
	[tilespmem:s20+$0x14580] =	vst v12;
	v12 =	vadd.f32 v38, v11;
	v28 =	vadd.f32 v24, v28  }
0xe9: {  	v27 =	vmul.f32 $4.525483320e+01, v21;
	[tilespmem:s28+$0x14200] =	vst v31;
	v11 =	vadd.f32 v39, v11;
	v18 =	vld [tilespmem:s28+$0x4480];
	v24 =	vadd.f32 v30, v42  }
0xea: {  	s19 =	sshll.u32 s17, $0x8;
	s29 =	simm.s32 $0x100;
	v21 =	vld [tilespmem:s28+$0x4500];
	[tilespmem:s20+$0x14200] =	vst v62;
	v30 =	vmul.f32 $4.525483320e+01, v28;
	v28 =	vadd.f32 v63, v29;
	v29 =	vadd.f32 v61, v60  }
.LBB2_3:
0xeb: {  	s26 =	sadd.s32 $0x20, s26;
	s2 =	sand.u32 $0x7FFFFC00, s29;
	v31 =	vld [tilespmem:s28+$0x8500];
	[tilespmem:s20+$0x14280] =	vst v27;
	v26 =	vmul.f32 $4.525483320e+01, v26;
	v25 =	vmul.f32 $4.525483320e+01, v25;
	v16 =	vadd.f32 v17, v16  }
0xec: {  	s4 =	sand.u32 $0x60, s26;
	s6 =	sshrl.u32 s2, $0x2;
	p1 =	slt.u32 s26, $0x7E0;
	[tilespmem:s28+$0x14280] =	vst v30;
	v17 =	vmul.f32 $4.525483320e+01, v28;
	v15 =	vadd.f32 v29, v15;
	v20 =	vadd.f32 v22, v20;
	v22 =	vld [tilespmem:s28+$0x4580]  }
0xed: {  	v24 =	vmul.f32 $4.525483320e+01, v24;
	v23 =	vmul.f32 $4.525483320e+01, v23;
	s6 =	sadd.s32 $0x1C200, s6;
	s7 =	sor.u32 s4, s2;
	s16 =	sor.u32 $0x10, s4;
	v27 =	vld [tilespmem:s28+$0x8580];
	[tilespmem:s20+$0x14300] =	vst v26  }
0xee: {  	s4 =	sor.u32 s4, s6;
	v26 =	vld [tilespmem:s7+$0x4200];
	s6 =	sor.u32 s16, s6;
	[tilespmem:s28+$0x14300] =	vst v17;
	v15 =	vmul.f32 $4.525483320e+01, v15;
	v14 =	vadd.f32 v20, v14;
	v17 =	vadd.f32 v19, v18  }
0xef: {  	v16 =	vmul.f32 $4.525483320e+01, v16;
	v18 =	vld [tilespmem:s6+$0x0];
	[tilespmem:s20+$0x14380] =	vst v25  }
0xf0: {  	v19 =	vld [tilespmem:s6+$0x80];
	[tilespmem:s28+$0x14380] =	vst v15;
	v14 =	vmul.f32 $4.525483320e+01, v14;
	v13 =	vadd.f32 v17, v13;
	v15 =	vadd.f32 v31, v21  }
0xf1: {  	v17 =	vld [tilespmem:s4+$0x0];
	[tilespmem:s20+$0x14400] =	vst v24  }
0xf2: {  	s2 =	sor.u32 s16, s2;
	v20 =	vld [tilespmem:s4+$0x80];
	[tilespmem:s28+$0x14400] =	vst v14;
	v13 =	vmul.f32 $4.525483320e+01, v13;
	v12 =	vadd.f32 v15, v12;
	v14 =	vadd.f32 v27, v22  }
0xf3: {  	v15 =	vld [tilespmem:s2+$0x4580];
	[tilespmem:s20+$0x14480] =	vst v23  }
0xf4: {  	v21 =	vld [tilespmem:s2+$0x8580];
	[tilespmem:s28+$0x14480] =	vst v13;
	v12 =	vmul.f32 $4.525483320e+01, v12;
	v11 =	vadd.f32 v14, v11  }
0xf5: {  	v13 =	vsub.f32 v19, v18;
	v19 =	vld [tilespmem:s2+$0x4200];
	[tilespmem:s20+$0x14500] =	vst v16;
	s20 =	smov.u32 s2  }
0xf6: {  	v22 =	vld [tilespmem:s20+$0x8200];
	[tilespmem:s28+$0x14500] =	vst v12;
	v11 =	vmul.f32 $4.525483320e+01, v11  }
0xf7: {  	v12 =	vsub.f32 v20, v17;
	v14 =	vmul.f32 v13, v4;
	v20 =	vld [tilespmem:s20+$0x4280];
	v16 =	vmul.f32 v13, v3  }
0xf8: {  	v23 =	vmul.f32 v13, v5;
	v25 =	vmul.f32 v13, v6;
	v24 =	vld [tilespmem:s20+$0x8280];
	[tilespmem:s28+$0x14580] =	vst v11;
	s28 =	smov.u32 s7  }
0xf9: {  	v11 =	vmul.f32 v12, v4;
	v27 =	vld [tilespmem:s20+$0x4300];
	v16 =	vadd.f32 v16, v18;
	v15 =	vadd.f32 v21, v15  }
0xfa: {  	v21 =	vmul.f32 v12, v5;
	v28 =	vmul.f32 v12, v6;
	v29 =	vadd.f32 v14, v18;
	v30 =	vld [tilespmem:s20+$0x8300]  }
0xfb: {  	v14 =	vmul.f32 v12, v7;
	v31 =	vmul.f32 v12, v8;
	v32 =	vld [tilespmem:s20+$0x4380];
	v15 =	vadd.f32 v15, v16  }
0xfc: {  	v33 =	vadd.f32 v11, v17;
	v11 =	vmul.f32 v12, v9;
	v16 =	vmul.f32 v12, v10;
	v34 =	vld [tilespmem:s20+$0x8380]  }
0xfd: {  	v35 =	vmul.f32 v12, v3;
	v21 =	vadd.f32 v21, v17;
	v36 =	vld [tilespmem:s20+$0x4400];
	v12 =	vmul.f32 $4.525483320e+01, v15  }
0xfe: {  	v37 =	vmul.f32 v13, v7;
	v38 =	vmul.f32 v13, v8;
	v28 =	vadd.f32 v28, v17;
	v39 =	vld [tilespmem:s20+$0x8400]  }
0xff: {  	v40 =	vmul.f32 v13, v9;
	v42 =	vmul.f32 v13, v10;
	v15 =	vadd.f32 v14, v17;
	v41 =	vld [tilespmem:s20+$0x4480];
	[tilespmem:s20+$0x14580] =	vst v12  }
0x100: {  	v14 =	vadd.f32 v31, v17;
	v13 =	vadd.f32 v11, v17;
	v31 =	vld [tilespmem:s20+$0x8480]  }
0x101: {  	v11 =	vadd.f32 v35, v17;
	v12 =	vadd.f32 v16, v17;
	v17 =	vld [tilespmem:s20+$0x4500]  }
0x102: {  	v23 =	vadd.f32 v23, v18;
	v25 =	vadd.f32 v25, v18;
	v35 =	vld [tilespmem:s20+$0x8500]  }
0x103: {  	v37 =	vadd.f32 v37, v18;
	v38 =	vadd.f32 v38, v18;
	v43 =	vld [tilespmem:s28+$0x8200]  }
0x104: {  	v40 =	vadd.f32 v40, v18;
	v16 =	vadd.f32 v42, v18;
	v44 =	vld [tilespmem:s28+$0x4280]  }
0x105: {  	v19 =	vadd.f32 v22, v19;
	v20 =	vadd.f32 v24, v20;
	v18 =	vld [tilespmem:s28+$0x8280]  }
0x106: {  	v27 =	vadd.f32 v30, v27;
	v30 =	vadd.f32 v34, v32;
	v24 =	vld [tilespmem:s28+$0x4300]  }
0x107: {  	v34 =	vadd.f32 v39, v36;
	v31 =	vadd.f32 v31, v41;
	v32 =	vld [tilespmem:s28+$0x8300]  }
0x108: {  	v17 =	vadd.f32 v35, v17;
	v22 =	vadd.f32 v43, v26;
	v36 =	vld [tilespmem:s28+$0x4380]  }
0x109: {  	v19 =	vadd.f32 v29, v19;
	v23 =	vadd.f32 v20, v23;
	v35 =	vld [tilespmem:s28+$0x8380]  }
.Ltmp2:
0x10a: {  	v29 =	vadd.f32 v33, v22;
	v18 =	vadd.f32 v18, v44;
	v20 =	vld [tilespmem:s28+$0x4400];
	(pc) =	sbr.rel @p1 .LBB2_3-.Ltmp2, $4  }
0x10b: {  	v26 =	vadd.f32 v27, v25;
	v25 =	vadd.f32 v30, v37;
	v33 =	vmul.f32 $4.525483320e+01, v19;
	v22 =	vld [tilespmem:s28+$0x8400]  }
0x10c: {  	v29 =	vmul.f32 $4.525483320e+01, v29;
	v21 =	vadd.f32 v18, v21;
	v32 =	vadd.f32 v32, v24;
	v18 =	vld [tilespmem:s28+$0x4480]  }
0x10d: {  	v27 =	vmul.f32 $4.525483320e+01, v23;
	v23 =	vadd.f32 v31, v40;
	v24 =	vadd.f32 v34, v38;
	v19 =	vld [tilespmem:s28+$0x8480];
	[tilespmem:s20+$0x14200] =	vst v33  }
0x10e: {  	s29 =	sadd.s32 $0x100, s29;
	[tilespmem:s28+$0x14200] =	vst v29;
	v30 =	vmul.f32 $4.525483320e+01, v21;
	v28 =	vadd.f32 v32, v28;
	v29 =	vadd.f32 v35, v36;
	v21 =	vld [tilespmem:s28+$0x4500]  }
0x10f: {  	v3 =	vld [tilespmem:s28+$0x8500]  }
0x110: {  	v4 =	vmul.f32 $4.525483320e+01, v26;
	v5 =	vld [tilespmem:s28+$0x4580];
	[tilespmem:s20+$0x14280] =	vst v27  }
0x111: {  	v9 =	vld [tilespmem:s28+$0x8580];
	v10 =	vmul.f32 $4.525483320e+01, v25;
	[tilespmem:s28+$0x14280] =	vst v30  }
0x112: {  	v56 =	vmul.f32 $4.525483320e+01, v24;
	[tilespmem:s20+$0x14300] =	vst v4  }
0x113: {  	v59 =	vadd.f32 v17, v16;
	v60 =	vmul.f32 $4.525483320e+01, v23;
	v8 =	vadd.f32 v22, v20;
	[tilespmem:s20+$0x14380] =	vst v10  }
0x114: {  	v6 =	vmul.f32 $4.525483320e+01, v28;
	v7 =	vadd.f32 v29, v15;
	[tilespmem:s20+$0x14400] =	vst v56;
	v55 =	vadd.f32 v19, v18  }
0x115: {  	v62 =	vmul.f32 $4.525483320e+01, v59;
	[tilespmem:s20+$0x14480] =	vst v60;
	v54 =	vadd.f32 v8, v14;
	v3 =	vadd.f32 v3, v21  }
0x116: {  	[tilespmem:s28+$0x14300] =	vst v6;
	v53 =	vmul.f32 $4.525483320e+01, v7;
	v58 =	vadd.f32 v55, v13;
	v5 =	vadd.f32 v9, v5  }
0x117: {  	[tilespmem:s20+$0x14500] =	vst v62;
	v57 =	vmul.f32 $4.525483320e+01, v54;
	v3 =	vadd.f32 v3, v12  }
0x118: {  	p1 =	sne.s32 s17, $0xF;
	[tilespmem:s28+$0x14380] =	vst v53;
	v61 =	vmul.f32 $4.525483320e+01, v58;
	v5 =	vadd.f32 v5, v11  }
.Ltmp3:
0x119: {  	[tilespmem:s28+$0x14400] =	vst v57;
	v3 =	vmul.f32 $4.525483320e+01, v3;
	(pc) =	sbr.rel @p1 .LBB2_6-.Ltmp3, $4  }
0x11a: {  	s2 =	sadd.s32 s11, s18;
	[tilespmem:s28+$0x14480] =	vst v61;
	v63 =	vmul.f32 $4.525483320e+01, v5  }
0x11b: {  	s4 =	rddreg [dreg:$0x9];
	s2 =	sshll.u32 s2, $0x8;
	[tilespmem:s28+$0x14500] =	vst v3  }
0x11c: {  	s31 =	simm.s32 $0x14200;
	s2 =	sadd.s32 s4, s2;
	[tilespmem:s28+$0x14580] =	vst v63  }
0x11d: {  	[hbm4b:s2+s10] =	stream.linear.scatter [tilespmem:s31], [sflag:$0x3], $0x4000, $0x38;
	[tilespmem:$0x1E200] =	vst v63  }
0x11e: {  	v3 =	vld.msk [tilespmem:$0x1000], $0xff;
	_ =	sdelay $0x4  }
0x11f: {  	v4 =	vshll.u32 v3, $0x4  }
0x120: {  	v3 =	vand.u32 $0x7, v3;
	v4 =	vand.u32 $0xFFFFFF80, v4  }
0x121: {  	v3 =	vor.u32 v3, v4  }
0x122: {  	v3 =	vperm.xlane v3, v0;
	_ =	sdelay $0x1  }
0x123: {  	v3 =	vadd.s32 v1, v3;
	_ =	sdelay $0x3  }
0x124: {  	s2 =	rddreg [dreg:$0x6];
	s4 =	simm.s32 $0x4200  }
0x125: {  	[tilespmem:s4], [sflag:$0x1] =	stream.indirect_vreg.gather [hbm4b:s2+s10], $0x80, v3, vm0, $0xb8;
	[tilespmem:$0x1E200] =	vst v63  }
0x126: {  	s12 =	simm.s32 $0x4A00;
	s16 =	sld [smem:$0x7F9]  }
0x127: {  	[tilespmem:s12], [sflag:$0x1] =	stream.indirect_vreg.gather [hbm4b:s13+s10], $0x80, v3, vm0, $0xb8;
	[tilespmem:$0x1E200] =	vst v63  }
0x128: {  	s20 =	simm.s32 $0x5200;
	s26 =	sld [smem:$0x7FA]  }
0x129: {  	[tilespmem:s20], [sflag:$0x1] =	stream.indirect_vreg.gather [hbm4b:s16+s10], $0x80, v3, vm0, $0xb8;
	[tilespmem:$0x1E200] =	vst v63  }
0x12a: {  	s28 =	simm.s32 $0x5A00;
	s29 =	sld [smem:$0x7FB]  }
0x12b: {  	[tilespmem:s28], [sflag:$0x1] =	stream.indirect_vreg.gather [hbm4b:s26+s10], $0x80, v3, vm0, $0xb8;
	[tilespmem:$0x1E200] =	vst v63  }
0x12c: {  	s30 =	simm.s32 $0x6200  }
0x12d: {  	[tilespmem:s30], [sflag:$0x1] =	stream.indirect_vreg.gather [hbm4b:s29+s10], $0x80, v3, vm0, $0xb8;
	[tilespmem:$0x1E200] =	vst v63  }
0x12e: {  	s31 =	simm.s32 $0x6A00  }
0x12f: {  	[tilespmem:s31], [sflag:$0x1] =	stream.indirect_vreg.gather [hbm4b:s21+s10], $0x80, v3, vm0, $0xb8;
	[tilespmem:$0x1E200] =	vst v63  }
0x130: {  	s4 =	simm.s32 $0x7200  }
0x131: {  	[tilespmem:s4], [sflag:$0x1] =	stream.indirect_vreg.gather [hbm4b:s22+s10], $0x80, v3, vm0, $0xb8;
	[tilespmem:$0x1E200] =	vst v63  }
0x132: {  	s6 =	simm.s32 $0x7A00  }
0x133: {  	[tilespmem:s6], [sflag:$0x1] =	stream.indirect_vreg.gather [hbm4b:s23+s10], $0x80, v3, vm0, $0xb8;
	[tilespmem:$0x1E200] =	vst v63  }
0x134: {  	v3 =	vld.msk [tilespmem:$0x3000], $0xff;
	_ =	sdelay $0x4  }
0x135: {  	v63 =	vshll.u32 v3, $0x4  }
0x136: {  	v3 =	vand.u32 $0x7, v3;
	v4 =	vand.u32 $0xFFFFFF80, v63  }
0x137: {  	v3 =	vor.u32 v3, v4  }
0x138: {  	v3 =	vperm.xlane v3, v0;
	_ =	sdelay $0x1  }
0x139: {  	v3 =	vadd.s32 v1, v3;
	_ =	sdelay $0x3  }
0x13a: {  	s7 =	rddreg [dreg:$0x7];
	s12 =	simm.s32 $0x8200  }
0x13b: {  	[tilespmem:s12], [sflag:$0x1] =	stream.indirect_vreg.gather [hbm4b:s7+s10], $0x80, v3, vm0, $0xb8;
	[tilespmem:$0x1E200] =	vst v63  }
0x13c: {  	s16 =	simm.s32 $0x8A00  }
0x13d: {  	[tilespmem:s16], [sflag:$0x1] =	stream.indirect_vreg.gather [hbm4b:s24+s10], $0x80, v3, vm0, $0xb8;
	[tilespmem:$0x1E200] =	vst v63  }
0x13e: {  	s20 =	simm.s32 $0x9200  }
0x13f: {  	[tilespmem:s20], [sflag:$0x1] =	stream.indirect_vreg.gather [hbm4b:s25+s10], $0x80, v3, vm0, $0xb8;
	[tilespmem:$0x1E200] =	vst v63  }
0x140: {  	s26 =	simm.s32 $0x9A00  }
0x141: {  	[tilespmem:s26], [sflag:$0x1] =	stream.indirect_vreg.gather [hbm4b:s0+s10], $0x80, v3, vm0, $0xb8;
	[tilespmem:$0x1E200] =	vst v63  }
0x142: {  	s28 =	simm.s32 $0xA200  }
0x143: {  	[tilespmem:s28], [sflag:$0x1] =	stream.indirect_vreg.gather [hbm4b:s1+s10], $0x80, v3, vm0, $0xb8;
	[tilespmem:$0x1E200] =	vst v63  }
0x144: {  	s29 =	simm.s32 $0xAA00  }
0x145: {  	[tilespmem:s29], [sflag:$0x1] =	stream.indirect_vreg.gather [hbm4b:s8+s10], $0x80, v3, vm0, $0xb8;
	[tilespmem:$0x1E200] =	vst v63  }
.Ltmp4:
0x146: {  	_ = 	snop;
	(pc) =	sbr.rel .LBB2_7-.Ltmp4, $4  }
0x147: {  	s30 =	simm.s32 $0xB200  }
0x148: {  	[tilespmem:s30], [sflag:$0x1] =	stream.indirect_vreg.gather [hbm4b:s9+s10], $0x80, v3, vm0, $0xb8;
	[tilespmem:$0x1E200] =	vst v63  }
0x149: {  	s31 =	simm.s32 $0xBA00  }
0x14a: {  	[tilespmem:s31], [sflag:$0x1] =	stream.indirect_vreg.gather [hbm4b:s3+s10], $0x80, v3, vm0, $0xb8;
	[tilespmem:$0x1E200] =	vst v63  }
.LBB2_6:
0x14b: {  	v3 =	vld.msk [tilespmem:s19+$0x100], $0xff;
	_ =	sdelay $0x4  }
0x14c: {  	v4 =	vshll.u32 v3, $0x4  }
0x14d: {  	v3 =	vand.u32 $0x7, v3;
	v4 =	vand.u32 $0xFFFFFF80, v4  }
0x14e: {  	v3 =	vor.u32 v3, v4  }
0x14f: {  	v3 =	vperm.xlane v3, v0;
	_ =	sdelay $0x1  }
0x150: {  	v3 =	vadd.s32 v1, v3;
	_ =	sdelay $0x3  }
0x151: {  	s2 =	rddreg [dreg:$0x3];
	s4 =	simm.s32 $0x4200  }
0x152: {  	[tilespmem:s4], [sflag:$0x1] =	stream.indirect_vreg.gather [hbm4b:s2+s10], $0x80, v3, vm0, $0xb8;
	[tilespmem:$0x1E200] =	vst v63  }
0x153: {  	s6 =	rddreg [dreg:$0xe];
	s7 =	simm.s32 $0x4A00  }
0x154: {  	[tilespmem:s7], [sflag:$0x1] =	stream.indirect_vreg.gather [hbm4b:s6+s10], $0x80, v3, vm0, $0xb8;
	[tilespmem:$0x1E200] =	vst v63  }
0x155: {  	s12 =	rddreg [dreg:$0xf];
	s16 =	simm.s32 $0x5200  }
0x156: {  	[tilespmem:s16], [sflag:$0x1] =	stream.indirect_vreg.gather [hbm4b:s12+s10], $0x80, v3, vm0, $0xb8;
	[tilespmem:$0x1E200] =	vst v63  }
0x157: {  	s20 =	rddreg [dreg:$0x10];
	s26 =	simm.s32 $0x5A00  }
0x158: {  	[tilespmem:s26], [sflag:$0x1] =	stream.indirect_vreg.gather [hbm4b:s20+s10], $0x80, v3, vm0, $0xb8;
	[tilespmem:$0x1E200] =	vst v63  }
0x159: {  	s28 =	rddreg [dreg:$0x11];
	s29 =	simm.s32 $0x6200  }
0x15a: {  	[tilespmem:s29], [sflag:$0x1] =	stream.indirect_vreg.gather [hbm4b:s28+s10], $0x80, v3, vm0, $0xb8;
	[tilespmem:$0x1E200] =	vst v63  }
0x15b: {  	s30 =	rddreg [dreg:$0x12];
	s31 =	simm.s32 $0x6A00  }
0x15c: {  	[tilespmem:s31], [sflag:$0x1] =	stream.indirect_vreg.gather [hbm4b:s30+s10], $0x80, v3, vm0, $0xb8;
	[tilespmem:$0x1E200] =	vst v63  }
0x15d: {  	s6 =	rddreg [dreg:$0x13];
	s7 =	simm.s32 $0x7200  }
0x15e: {  	[tilespmem:s7], [sflag:$0x1] =	stream.indirect_vreg.gather [hbm4b:s6+s10], $0x80, v3, vm0, $0xb8;
	[tilespmem:$0x1E200] =	vst v63  }
0x15f: {  	s12 =	rddreg [dreg:$0x14];
	s16 =	simm.s32 $0x7A00  }
0x160: {  	[tilespmem:s16], [sflag:$0x1] =	stream.indirect_vreg.gather [hbm4b:s12+s10], $0x80, v3, vm0, $0xb8;
	[tilespmem:$0x1E200] =	vst v63  }
0x161: {  	v3 =	vld.msk [tilespmem:s19+$0x2100], $0xff;
	_ =	sdelay $0x4  }
0x162: {  	v63 =	vshll.u32 v3, $0x4  }
0x163: {  	v3 =	vand.u32 $0x7, v3;
	v4 =	vand.u32 $0xFFFFFF80, v63  }
0x164: {  	v3 =	vor.u32 v3, v4  }
0x165: {  	v3 =	vperm.xlane v3, v0;
	_ =	sdelay $0x1  }
0x166: {  	v3 =	vadd.s32 v1, v3;
	_ =	sdelay $0x3  }
0x167: {  	s20 =	rddreg [dreg:$0x4];
	s26 =	simm.s32 $0x8200  }
0x168: {  	[tilespmem:s26], [sflag:$0x1] =	stream.indirect_vreg.gather [hbm4b:s20+s10], $0x80, v3, vm0, $0xb8;
	[tilespmem:$0x1E200] =	vst v63  }
0x169: {  	s28 =	rddreg [dreg:$0x1a];
	s29 =	simm.s32 $0x8A00  }
0x16a: {  	[tilespmem:s29], [sflag:$0x1] =	stream.indirect_vreg.gather [hbm4b:s28+s10], $0x80, v3, vm0, $0xb8;
	[tilespmem:$0x1E200] =	vst v63  }
0x16b: {  	s30 =	rddreg [dreg:$0x1b];
	s31 =	simm.s32 $0x9200  }
0x16c: {  	[tilespmem:s31], [sflag:$0x1] =	stream.indirect_vreg.gather [hbm4b:s30+s10], $0x80, v3, vm0, $0xb8;
	[tilespmem:$0x1E200] =	vst v63  }
0x16d: {  	s6 =	rddreg [dreg:$0x1c];
	s7 =	simm.s32 $0x9A00  }
0x16e: {  	[tilespmem:s7], [sflag:$0x1] =	stream.indirect_vreg.gather [hbm4b:s6+s10], $0x80, v3, vm0, $0xb8;
	[tilespmem:$0x1E200] =	vst v63  }
0x16f: {  	s12 =	rddreg [dreg:$0x1d];
	s16 =	simm.s32 $0xA200  }
0x170: {  	[tilespmem:s16], [sflag:$0x1] =	stream.indirect_vreg.gather [hbm4b:s12+s10], $0x80, v3, vm0, $0xb8;
	[tilespmem:$0x1E200] =	vst v63  }
0x171: {  	s20 =	rddreg [dreg:$0x1e];
	s26 =	simm.s32 $0xAA00  }
0x172: {  	[tilespmem:s26], [sflag:$0x1] =	stream.indirect_vreg.gather [hbm4b:s20+s10], $0x80, v3, vm0, $0xb8;
	[tilespmem:$0x1E200] =	vst v63  }
.Ltmp5:
0x173: {  	s28 =	rddreg [dreg:$0x1f];
	(pc) =	sbr.rel @p0 .LBB2_8-.Ltmp5, $4  }
0x174: {  	s29 =	simm.s32 $0xB200;
	s30 =	sld [smem:$0x7F8]  }
0x175: {  	[tilespmem:s29], [sflag:$0x1] =	stream.indirect_vreg.gather [hbm4b:s28+s10], $0x80, v3, vm0, $0xb8;
	[tilespmem:$0x1E200] =	vst v63  }
0x176: {  	s31 =	simm.s32 $0xBA00  }
0x177: {  	[tilespmem:s31], [sflag:$0x1] =	stream.indirect_vreg.gather [hbm4b:s30+s10], $0x80, v3, vm0, $0xb8;
	[tilespmem:$0x1E200] =	vst v63  }
.LBB2_7:
0x178: {  	_ =	swait.ge [sflag:s14], $0x4000  }
0x179: {  	[sflag:s14] =	ssyncset.done $0x0  }
0x17a: {  	[sflag:s14] =	ssyncadd.s32 $0xFFFFC000  }
.LBB2_8:
0x17b: {  	_ =	swait.ge [sflag:s15], $0x4000  }
0x17c: {  	s2 =	simm.s32 $0x0;
	[sflag:s15] =	ssyncset.done $0x0  }
0x17d: {  	s26 =	simm.s32 $0x0;
	s28 =	sand.u32 $0x7FFFFC00, s2;
	[sflag:s15] =	ssyncadd.s32 $0xFFFFC000  }
0x17e: {  	s29 =	sand.u32 $0x60, s26;
	s4 =	sshrl.u32 s28, $0x2;
	_ =	swait.ge [sflag:s15], $0x4000  }
0x17f: {  	s6 =	sor.u32 $0x10, s29;
	s4 =	sadd.s32 $0x1C200, s4;
	[sflag:s15] =	ssyncset.done $0x0  }
0x180: {  	s16 =	sor.u32 s6, s4;
	[sflag:s15] =	ssyncadd.s32 $0xFFFFC000  }
0x181: {  	s4 =	sor.u32 s29, s4;
	v15 =	vld [tilespmem:s16+$0x0]  }
0x182: {  	v10 =	vld [tilespmem:s4+$0x0]  }
0x183: {  	s20 =	sor.u32 s6, s28;
	v7 =	vld [tilespmem:s4+$0x80]  }
0x184: {  	(v2sf) =	vpush v2, $0x8;
	v8 =	vld [tilespmem:s20+$0xC580]  }
0x185: {  	(v2sf) =	vpush v2, $0x9;
	v9 =	vld [tilespmem:s20+$0x10580]  }
0x186: {  	(v2sf) =	vpush v2, $0xA;
	v16 =	vld [tilespmem:s20+$0xC200]  }
0x187: {  	v18 =	vld [tilespmem:s20+$0x10200];
	(v2sf) =	vpush v2, $0xB  }
0x188: {  	v19 =	vld [tilespmem:s20+$0xC280];
	(v2sf) =	vpush v2, $0xC  }
0x189: {  	v20 =	vld [tilespmem:s20+$0x10280];
	(v2sf) =	vpush v2, $0xD  }
0x18a: {  	v21 =	vld [tilespmem:s20+$0xC300];
	(v2sf) =	vpush v2, $0xE  }
0x18b: {  	v22 =	vld [tilespmem:s20+$0x10300];
	(v2sf) =	vpush v2, $0xF  }
0x18c: {  	v24 =	vld [tilespmem:s20+$0xC380]  }
0x18d: {  	v26 =	vld [tilespmem:s20+$0x10380]  }
0x18e: {  	v29 =	vld [tilespmem:s20+$0xC400]  }
0x18f: {  	v31 =	vld [tilespmem:s20+$0x10400]  }
0x190: {  	s28 =	sor.u32 s29, s28;
	v35 =	vld [tilespmem:s20+$0xC480]  }
0x191: {  	v36 =	vld [tilespmem:s28+$0xC200]  }
0x192: {  	v40 =	vld [tilespmem:s20+$0x10480]  }
0x193: {  	v2 =	vld [tilespmem:s16+$0x80];
	s2 =	spop (v2sf)  }
0x194: {  	v60 =	vld [tilespmem:s28+$0x10200];
	s7 =	spop (v2sf)  }
0x195: {  	v57 =	vld [tilespmem:s20+$0xC500];
	v12 =	vsub.f32 v7, v10;
	v9 =	vadd.f32 v9, v8;
	s30 =	spop (v2sf)  }
0x196: {  	v59 =	vld [tilespmem:s20+$0x10500];
	v18 =	vadd.f32 v18, v16;
	v20 =	vadd.f32 v20, v19;
	s31 =	spop (v2sf)  }
0x197: {  	v22 =	vadd.f32 v22, v21;
	v24 =	vadd.f32 v26, v24;
	s2 =	scvt.s32.f32 s2;
	s16 =	spop (v2sf)  }
0x198: {  	v29 =	vadd.f32 v31, v29;
	v17 =	vsub.f32 v2, v15;
	s7 =	scvt.s32.f32 s7;
	s12 =	spop (v2sf)  }
0x199: {  	v19 =	vadd.f32 v60, v36;
	v35 =	vadd.f32 v40, v35;
	v3 =	vmov s2;
	s4 =	spop (v2sf)  }
0x19a: {  	s31 =	scvt.s32.f32 s31;
	v4 =	vmov s7;
	v13 =	vmul.f32 v17, v3;
	v14 =	vmul.f32 v12, v3;
	s6 =	spop (v2sf)  }
0x19b: {  	v16 =	vadd.f32 v59, v57;
	s7 =	scvt.s32.f32 s16;
	v23 =	vmul.f32 v17, v4;
	v27 =	vmul.f32 v12, v4;
	s6 =	scvt.s32.f32 s6  }
0x19c: {  	v6 =	vmov s31;
	v30 =	vadd.f32 v13, v15;
	v33 =	vadd.f32 v14, v10  }
0x19d: {  	s16 =	scvt.s32.f32 s12;
	v7 =	vmov s7;
	v13 =	vmul.f32 v12, v6;
	v2 =	vmov s6  }
0x19e: {  	v39 =	vmul.f32 v17, v6;
	v23 =	vadd.f32 v23, v15;
	v11 =	vmul.f32 v17, v2  }
0x19f: {  	v8 =	vmov s16;
	v32 =	vmul.f32 v12, v7;
	v41 =	vmul.f32 v17, v7;
	s6 =	scvt.s32.f32 s30  }
0x1a0: {  	v43 =	vld [tilespmem:s28+$0xC300];
	s31 =	scvt.s32.f32 s4;
	v34 =	vmul.f32 v12, v8;
	v58 =	vmul.f32 v17, v8;
	v11 =	vadd.f32 v11, v15  }
0x1a1: {  	v26 =	vld [tilespmem:s28+$0x10300];
	v39 =	vadd.f32 v39, v15;
	v38 =	vmul.f32 v12, v2;
	v5 =	vmov s6  }
0x1a2: {  	v25 =	vmul.f32 v17, v5;
	v11 =	vadd.f32 v9, v11;
	v9 =	vmov s31  }
0x1a3: {  	v41 =	vadd.f32 v41, v15;
	v28 =	vmul.f32 v12, v5;
	v17 =	vmul.f32 v17, v9  }
0x1a4: {  	v42 =	vld [tilespmem:s28+$0xC280];
	v25 =	vadd.f32 v25, v15;
	v37 =	vmul.f32 v12, v9;
	v12 =	vadd.f32 v34, v10  }
0x1a5: {  	v34 =	vadd.f32 v58, v15;
	v15 =	vadd.f32 v17, v15;
	v17 =	vld [tilespmem:s28+$0x10280]  }
0x1a6: {  	v63 =	vadd.f32 v26, v43;
	v27 =	vadd.f32 v27, v10  }
0x1a7: {  	v18 =	vadd.f32 v30, v18;
	v30 =	vadd.f32 v33, v19  }
0x1a8: {  	v61 =	vld [tilespmem:s28+$0x10380];
	v14 =	vadd.f32 v13, v10;
	v20 =	vadd.f32 v20, v23  }
0x1a9: {  	v31 =	vld [tilespmem:s28+$0xC380];
	v13 =	vadd.f32 v32, v10;
	v24 =	vadd.f32 v24, v39  }
0x1aa: {  	v21 =	vld [tilespmem:s28+$0x10400];
	v28 =	vadd.f32 v28, v10;
	v11 =	vmul.f32 $4.525483320e+01, v11;
	v23 =	vadd.f32 v17, v42  }
0x1ab: {  	v19 =	vld [tilespmem:s28+$0xC400];
	v30 =	vmul.f32 $4.525483320e+01, v30;
	v25 =	vadd.f32 v22, v25;
	v22 =	vadd.f32 v35, v34  }
0x1ac: {  	v62 =	vmul.f32 $4.525483320e+01, v18;
	v18 =	vld [tilespmem:s28+$0x10480];
	[tilespmem:s20+$0x18580] =	vst v11;
	v11 =	vadd.f32 v37, v10;
	v27 =	vadd.f32 v23, v27  }
0x1ad: {  	v26 =	vmul.f32 $4.525483320e+01, v20;
	[tilespmem:s28+$0x18200] =	vst v30;
	v10 =	vadd.f32 v38, v10;
	v17 =	vld [tilespmem:s28+$0xC480];
	v23 =	vadd.f32 v29, v41  }
0x1ae: {  	s29 =	simm.s32 $0x100;
	v20 =	vld [tilespmem:s28+$0xC500];
	[tilespmem:s20+$0x18200] =	vst v62;
	v29 =	vmul.f32 $4.525483320e+01, v27;
	v27 =	vadd.f32 v63, v28;
	v28 =	vadd.f32 v61, v31  }
.LBB2_9:
0x1af: {  	s26 =	sadd.s32 $0x20, s26;
	s2 =	sand.u32 $0x7FFFFC00, s29;
	v30 =	vld [tilespmem:s28+$0x10500];
	[tilespmem:s20+$0x18280] =	vst v26;
	v25 =	vmul.f32 $4.525483320e+01, v25;
	v24 =	vmul.f32 $4.525483320e+01, v24;
	v15 =	vadd.f32 v16, v15  }
0x1b0: {  	s4 =	sand.u32 $0x60, s26;
	s6 =	sshrl.u32 s2, $0x2;
	p0 =	slt.u32 s26, $0x7E0;
	[tilespmem:s28+$0x18280] =	vst v29;
	v16 =	vmul.f32 $4.525483320e+01, v27;
	v14 =	vadd.f32 v28, v14;
	v19 =	vadd.f32 v21, v19;
	v21 =	vld [tilespmem:s28+$0xC580]  }
0x1b1: {  	v23 =	vmul.f32 $4.525483320e+01, v23;
	v22 =	vmul.f32 $4.525483320e+01, v22;
	s6 =	sadd.s32 $0x1C200, s6;
	s7 =	sor.u32 s4, s2;
	s12 =	sor.u32 $0x10, s4;
	v26 =	vld [tilespmem:s28+$0x10580];
	[tilespmem:s20+$0x18300] =	vst v25  }
0x1b2: {  	s4 =	sor.u32 s4, s6;
	v25 =	vld [tilespmem:s7+$0xC200];
	s6 =	sor.u32 s12, s6;
	[tilespmem:s28+$0x18300] =	vst v16;
	v14 =	vmul.f32 $4.525483320e+01, v14;
	v13 =	vadd.f32 v19, v13;
	v16 =	vadd.f32 v18, v17  }
0x1b3: {  	v15 =	vmul.f32 $4.525483320e+01, v15;
	v17 =	vld [tilespmem:s6+$0x0];
	[tilespmem:s20+$0x18380] =	vst v24  }
0x1b4: {  	v18 =	vld [tilespmem:s6+$0x80];
	[tilespmem:s28+$0x18380] =	vst v14;
	v13 =	vmul.f32 $4.525483320e+01, v13;
	v12 =	vadd.f32 v16, v12;
	v14 =	vadd.f32 v30, v20  }
0x1b5: {  	v16 =	vld [tilespmem:s4+$0x0];
	[tilespmem:s20+$0x18400] =	vst v23  }
0x1b6: {  	s2 =	sor.u32 s12, s2;
	v19 =	vld [tilespmem:s4+$0x80];
	[tilespmem:s28+$0x18400] =	vst v13;
	v12 =	vmul.f32 $4.525483320e+01, v12;
	v11 =	vadd.f32 v14, v11;
	v13 =	vadd.f32 v26, v21  }
0x1b7: {  	v14 =	vld [tilespmem:s2+$0xC580];
	[tilespmem:s20+$0x18480] =	vst v22  }
0x1b8: {  	v20 =	vld [tilespmem:s2+$0x10580];
	[tilespmem:s28+$0x18480] =	vst v12;
	v11 =	vmul.f32 $4.525483320e+01, v11;
	v10 =	vadd.f32 v13, v10  }
0x1b9: {  	v12 =	vsub.f32 v18, v17;
	v18 =	vld [tilespmem:s2+$0xC200];
	[tilespmem:s20+$0x18500] =	vst v15;
	s20 =	smov.u32 s2  }
0x1ba: {  	v21 =	vld [tilespmem:s20+$0x10200];
	[tilespmem:s28+$0x18500] =	vst v11;
	v10 =	vmul.f32 $4.525483320e+01, v10  }
0x1bb: {  	v11 =	vsub.f32 v19, v16;
	v13 =	vmul.f32 v12, v3;
	v19 =	vld [tilespmem:s20+$0xC280];
	v15 =	vmul.f32 v12, v2  }
0x1bc: {  	v22 =	vmul.f32 v12, v4;
	v24 =	vmul.f32 v12, v5;
	v23 =	vld [tilespmem:s20+$0x10280];
	[tilespmem:s28+$0x18580] =	vst v10;
	s28 =	smov.u32 s7  }
0x1bd: {  	v10 =	vmul.f32 v11, v3;
	v26 =	vld [tilespmem:s20+$0xC300];
	v15 =	vadd.f32 v15, v17;
	v14 =	vadd.f32 v20, v14  }
0x1be: {  	v20 =	vmul.f32 v11, v4;
	v27 =	vmul.f32 v11, v5;
	v28 =	vadd.f32 v13, v17;
	v29 =	vld [tilespmem:s20+$0x10300]  }
0x1bf: {  	v13 =	vmul.f32 v11, v6;
	v30 =	vmul.f32 v11, v7;
	v31 =	vld [tilespmem:s20+$0xC380];
	v14 =	vadd.f32 v14, v15  }
0x1c0: {  	v32 =	vadd.f32 v10, v16;
	v10 =	vmul.f32 v11, v8;
	v15 =	vmul.f32 v11, v9;
	v33 =	vld [tilespmem:s20+$0x10380]  }
0x1c1: {  	v34 =	vmul.f32 v11, v2;
	v20 =	vadd.f32 v20, v16;
	v35 =	vld [tilespmem:s20+$0xC400];
	v11 =	vmul.f32 $4.525483320e+01, v14  }
0x1c2: {  	v36 =	vmul.f32 v12, v6;
	v37 =	vmul.f32 v12, v7;
	v27 =	vadd.f32 v27, v16;
	v38 =	vld [tilespmem:s20+$0x10400]  }
0x1c3: {  	v39 =	vmul.f32 v12, v8;
	v41 =	vmul.f32 v12, v9;
	v14 =	vadd.f32 v13, v16;
	v40 =	vld [tilespmem:s20+$0xC480];
	[tilespmem:s20+$0x18580] =	vst v11  }
0x1c4: {  	v13 =	vadd.f32 v30, v16;
	v12 =	vadd.f32 v10, v16;
	v30 =	vld [tilespmem:s20+$0x10480]  }
0x1c5: {  	v10 =	vadd.f32 v34, v16;
	v11 =	vadd.f32 v15, v16;
	v16 =	vld [tilespmem:s20+$0xC500]  }
0x1c6: {  	v22 =	vadd.f32 v22, v17;
	v24 =	vadd.f32 v24, v17;
	v34 =	vld [tilespmem:s20+$0x10500]  }
0x1c7: {  	v36 =	vadd.f32 v36, v17;
	v37 =	vadd.f32 v37, v17;
	v42 =	vld [tilespmem:s28+$0x10200]  }
0x1c8: {  	v39 =	vadd.f32 v39, v17;
	v15 =	vadd.f32 v41, v17;
	v43 =	vld [tilespmem:s28+$0xC280]  }
0x1c9: {  	v18 =	vadd.f32 v21, v18;
	v19 =	vadd.f32 v23, v19;
	v17 =	vld [tilespmem:s28+$0x10280]  }
0x1ca: {  	v26 =	vadd.f32 v29, v26;
	v29 =	vadd.f32 v33, v31;
	v23 =	vld [tilespmem:s28+$0xC300]  }
0x1cb: {  	v33 =	vadd.f32 v38, v35;
	v30 =	vadd.f32 v30, v40;
	v31 =	vld [tilespmem:s28+$0x10300]  }
0x1cc: {  	v16 =	vadd.f32 v34, v16;
	v21 =	vadd.f32 v42, v25;
	v35 =	vld [tilespmem:s28+$0xC380]  }
0x1cd: {  	v18 =	vadd.f32 v28, v18;
	v22 =	vadd.f32 v19, v22;
	v34 =	vld [tilespmem:s28+$0x10380]  }
.Ltmp6:
0x1ce: {  	v28 =	vadd.f32 v32, v21;
	v17 =	vadd.f32 v17, v43;
	v19 =	vld [tilespmem:s28+$0xC400];
	(pc) =	sbr.rel @p0 .LBB2_9-.Ltmp6, $4  }
0x1cf: {  	v25 =	vadd.f32 v26, v24;
	v24 =	vadd.f32 v29, v36;
	v32 =	vmul.f32 $4.525483320e+01, v18;
	v21 =	vld [tilespmem:s28+$0x10400]  }
0x1d0: {  	v28 =	vmul.f32 $4.525483320e+01, v28;
	v20 =	vadd.f32 v17, v20;
	v31 =	vadd.f32 v31, v23;
	v17 =	vld [tilespmem:s28+$0xC480]  }
0x1d1: {  	v26 =	vmul.f32 $4.525483320e+01, v22;
	v22 =	vadd.f32 v30, v39;
	v23 =	vadd.f32 v33, v37;
	v18 =	vld [tilespmem:s28+$0x10480];
	[tilespmem:s20+$0x18200] =	vst v32  }
0x1d2: {  	s29 =	sadd.s32 $0x100, s29;
	[tilespmem:s28+$0x18200] =	vst v28;
	v29 =	vmul.f32 $4.525483320e+01, v20;
	v27 =	vadd.f32 v31, v27;
	v28 =	vadd.f32 v34, v35;
	v20 =	vld [tilespmem:s28+$0xC500]  }
0x1d3: {  	v2 =	vld [tilespmem:s28+$0x10500]  }
0x1d4: {  	v3 =	vmul.f32 $4.525483320e+01, v25;
	v4 =	vld [tilespmem:s28+$0xC580];
	[tilespmem:s20+$0x18280] =	vst v26  }
0x1d5: {  	v8 =	vld [tilespmem:s28+$0x10580];
	v9 =	vmul.f32 $4.525483320e+01, v24;
	[tilespmem:s28+$0x18280] =	vst v29  }
0x1d6: {  	v59 =	vmul.f32 $4.525483320e+01, v23;
	v6 =	vadd.f32 v28, v14;
	v7 =	vadd.f32 v21, v19;
	[tilespmem:s20+$0x18300] =	vst v3  }
0x1d7: {  	v62 =	vmul.f32 $4.525483320e+01, v22;
	[tilespmem:s20+$0x18380] =	vst v9  }
0x1d8: {  	[tilespmem:s20+$0x18400] =	vst v59;
	v3 =	vmul.f32 $4.525483320e+01, v6;
	v57 =	vadd.f32 v7, v13;
	v58 =	vadd.f32 v18, v17  }
0x1d9: {  	v61 =	vadd.f32 v16, v15;
	v5 =	vmul.f32 $4.525483320e+01, v27;
	[tilespmem:s20+$0x18480] =	vst v62;
	v2 =	vadd.f32 v2, v20  }
0x1da: {  	[tilespmem:s28+$0x18380] =	vst v3;
	v3 =	vmul.f32 $4.525483320e+01, v57;
	v60 =	vadd.f32 v58, v12;
	v4 =	vadd.f32 v8, v4  }
0x1db: {  	v63 =	vmul.f32 $4.525483320e+01, v61;
	[tilespmem:s28+$0x18300] =	vst v5;
	v2 =	vadd.f32 v2, v11  }
0x1dc: {  	p0 =	seq.s32 s17, $0xF;
	[tilespmem:s28+$0x18400] =	vst v3;
	v3 =	vmul.f32 $4.525483320e+01, v60;
	v4 =	vadd.f32 v4, v10  }
.Ltmp7:
0x1dd: {  	s2 =	sadd.s32 s18, s11;
	[tilespmem:s20+$0x18500] =	vst v63;
	v2 =	vmul.f32 $4.525483320e+01, v2;
	(pc) =	sbr.rel @p0 .LBB2_12-.Ltmp7, $4  }
0x1de: {  	s4 =	rddreg [dreg:$0x9];
	s2 =	sshll.u32 s2, $0x8;
	[tilespmem:s28+$0x18480] =	vst v3;
	v3 =	vmul.f32 $4.525483320e+01, v4  }
0x1df: {  	s2 =	sadd.s32 s4, s2;
	[tilespmem:s28+$0x18500] =	vst v2  }
0x1e0: {  	s31 =	simm.s32 $0x18200;
	s2 =	sadd.s32 $0x800, s2;
	[tilespmem:s28+$0x18580] =	vst v3  }
0x1e1: {  	[hbm4b:s2+s10] =	stream.linear.scatter [tilespmem:s31], [sflag:$0x4], $0x4000, $0x38;
	[tilespmem:$0x1E200] =	vst v63  }
0x1e2: {  	v2 =	vld.msk [tilespmem:s19+$0x180], $0xff;
	_ =	sdelay $0x4  }
0x1e3: {  	v3 =	vshll.u32 v2, $0x4  }
0x1e4: {  	v2 =	vand.u32 $0x7, v2;
	v3 =	vand.u32 $0xFFFFFF80, v3  }
0x1e5: {  	v2 =	vor.u32 v2, v3  }
0x1e6: {  	v2 =	vperm.xlane v2, v0;
	_ =	sdelay $0x1  }
0x1e7: {  	v2 =	vadd.s32 v1, v2;
	_ =	sdelay $0x3  }
0x1e8: {  	s2 =	rddreg [dreg:$0x3];
	s4 =	simm.s32 $0xC200  }
0x1e9: {  	[tilespmem:s4], [sflag:$0x2] =	stream.indirect_vreg.gather [hbm4b:s2+s10], $0x80, v2, vm0, $0xb8;
	[tilespmem:$0x1E200] =	vst v63  }
0x1ea: {  	s20 =	rddreg [dreg:$0xe];
	s26 =	simm.s32 $0xCA00  }
0x1eb: {  	[tilespmem:s26], [sflag:$0x2] =	stream.indirect_vreg.gather [hbm4b:s20+s10], $0x80, v2, vm0, $0xb8;
	[tilespmem:$0x1E200] =	vst v63  }
0x1ec: {  	s28 =	rddreg [dreg:$0xf];
	s29 =	simm.s32 $0xD200  }
0x1ed: {  	[tilespmem:s29], [sflag:$0x2] =	stream.indirect_vreg.gather [hbm4b:s28+s10], $0x80, v2, vm0, $0xb8;
	[tilespmem:$0x1E200] =	vst v63  }
0x1ee: {  	s30 =	rddreg [dreg:$0x10];
	s31 =	simm.s32 $0xDA00  }
0x1ef: {  	[tilespmem:s31], [sflag:$0x2] =	stream.indirect_vreg.gather [hbm4b:s30+s10], $0x80, v2, vm0, $0xb8;
	[tilespmem:$0x1E200] =	vst v63  }
0x1f0: {  	s6 =	simm.s32 $0xE200;
	s4 =	rddreg [dreg:$0x11]  }
0x1f1: {  	[tilespmem:s6], [sflag:$0x2] =	stream.indirect_vreg.gather [hbm4b:s4+s10], $0x80, v2, vm0, $0xb8;
	[tilespmem:$0x1E200] =	vst v63  }
0x1f2: {  	s7 =	rddreg [dreg:$0x12];
	s12 =	simm.s32 $0xEA00  }
0x1f3: {  	[tilespmem:s12], [sflag:$0x2] =	stream.indirect_vreg.gather [hbm4b:s7+s10], $0x80, v2, vm0, $0xb8;
	[tilespmem:$0x1E200] =	vst v63  }
0x1f4: {  	s16 =	rddreg [dreg:$0x13];
	s18 =	simm.s32 $0xF200  }
0x1f5: {  	[tilespmem:s18], [sflag:$0x2] =	stream.indirect_vreg.gather [hbm4b:s16+s10], $0x80, v2, vm0, $0xb8;
	[tilespmem:$0x1E200] =	vst v63  }
0x1f6: {  	s20 =	rddreg [dreg:$0x14];
	s26 =	simm.s32 $0xFA00  }
0x1f7: {  	[tilespmem:s26], [sflag:$0x2] =	stream.indirect_vreg.gather [hbm4b:s20+s10], $0x80, v2, vm0, $0xb8;
	[tilespmem:$0x1E200] =	vst v63  }
0x1f8: {  	v2 =	vld.msk [tilespmem:s19+$0x2180], $0xff;
	_ =	sdelay $0x4  }
0x1f9: {  	v3 =	vshll.u32 v2, $0x4  }
0x1fa: {  	v2 =	vand.u32 $0x7, v2;
	v3 =	vand.u32 $0xFFFFFF80, v3  }
0x1fb: {  	v2 =	vor.u32 v2, v3  }
0x1fc: {  	v2 =	vperm.xlane v2, v0;
	_ =	sdelay $0x1  }
0x1fd: {  	v2 =	vadd.s32 v1, v2;
	_ =	sdelay $0x3  }
0x1fe: {  	s28 =	rddreg [dreg:$0x4];
	s29 =	simm.s32 $0x10200  }
0x1ff: {  	[tilespmem:s29], [sflag:$0x2] =	stream.indirect_vreg.gather [hbm4b:s28+s10], $0x80, v2, vm0, $0xb8;
	[tilespmem:$0x1E200] =	vst v63  }
0x200: {  	s30 =	rddreg [dreg:$0x1a];
	s31 =	simm.s32 $0x10A00  }
0x201: {  	[tilespmem:s31], [sflag:$0x2] =	stream.indirect_vreg.gather [hbm4b:s30+s10], $0x80, v2, vm0, $0xb8;
	[tilespmem:$0x1E200] =	vst v63  }
0x202: {  	s6 =	rddreg [dreg:$0x1b];
	s7 =	simm.s32 $0x11200  }
0x203: {  	[tilespmem:s7], [sflag:$0x2] =	stream.indirect_vreg.gather [hbm4b:s6+s10], $0x80, v2, vm0, $0xb8;
	[tilespmem:$0x1E200] =	vst v63  }
0x204: {  	s12 =	rddreg [dreg:$0x1c];
	s16 =	simm.s32 $0x11A00  }
0x205: {  	[tilespmem:s16], [sflag:$0x2] =	stream.indirect_vreg.gather [hbm4b:s12+s10], $0x80, v2, vm0, $0xb8;
	[tilespmem:$0x1E200] =	vst v63  }
0x206: {  	s18 =	rddreg [dreg:$0x1d];
	s19 =	simm.s32 $0x12200  }
0x207: {  	[tilespmem:s19], [sflag:$0x2] =	stream.indirect_vreg.gather [hbm4b:s18+s10], $0x80, v2, vm0, $0xb8;
	[tilespmem:$0x1E200] =	vst v63  }
0x208: {  	s20 =	rddreg [dreg:$0x1e];
	s26 =	simm.s32 $0x12A00  }
0x209: {  	[tilespmem:s26], [sflag:$0x2] =	stream.indirect_vreg.gather [hbm4b:s20+s10], $0x80, v2, vm0, $0xb8;
	[tilespmem:$0x1E200] =	vst v63  }
.Ltmp8:
0x20a: {  	s28 =	rddreg [dreg:$0x1f];
	(pc) =	sbr.rel .LBB2_2-.Ltmp8, $4  }
0x20b: {  	s29 =	simm.s32 $0x13200;
	s30 =	sld [smem:$0x7F8]  }
0x20c: {  	[tilespmem:s29], [sflag:$0x2] =	stream.indirect_vreg.gather [hbm4b:s28+s10], $0x80, v2, vm0, $0xb8;
	[tilespmem:$0x1E200] =	vst v63  }
0x20d: {  	s17 =	sadd.s32 $0x1, s17;
	s31 =	simm.s32 $0x13A00  }
0x20e: {  	[tilespmem:s31], [sflag:$0x2] =	stream.indirect_vreg.gather [hbm4b:s30+s10], $0x80, v2, vm0, $0xb8;
	[tilespmem:$0x1E200] =	vst v63  }
.LBB2_12:
0x20f: {  	v2 =	vld.msk [tilespmem:$0x1080], $0xff;
	_ =	sdelay $0x4  }
0x210: {  	v3 =	vshll.u32 v2, $0x4  }
0x211: {  	v2 =	vand.u32 $0x7, v2;
	v3 =	vand.u32 $0xFFFFFF80, v3  }
0x212: {  	v2 =	vor.u32 v2, v3  }
0x213: {  	v2 =	vperm.xlane v2, v0;
	_ =	sdelay $0x1  }
0x214: {  	v2 =	vadd.s32 v1, v2;
	_ =	sdelay $0x3  }
0x215: {  	s17 =	simm.s32 $0x0;
	s2 =	rddreg [dreg:$0x6];
	s4 =	simm.s32 $0xC200  }
0x216: {  	[tilespmem:s4], [sflag:$0x2] =	stream.indirect_vreg.gather [hbm4b:s2+s17], $0x80, v2, vm0, $0xb8;
	[tilespmem:$0x1E200] =	vst v63  }
0x217: {  	s19 =	simm.s32 $0xCA00;
	s20 =	sld [smem:$0x7F9]  }
0x218: {  	[tilespmem:s19], [sflag:$0x2] =	stream.indirect_vreg.gather [hbm4b:s13+s17], $0x80, v2, vm0, $0xb8;
	[tilespmem:$0x1E200] =	vst v63  }
0x219: {  	s26 =	simm.s32 $0xD200;
	s28 =	sld [smem:$0x7FA]  }
0x21a: {  	[tilespmem:s26], [sflag:$0x2] =	stream.indirect_vreg.gather [hbm4b:s20+s17], $0x80, v2, vm0, $0xb8;
	[tilespmem:$0x1E200] =	vst v63  }
0x21b: {  	s29 =	simm.s32 $0xDA00;
	s30 =	sld [smem:$0x7FB]  }
0x21c: {  	[tilespmem:s29], [sflag:$0x2] =	stream.indirect_vreg.gather [hbm4b:s28+s17], $0x80, v2, vm0, $0xb8;
	[tilespmem:$0x1E200] =	vst v63  }
0x21d: {  	s31 =	simm.s32 $0xE200  }
0x21e: {  	[tilespmem:s31], [sflag:$0x2] =	stream.indirect_vreg.gather [hbm4b:s30+s17], $0x80, v2, vm0, $0xb8;
	[tilespmem:$0x1E200] =	vst v63  }
0x21f: {  	s6 =	simm.s32 $0xEA00  }
0x220: {  	[tilespmem:s6], [sflag:$0x2] =	stream.indirect_vreg.gather [hbm4b:s21+s17], $0x80, v2, vm0, $0xb8;
	[tilespmem:$0x1E200] =	vst v63  }
0x221: {  	s7 =	simm.s32 $0xF200  }
0x222: {  	[tilespmem:s7], [sflag:$0x2] =	stream.indirect_vreg.gather [hbm4b:s22+s17], $0x80, v2, vm0, $0xb8;
	[tilespmem:$0x1E200] =	vst v63  }
0x223: {  	s12 =	simm.s32 $0xFA00  }
0x224: {  	[tilespmem:s12], [sflag:$0x2] =	stream.indirect_vreg.gather [hbm4b:s23+s17], $0x80, v2, vm0, $0xb8;
	[tilespmem:$0x1E200] =	vst v63  }
0x225: {  	v2 =	vld.msk [tilespmem:$0x3080], $0xff;
	_ =	sdelay $0x4  }
0x226: {  	v3 =	vshll.u32 v2, $0x4  }
0x227: {  	v2 =	vand.u32 $0x7, v2;
	v3 =	vand.u32 $0xFFFFFF80, v3  }
0x228: {  	v2 =	vor.u32 v2, v3  }
0x229: {  	v2 =	vperm.xlane v2, v0;
	_ =	sdelay $0x1  }
0x22a: {  	v2 =	vadd.s32 v1, v2;
	_ =	sdelay $0x3  }
0x22b: {  	s16 =	rddreg [dreg:$0x7];
	s18 =	simm.s32 $0x10200  }
0x22c: {  	[tilespmem:s18], [sflag:$0x2] =	stream.indirect_vreg.gather [hbm4b:s16+s17], $0x80, v2, vm0, $0xb8;
	[tilespmem:$0x1E200] =	vst v63  }
0x22d: {  	s19 =	simm.s32 $0x10A00  }
0x22e: {  	[tilespmem:s19], [sflag:$0x2] =	stream.indirect_vreg.gather [hbm4b:s24+s17], $0x80, v2, vm0, $0xb8;
	[tilespmem:$0x1E200] =	vst v63  }
0x22f: {  	s20 =	simm.s32 $0x11200  }
0x230: {  	[tilespmem:s20], [sflag:$0x2] =	stream.indirect_vreg.gather [hbm4b:s25+s17], $0x80, v2, vm0, $0xb8;
	[tilespmem:$0x1E200] =	vst v63  }
0x231: {  	s26 =	simm.s32 $0x11A00  }
0x232: {  	[tilespmem:s26], [sflag:$0x2] =	stream.indirect_vreg.gather [hbm4b:s0+s17], $0x80, v2, vm0, $0xb8;
	[tilespmem:$0x1E200] =	vst v63  }
0x233: {  	s28 =	simm.s32 $0x12200  }
0x234: {  	[tilespmem:s28], [sflag:$0x2] =	stream.indirect_vreg.gather [hbm4b:s1+s17], $0x80, v2, vm0, $0xb8;
	[tilespmem:$0x1E200] =	vst v63  }
0x235: {  	s29 =	simm.s32 $0x12A00  }
0x236: {  	[tilespmem:s29], [sflag:$0x2] =	stream.indirect_vreg.gather [hbm4b:s8+s17], $0x80, v2, vm0, $0xb8;
	[tilespmem:$0x1E200] =	vst v63  }
0x237: {  	s30 =	simm.s32 $0x13200  }
0x238: {  	[tilespmem:s30], [sflag:$0x2] =	stream.indirect_vreg.gather [hbm4b:s9+s17], $0x80, v2, vm0, $0xb8;
	[tilespmem:$0x1E200] =	vst v63  }
0x239: {  	s31 =	simm.s32 $0x13A00;
	s18 =	simm.s32 $0x0  }
0x23a: {  	[tilespmem:s31], [sflag:$0x2] =	stream.indirect_vreg.gather [hbm4b:s3+s17], $0x80, v2, vm0, $0xb8;
	[tilespmem:$0x1E200] =	vst v63  }
.LBB2_13:
0x23b: {  	s19 =	sshll.u32 s18, $0x4  }
0x23c: {  	s7 =	simm.s32 $0x3;
	s2 =	sand.u32 $0xF0, s19  }
0x23d: {  	v2 =	vld [tilespmem:s2+$0x4100];
	_ =	swait.ge [sflag:s7], $0x4000  }
0x23e: {  	[sflag:s7] =	ssyncset.done $0x0  }
0x23f: {  	[sflag:s7] =	ssyncadd.s32 $0xFFFFC000  }
0x240: {  	_ =	swait.ge [sflag:s5], $0x4000  }
0x241: {  	[sflag:s5] =	ssyncset.done $0x0  }
0x242: {  	s26 =	simm.s32 $0x0;
	s28 =	sand.u32 $0x7FFFFC00, s17;
	[sflag:s5] =	ssyncadd.s32 $0xFFFFC000  }
0x243: {  	s29 =	sand.u32 $0x60, s26;
	s4 =	sshrl.u32 s28, $0x2;
	_ =	swait.ge [sflag:s5], $0x4000  }
0x244: {  	s4 =	sadd.s32 $0x1D200, s4;
	s6 =	sor.u32 $0x10, s29;
	[sflag:s5] =	ssyncset.done $0x0  }
0x245: {  	s12 =	sor.u32 s6, s4;
	[sflag:s5] =	ssyncadd.s32 $0xFFFFC000  }
0x246: {  	v16 =	vld [tilespmem:s12+$0x0]  }
0x247: {  	s4 =	sor.u32 s29, s4;
	v3 =	vld [tilespmem:s12+$0x80]  }
0x248: {  	(v2sf) =	vpush v2, $0x0;
	v11 =	vld [tilespmem:s4+$0x0]  }
0x249: {  	s20 =	sor.u32 s6, s28;
	(v2sf) =	vpush v2, $0x1;
	v8 =	vld [tilespmem:s4+$0x80]  }
0x24a: {  	(v2sf) =	vpush v2, $0x2;
	v9 =	vld [tilespmem:s20+$0x4580]  }
0x24b: {  	v10 =	vld [tilespmem:s20+$0x8580];
	(v2sf) =	vpush v2, $0x3  }
0x24c: {  	v17 =	vld [tilespmem:s20+$0x4200];
	(v2sf) =	vpush v2, $0x4  }
0x24d: {  	v19 =	vld [tilespmem:s20+$0x8200];
	(v2sf) =	vpush v2, $0x5  }
0x24e: {  	v20 =	vld [tilespmem:s20+$0x4280];
	(v2sf) =	vpush v2, $0x6  }
0x24f: {  	v21 =	vld [tilespmem:s20+$0x8280];
	(v2sf) =	vpush v2, $0x7  }
0x250: {  	v22 =	vld [tilespmem:s20+$0x4300]  }
0x251: {  	v23 =	vld [tilespmem:s20+$0x8300]  }
0x252: {  	v25 =	vld [tilespmem:s20+$0x4380]  }
0x253: {  	v27 =	vld [tilespmem:s20+$0x8380]  }
0x254: {  	v30 =	vld [tilespmem:s20+$0x4400]  }
0x255: {  	v32 =	vld [tilespmem:s20+$0x8400]  }
0x256: {  	s28 =	sor.u32 s29, s28;
	v36 =	vld [tilespmem:s20+$0x4480]  }
0x257: {  	v37 =	vld [tilespmem:s28+$0x4200];
	s2 =	spop (v2sf)  }
0x258: {  	v41 =	vld [tilespmem:s20+$0x8480];
	s7 =	spop (v2sf)  }
0x259: {  	v59 =	vld [tilespmem:s28+$0x8200];
	s16 =	spop (v2sf)  }
0x25a: {  	v56 =	vld [tilespmem:s20+$0x4500];
	v18 =	vsub.f32 v3, v16;
	v13 =	vsub.f32 v8, v11;
	s30 =	spop (v2sf)  }
0x25b: {  	v58 =	vld [tilespmem:s20+$0x8500];
	v10 =	vadd.f32 v10, v9;
	v19 =	vadd.f32 v19, v17;
	s12 =	spop (v2sf)  }
0x25c: {  	v21 =	vadd.f32 v21, v20;
	v23 =	vadd.f32 v23, v22;
	s2 =	scvt.s32.f32 s2;
	s31 =	spop (v2sf)  }
0x25d: {  	v25 =	vadd.f32 v27, v25;
	v30 =	vadd.f32 v32, v30;
	s7 =	scvt.s32.f32 s7;
	s4 =	spop (v2sf)  }
0x25e: {  	v20 =	vadd.f32 v59, v37;
	v36 =	vadd.f32 v41, v36;
	v4 =	vmov s2;
	s6 =	spop (v2sf)  }
0x25f: {  	v5 =	vmov s7;
	v14 =	vmul.f32 v18, v4;
	v15 =	vmul.f32 v13, v4;
	s12 =	scvt.s32.f32 s12;
	s6 =	scvt.s32.f32 s6  }
0x260: {  	v17 =	vadd.f32 v58, v56;
	v24 =	vmul.f32 v18, v5;
	v28 =	vmul.f32 v13, v5  }
0x261: {  	v31 =	vadd.f32 v14, v16;
	v8 =	vmov s12;
	v3 =	vmov s6;
	s6 =	scvt.s32.f32 s16  }
0x262: {  	v34 =	vadd.f32 v15, v11;
	v33 =	vmul.f32 v13, v8;
	v42 =	vmul.f32 v18, v8;
	s16 =	scvt.s32.f32 s30;
	s30 =	scvt.s32.f32 s31  }
0x263: {  	v24 =	vadd.f32 v24, v16;
	v12 =	vmul.f32 v18, v3;
	v39 =	vmul.f32 v13, v3  }
0x264: {  	v6 =	vmov s6;
	v7 =	vmov s16;
	v9 =	vmov s30  }
0x265: {  	v44 =	vld [tilespmem:s28+$0x4300];
	s31 =	scvt.s32.f32 s4;
	v12 =	vadd.f32 v12, v16;
	v26 =	vmul.f32 v18, v6;
	v29 =	vmul.f32 v13, v6  }
0x266: {  	v27 =	vld [tilespmem:s28+$0x8300];
	v42 =	vadd.f32 v42, v16;
	v14 =	vmul.f32 v13, v7;
	v35 =	vmul.f32 v13, v9  }
0x267: {  	v40 =	vmul.f32 v18, v7;
	v12 =	vadd.f32 v10, v12;
	v10 =	vmov s31  }
0x268: {  	v57 =	vmul.f32 v18, v9;
	v26 =	vadd.f32 v26, v16;
	v18 =	vmul.f32 v18, v10  }
0x269: {  	v43 =	vld [tilespmem:s28+$0x4280];
	v40 =	vadd.f32 v40, v16;
	v38 =	vmul.f32 v13, v10;
	v13 =	vadd.f32 v35, v11  }
0x26a: {  	v35 =	vadd.f32 v57, v16;
	v16 =	vadd.f32 v18, v16;
	v18 =	vld [tilespmem:s28+$0x8280]  }
0x26b: {  	v63 =	vadd.f32 v27, v44;
	v28 =	vadd.f32 v28, v11  }
0x26c: {  	v19 =	vadd.f32 v31, v19;
	v31 =	vadd.f32 v34, v20  }
0x26d: {  	v60 =	vld [tilespmem:s28+$0x4380];
	v21 =	vadd.f32 v21, v24;
	v29 =	vadd.f32 v29, v11  }
0x26e: {  	v61 =	vld [tilespmem:s28+$0x8380];
	v15 =	vadd.f32 v14, v11;
	v14 =	vadd.f32 v33, v11  }
0x26f: {  	v22 =	vld [tilespmem:s28+$0x8400];
	v12 =	vmul.f32 $4.525483320e+01, v12;
	v26 =	vadd.f32 v23, v26;
	v24 =	vadd.f32 v18, v43  }
0x270: {  	v20 =	vld [tilespmem:s28+$0x4400];
	v31 =	vmul.f32 $4.525483320e+01, v31;
	v25 =	vadd.f32 v25, v40;
	v23 =	vadd.f32 v36, v35  }
0x271: {  	v62 =	vmul.f32 $4.525483320e+01, v19;
	v19 =	vld [tilespmem:s28+$0x8480];
	[tilespmem:s20+$0x14580] =	vst v12;
	v12 =	vadd.f32 v38, v11;
	v28 =	vadd.f32 v24, v28  }
0x272: {  	v27 =	vmul.f32 $4.525483320e+01, v21;
	[tilespmem:s28+$0x14200] =	vst v31;
	v11 =	vadd.f32 v39, v11;
	v18 =	vld [tilespmem:s28+$0x4480];
	v24 =	vadd.f32 v30, v42  }
0x273: {  	s29 =	simm.s32 $0x100;
	v21 =	vld [tilespmem:s28+$0x4500];
	[tilespmem:s20+$0x14200] =	vst v62;
	v30 =	vmul.f32 $4.525483320e+01, v28;
	v28 =	vadd.f32 v63, v29;
	v29 =	vadd.f32 v61, v60  }
.LBB2_14:
0x274: {  	s26 =	sadd.s32 $0x20, s26;
	s2 =	sand.u32 $0x7FFFFC00, s29;
	v31 =	vld [tilespmem:s28+$0x8500];
	[tilespmem:s20+$0x14280] =	vst v27;
	v26 =	vmul.f32 $4.525483320e+01, v26;
	v25 =	vmul.f32 $4.525483320e+01, v25;
	v16 =	vadd.f32 v17, v16  }
0x275: {  	s4 =	sand.u32 $0x60, s26;
	s6 =	sshrl.u32 s2, $0x2;
	p0 =	slt.u32 s26, $0x7E0;
	[tilespmem:s28+$0x14280] =	vst v30;
	v17 =	vmul.f32 $4.525483320e+01, v28;
	v15 =	vadd.f32 v29, v15;
	v20 =	vadd.f32 v22, v20;
	v22 =	vld [tilespmem:s28+$0x4580]  }
0x276: {  	v24 =	vmul.f32 $4.525483320e+01, v24;
	v23 =	vmul.f32 $4.525483320e+01, v23;
	s6 =	sadd.s32 $0x1D200, s6;
	s7 =	sor.u32 s4, s2;
	s12 =	sor.u32 $0x10, s4;
	v27 =	vld [tilespmem:s28+$0x8580];
	[tilespmem:s20+$0x14300] =	vst v26  }
0x277: {  	s4 =	sor.u32 s4, s6;
	v26 =	vld [tilespmem:s7+$0x4200];
	s6 =	sor.u32 s12, s6;
	[tilespmem:s28+$0x14300] =	vst v17;
	v15 =	vmul.f32 $4.525483320e+01, v15;
	v14 =	vadd.f32 v20, v14;
	v17 =	vadd.f32 v19, v18  }
0x278: {  	v16 =	vmul.f32 $4.525483320e+01, v16;
	v18 =	vld [tilespmem:s6+$0x0];
	[tilespmem:s20+$0x14380] =	vst v25  }
0x279: {  	v19 =	vld [tilespmem:s6+$0x80];
	[tilespmem:s28+$0x14380] =	vst v15;
	v14 =	vmul.f32 $4.525483320e+01, v14;
	v13 =	vadd.f32 v17, v13;
	v15 =	vadd.f32 v31, v21  }
0x27a: {  	v17 =	vld [tilespmem:s4+$0x0];
	[tilespmem:s20+$0x14400] =	vst v24  }
0x27b: {  	s2 =	sor.u32 s12, s2;
	v20 =	vld [tilespmem:s4+$0x80];
	[tilespmem:s28+$0x14400] =	vst v14;
	v13 =	vmul.f32 $4.525483320e+01, v13;
	v12 =	vadd.f32 v15, v12;
	v14 =	vadd.f32 v27, v22  }
0x27c: {  	v15 =	vld [tilespmem:s2+$0x4580];
	[tilespmem:s20+$0x14480] =	vst v23  }
0x27d: {  	v21 =	vld [tilespmem:s2+$0x8580];
	[tilespmem:s28+$0x14480] =	vst v13;
	v12 =	vmul.f32 $4.525483320e+01, v12;
	v11 =	vadd.f32 v14, v11  }
0x27e: {  	v13 =	vsub.f32 v19, v18;
	v19 =	vld [tilespmem:s2+$0x4200];
	[tilespmem:s20+$0x14500] =	vst v16;
	s20 =	smov.u32 s2  }
0x27f: {  	v22 =	vld [tilespmem:s20+$0x8200];
	[tilespmem:s28+$0x14500] =	vst v12;
	v11 =	vmul.f32 $4.525483320e+01, v11  }
0x280: {  	v12 =	vsub.f32 v20, v17;
	v14 =	vmul.f32 v13, v4;
	v20 =	vld [tilespmem:s20+$0x4280];
	v16 =	vmul.f32 v13, v3  }
0x281: {  	v23 =	vmul.f32 v13, v5;
	v25 =	vmul.f32 v13, v6;
	v24 =	vld [tilespmem:s20+$0x8280];
	[tilespmem:s28+$0x14580] =	vst v11;
	s28 =	smov.u32 s7  }
0x282: {  	v11 =	vmul.f32 v12, v4;
	v27 =	vld [tilespmem:s20+$0x4300];
	v16 =	vadd.f32 v16, v18;
	v15 =	vadd.f32 v21, v15  }
0x283: {  	v21 =	vmul.f32 v12, v5;
	v28 =	vmul.f32 v12, v6;
	v29 =	vadd.f32 v14, v18;
	v30 =	vld [tilespmem:s20+$0x8300]  }
0x284: {  	v14 =	vmul.f32 v12, v7;
	v31 =	vmul.f32 v12, v8;
	v32 =	vld [tilespmem:s20+$0x4380];
	v15 =	vadd.f32 v15, v16  }
0x285: {  	v33 =	vadd.f32 v11, v17;
	v11 =	vmul.f32 v12, v9;
	v16 =	vmul.f32 v12, v10;
	v34 =	vld [tilespmem:s20+$0x8380]  }
0x286: {  	v35 =	vmul.f32 v12, v3;
	v21 =	vadd.f32 v21, v17;
	v36 =	vld [tilespmem:s20+$0x4400];
	v12 =	vmul.f32 $4.525483320e+01, v15  }
0x287: {  	v37 =	vmul.f32 v13, v7;
	v38 =	vmul.f32 v13, v8;
	v28 =	vadd.f32 v28, v17;
	v39 =	vld [tilespmem:s20+$0x8400]  }
0x288: {  	v40 =	vmul.f32 v13, v9;
	v42 =	vmul.f32 v13, v10;
	v15 =	vadd.f32 v14, v17;
	v41 =	vld [tilespmem:s20+$0x4480];
	[tilespmem:s20+$0x14580] =	vst v12  }
0x289: {  	v14 =	vadd.f32 v31, v17;
	v13 =	vadd.f32 v11, v17;
	v31 =	vld [tilespmem:s20+$0x8480]  }
0x28a: {  	v11 =	vadd.f32 v35, v17;
	v12 =	vadd.f32 v16, v17;
	v17 =	vld [tilespmem:s20+$0x4500]  }
0x28b: {  	v23 =	vadd.f32 v23, v18;
	v25 =	vadd.f32 v25, v18;
	v35 =	vld [tilespmem:s20+$0x8500]  }
0x28c: {  	v37 =	vadd.f32 v37, v18;
	v38 =	vadd.f32 v38, v18;
	v43 =	vld [tilespmem:s28+$0x8200]  }
0x28d: {  	v40 =	vadd.f32 v40, v18;
	v16 =	vadd.f32 v42, v18;
	v44 =	vld [tilespmem:s28+$0x4280]  }
0x28e: {  	v19 =	vadd.f32 v22, v19;
	v20 =	vadd.f32 v24, v20;
	v18 =	vld [tilespmem:s28+$0x8280]  }
0x28f: {  	v27 =	vadd.f32 v30, v27;
	v30 =	vadd.f32 v34, v32;
	v24 =	vld [tilespmem:s28+$0x4300]  }
0x290: {  	v34 =	vadd.f32 v39, v36;
	v31 =	vadd.f32 v31, v41;
	v32 =	vld [tilespmem:s28+$0x8300]  }
0x291: {  	v17 =	vadd.f32 v35, v17;
	v22 =	vadd.f32 v43, v26;
	v36 =	vld [tilespmem:s28+$0x4380]  }
0x292: {  	v19 =	vadd.f32 v29, v19;
	v23 =	vadd.f32 v20, v23;
	v35 =	vld [tilespmem:s28+$0x8380]  }
.Ltmp9:
0x293: {  	v29 =	vadd.f32 v33, v22;
	v18 =	vadd.f32 v18, v44;
	v20 =	vld [tilespmem:s28+$0x4400];
	(pc) =	sbr.rel @p0 .LBB2_14-.Ltmp9, $4  }
0x294: {  	v26 =	vadd.f32 v27, v25;
	v25 =	vadd.f32 v30, v37;
	v33 =	vmul.f32 $4.525483320e+01, v19;
	v22 =	vld [tilespmem:s28+$0x8400]  }
0x295: {  	v29 =	vmul.f32 $4.525483320e+01, v29;
	v21 =	vadd.f32 v18, v21;
	v32 =	vadd.f32 v32, v24;
	v18 =	vld [tilespmem:s28+$0x4480]  }
0x296: {  	v27 =	vmul.f32 $4.525483320e+01, v23;
	v23 =	vadd.f32 v31, v40;
	v24 =	vadd.f32 v34, v38;
	v19 =	vld [tilespmem:s28+$0x8480];
	[tilespmem:s20+$0x14200] =	vst v33  }
0x297: {  	s29 =	sadd.s32 $0x100, s29;
	[tilespmem:s28+$0x14200] =	vst v29;
	v30 =	vmul.f32 $4.525483320e+01, v21;
	v28 =	vadd.f32 v32, v28;
	v29 =	vadd.f32 v35, v36;
	v21 =	vld [tilespmem:s28+$0x4500]  }
0x298: {  	v3 =	vld [tilespmem:s28+$0x8500]  }
0x299: {  	v4 =	vmul.f32 $4.525483320e+01, v26;
	v5 =	vld [tilespmem:s28+$0x4580];
	[tilespmem:s20+$0x14280] =	vst v27  }
0x29a: {  	v9 =	vld [tilespmem:s28+$0x8580];
	[tilespmem:s28+$0x14280] =	vst v30;
	v6 =	vmul.f32 $4.525483320e+01, v28;
	v7 =	vadd.f32 v29, v15;
	v8 =	vadd.f32 v22, v20  }
0x29b: {  	v10 =	vmul.f32 $4.525483320e+01, v25;
	[tilespmem:s20+$0x14300] =	vst v4  }
0x29c: {  	[tilespmem:s28+$0x14300] =	vst v6;
	v4 =	vmul.f32 $4.525483320e+01, v7;
	v6 =	vadd.f32 v8, v14;
	v7 =	vadd.f32 v19, v18  }
0x29d: {  	[tilespmem:s20+$0x14380] =	vst v10;
	v10 =	vmul.f32 $4.525483320e+01, v23  }
0x29e: {  	[tilespmem:s28+$0x14380] =	vst v4;
	v4 =	vmul.f32 $4.525483320e+01, v6;
	v6 =	vadd.f32 v7, v13;
	v3 =	vadd.f32 v3, v21  }
0x29f: {  	v8 =	vmul.f32 $4.525483320e+01, v24;
	[tilespmem:s20+$0x14480] =	vst v10;
	v7 =	vadd.f32 v17, v16;
	v5 =	vadd.f32 v9, v5  }
0x2a0: {  	[tilespmem:s28+$0x14400] =	vst v4;
	v4 =	vmul.f32 $4.525483320e+01, v6;
	v3 =	vadd.f32 v3, v12  }
0x2a1: {  	[tilespmem:s20+$0x14400] =	vst v8;
	v6 =	vmul.f32 $4.525483320e+01, v7;
	v5 =	vadd.f32 v5, v11  }
0x2a2: {  	[tilespmem:s28+$0x14480] =	vst v4;
	v3 =	vmul.f32 $4.525483320e+01, v3  }
0x2a3: {  	s2 =	sadd.s32 s11, s19;
	[tilespmem:s20+$0x14500] =	vst v6;
	v4 =	vmul.f32 $4.525483320e+01, v5  }
0x2a4: {  	s4 =	rddreg [dreg:$0xa];
	s2 =	sshll.u32 s2, $0x8;
	[tilespmem:s28+$0x14500] =	vst v3  }
0x2a5: {  	s7 =	simm.s32 $0x14200;
	p0 =	seq.s32 s18, $0xF;
	s2 =	sadd.s32 s4, s2;
	[tilespmem:s28+$0x14580] =	vst v4  }
0x2a6: {  	[hbm4b:s2+s10] =	stream.linear.scatter [tilespmem:s7], [sflag:$0x3], $0x4000, $0x38;
	[tilespmem:$0x1E200] =	vst v63  }
0x2a7: {  	s2 =	sshll.u32 @!p0 s18, $0x8  }
0x2a8: {  	v3 =	vld.msk @!p0 [tilespmem:s2+$0x1100], $0xff;
	_ =	sdelay $0x4  }
0x2a9: {  	v4 =	vshll.u32 @!p0 v3, $0x4  }
0x2aa: {  	v5 =	vlaneseq.u32 @!p0;
	v3 =	vand.u32 @!p0 $0x7, v3;
	v4 =	vand.u32 @!p0 $0xFFFFFF80, v4  }
0x2ab: {  	v3 =	vor.u32 @!p0 v3, v4;
	v4 =	vand.u32 @!p0 $0x7, v5;
	v5 =	vshrl.u32 @!p0 v5, $0x3  }
0x2ac: {  	v3 =	vperm.xlane @!p0 v3, v4;
	v5 =	vmul.u32 @!p0 $0x8, v5;
	_ =	sdelay $0x1  }
0x2ad: {  	v3 =	vadd.s32 @!p0 v5, v3;
	_ =	sdelay $0x3  }
0x2ae: {  	vm1 =	vmmov @!p0 $0xffff;
	s6 =	simm.s32 @!p0 $0x4200;
	s4 =	simm.s32 @!p0 $0x0;
	s7 =	rddreg [dreg:$0x6]  }
0x2af: {  	[tilespmem:s6], [sflag:$0x1] =	stream.indirect_vreg.gather @!p0 [hbm4b:s7+s4], $0x80, v3, vm1, $0xb8;
	[tilespmem:$0x1E200] =	vst v63  }
0x2b0: {  	s6 =	simm.s32 @!p0 $0x4A00;
	s7 =	sld [smem:$0x7F9]  }
0x2b1: {  	[tilespmem:s6], [sflag:$0x1] =	stream.indirect_vreg.gather @!p0 [hbm4b:s13+s4], $0x80, v3, vm1, $0xb8;
	[tilespmem:$0x1E200] =	vst v63  }
0x2b2: {  	s6 =	simm.s32 @!p0 $0x5200  }
0x2b3: {  	[tilespmem:s6], [sflag:$0x1] =	stream.indirect_vreg.gather @!p0 [hbm4b:s7+s4], $0x80, v3, vm1, $0xb8;
	[tilespmem:$0x1E200] =	vst v63  }
0x2b4: {  	s7 =	sld [smem:$0x7FA];
	_ =	sdelay $0x1  }
0x2b5: {  	s6 =	simm.s32 @!p0 $0x5A00  }
0x2b6: {  	[tilespmem:s6], [sflag:$0x1] =	stream.indirect_vreg.gather @!p0 [hbm4b:s7+s4], $0x80, v3, vm1, $0xb8;
	[tilespmem:$0x1E200] =	vst v63  }
0x2b7: {  	s7 =	sld [smem:$0x7FB];
	_ =	sdelay $0x1  }
0x2b8: {  	s6 =	simm.s32 @!p0 $0x6200  }
0x2b9: {  	[tilespmem:s6], [sflag:$0x1] =	stream.indirect_vreg.gather @!p0 [hbm4b:s7+s4], $0x80, v3, vm1, $0xb8;
	[tilespmem:$0x1E200] =	vst v63  }
0x2ba: {  	s6 =	simm.s32 @!p0 $0x6A00  }
0x2bb: {  	[tilespmem:s6], [sflag:$0x1] =	stream.indirect_vreg.gather @!p0 [hbm4b:s21+s4], $0x80, v3, vm1, $0xb8;
	[tilespmem:$0x1E200] =	vst v63  }
0x2bc: {  	s6 =	simm.s32 @!p0 $0x7200  }
0x2bd: {  	[tilespmem:s6], [sflag:$0x1] =	stream.indirect_vreg.gather @!p0 [hbm4b:s22+s4], $0x80, v3, vm1, $0xb8;
	[tilespmem:$0x1E200] =	vst v63  }
0x2be: {  	s6 =	simm.s32 @!p0 $0x7A00  }
0x2bf: {  	[tilespmem:s6], [sflag:$0x1] =	stream.indirect_vreg.gather @!p0 [hbm4b:s23+s4], $0x80, v3, vm1, $0xb8;
	[tilespmem:$0x1E200] =	vst v63  }
0x2c0: {  	v3 =	vld.msk @!p0 [tilespmem:s2+$0x3100], $0xff;
	_ =	sdelay $0x4  }
0x2c1: {  	v6 =	vshll.u32 @!p0 v3, $0x4  }
0x2c2: {  	v3 =	vand.u32 @!p0 $0x7, v3;
	v6 =	vand.u32 @!p0 $0xFFFFFF80, v6  }
0x2c3: {  	v3 =	vor.u32 @!p0 v3, v6  }
0x2c4: {  	v3 =	vperm.xlane @!p0 v3, v4;
	_ =	sdelay $0x1  }
0x2c5: {  	v3 =	vadd.s32 @!p0 v5, v3;
	_ =	sdelay $0x3  }
0x2c6: {  	s6 =	rddreg [dreg:$0x7];
	s2 =	simm.s32 @!p0 $0x8200  }
0x2c7: {  	[tilespmem:s2], [sflag:$0x1] =	stream.indirect_vreg.gather @!p0 [hbm4b:s6+s4], $0x80, v3, vm1, $0xb8;
	[tilespmem:$0x1E200] =	vst v63  }
0x2c8: {  	s2 =	simm.s32 @!p0 $0x8A00  }
0x2c9: {  	[tilespmem:s2], [sflag:$0x1] =	stream.indirect_vreg.gather @!p0 [hbm4b:s24+s4], $0x80, v3, vm1, $0xb8;
	[tilespmem:$0x1E200] =	vst v63  }
0x2ca: {  	s2 =	simm.s32 @!p0 $0x9200  }
0x2cb: {  	[tilespmem:s2], [sflag:$0x1] =	stream.indirect_vreg.gather @!p0 [hbm4b:s25+s4], $0x80, v3, vm1, $0xb8;
	[tilespmem:$0x1E200] =	vst v63  }
0x2cc: {  	s2 =	simm.s32 @!p0 $0x9A00  }
0x2cd: {  	[tilespmem:s2], [sflag:$0x1] =	stream.indirect_vreg.gather @!p0 [hbm4b:s0+s4], $0x80, v3, vm1, $0xb8;
	[tilespmem:$0x1E200] =	vst v63  }
0x2ce: {  	s2 =	simm.s32 @!p0 $0xA200  }
0x2cf: {  	[tilespmem:s2], [sflag:$0x1] =	stream.indirect_vreg.gather @!p0 [hbm4b:s1+s4], $0x80, v3, vm1, $0xb8;
	[tilespmem:$0x1E200] =	vst v63  }
0x2d0: {  	s2 =	simm.s32 @!p0 $0xAA00  }
0x2d1: {  	[tilespmem:s2], [sflag:$0x1] =	stream.indirect_vreg.gather @!p0 [hbm4b:s8+s4], $0x80, v3, vm1, $0xb8;
	[tilespmem:$0x1E200] =	vst v63  }
0x2d2: {  	s2 =	simm.s32 @!p0 $0xB200  }
0x2d3: {  	[tilespmem:s2], [sflag:$0x1] =	stream.indirect_vreg.gather @!p0 [hbm4b:s9+s4], $0x80, v3, vm1, $0xb8;
	[tilespmem:$0x1E200] =	vst v63  }
0x2d4: {  	s2 =	simm.s32 @!p0 $0xBA00  }
0x2d5: {  	[tilespmem:s2], [sflag:$0x1] =	stream.indirect_vreg.gather @!p0 [hbm4b:s3+s4], $0x80, v3, vm1, $0xb8;
	[tilespmem:$0x1E200] =	vst v63  }
0x2d6: {  	_ =	swait.ge [sflag:s14], $0x4000  }
0x2d7: {  	[sflag:s14] =	ssyncset.done $0x0  }
0x2d8: {  	[sflag:s14] =	ssyncadd.s32 $0xFFFFC000  }
0x2d9: {  	_ =	swait.ge [sflag:s15], $0x4000  }
0x2da: {  	s12 =	simm.s32 $0x0;
	[sflag:s15] =	ssyncset.done $0x0  }
0x2db: {  	s26 =	simm.s32 $0x0;
	s28 =	sand.u32 $0x7FFFFC00, s12;
	[sflag:s15] =	ssyncadd.s32 $0xFFFFC000  }
0x2dc: {  	s29 =	sand.u32 $0x60, s26;
	s16 =	sshrl.u32 s28, $0x2;
	_ =	swait.ge [sflag:s15], $0x4000  }
0x2dd: {  	s20 =	sor.u32 $0x10, s29;
	s4 =	sadd.s32 $0x1D200, s16;
	[sflag:s15] =	ssyncset.done $0x0  }
0x2de: {  	s12 =	sor.u32 s20, s4;
	[sflag:s15] =	ssyncadd.s32 $0xFFFFC000  }
0x2df: {  	s4 =	sor.u32 s29, s4;
	v15 =	vld [tilespmem:s12+$0x0]  }
0x2e0: {  	v10 =	vld [tilespmem:s4+$0x0]  }
0x2e1: {  	s20 =	sor.u32 s20, s28;
	v7 =	vld [tilespmem:s4+$0x80]  }
0x2e2: {  	v8 =	vld [tilespmem:s20+$0xC580]  }
0x2e3: {  	v9 =	vld [tilespmem:s20+$0x10580]  }
0x2e4: {  	v16 =	vld [tilespmem:s20+$0xC200]  }
0x2e5: {  	(v2sf) =	vpush v2, $0x8;
	v18 =	vld [tilespmem:s20+$0x10200]  }
0x2e6: {  	(v2sf) =	vpush v2, $0x9;
	v19 =	vld [tilespmem:s20+$0xC280]  }
0x2e7: {  	(v2sf) =	vpush v2, $0xA;
	v20 =	vld [tilespmem:s20+$0x10280]  }
0x2e8: {  	v21 =	vld [tilespmem:s20+$0xC300];
	(v2sf) =	vpush v2, $0xB  }
0x2e9: {  	v22 =	vld [tilespmem:s20+$0x10300];
	(v2sf) =	vpush v2, $0xC  }
0x2ea: {  	v24 =	vld [tilespmem:s20+$0xC380];
	(v2sf) =	vpush v2, $0xD  }
0x2eb: {  	v26 =	vld [tilespmem:s20+$0x10380];
	(v2sf) =	vpush v2, $0xE  }
0x2ec: {  	v29 =	vld [tilespmem:s20+$0xC400];
	(v2sf) =	vpush v2, $0xF  }
0x2ed: {  	v31 =	vld [tilespmem:s20+$0x10400]  }
0x2ee: {  	s28 =	sor.u32 s29, s28;
	v35 =	vld [tilespmem:s20+$0xC480]  }
0x2ef: {  	v36 =	vld [tilespmem:s28+$0xC200]  }
0x2f0: {  	v40 =	vld [tilespmem:s20+$0x10480]  }
0x2f1: {  	v57 =	vld [tilespmem:s20+$0xC500]  }
0x2f2: {  	v59 =	vld [tilespmem:s20+$0x10500]  }
0x2f3: {  	v60 =	vld [tilespmem:s28+$0x10200]  }
0x2f4: {  	v43 =	vld [tilespmem:s28+$0xC300];
	s2 =	spop (v2sf)  }
0x2f5: {  	v2 =	vld [tilespmem:s12+$0x80];
	v12 =	vsub.f32 v7, v10;
	s7 =	spop (v2sf)  }
0x2f6: {  	v9 =	vadd.f32 v9, v8;
	v24 =	vadd.f32 v26, v24;
	v26 =	vld [tilespmem:s28+$0x10300];
	s16 =	spop (v2sf)  }
0x2f7: {  	v18 =	vadd.f32 v18, v16;
	v20 =	vadd.f32 v20, v19;
	s30 =	spop (v2sf)  }
0x2f8: {  	v22 =	vadd.f32 v22, v21;
	v29 =	vadd.f32 v31, v29;
	s2 =	scvt.s32.f32 s2;
	s12 =	spop (v2sf)  }
0x2f9: {  	v19 =	vadd.f32 v60, v36;
	v35 =	vadd.f32 v40, v35;
	s7 =	scvt.s32.f32 s7;
	s31 =	spop (v2sf)  }
0x2fa: {  	v16 =	vadd.f32 v59, v57;
	v17 =	vsub.f32 v2, v15;
	s16 =	scvt.s32.f32 s16;
	s4 =	spop (v2sf)  }
0x2fb: {  	v63 =	vadd.f32 v26, v43;
	v3 =	vmov s2;
	s30 =	scvt.s32.f32 s30;
	v4 =	vmov s7;
	s6 =	spop (v2sf)  }
0x2fc: {  	v13 =	vmul.f32 v17, v3;
	v14 =	vmul.f32 v12, v3;
	v5 =	vmov s16;
	s6 =	scvt.s32.f32 s6  }
0x2fd: {  	s12 =	scvt.s32.f32 s12;
	v23 =	vmul.f32 v17, v4;
	v27 =	vmul.f32 v12, v4;
	v6 =	vmov s30  }
0x2fe: {  	v25 =	vmul.f32 v17, v5;
	v28 =	vmul.f32 v12, v5;
	v2 =	vmov s6  }
0x2ff: {  	s30 =	scvt.s32.f32 s31;
	v30 =	vadd.f32 v13, v15;
	v7 =	vmov s12;
	v11 =	vmul.f32 v17, v2  }
0x300: {  	v13 =	vmul.f32 v12, v6;
	v39 =	vmul.f32 v17, v6;
	v23 =	vadd.f32 v23, v15  }
0x301: {  	s31 =	scvt.s32.f32 s4;
	v8 =	vmov s30;
	v32 =	vmul.f32 v12, v7;
	v11 =	vadd.f32 v11, v15  }
0x302: {  	v41 =	vmul.f32 v17, v7;
	v25 =	vadd.f32 v25, v15;
	v34 =	vmul.f32 v12, v8  }
0x303: {  	v58 =	vmul.f32 v17, v8;
	v11 =	vadd.f32 v9, v11;
	v9 =	vmov s31  }
0x304: {  	v39 =	vadd.f32 v39, v15;
	v41 =	vadd.f32 v41, v15;
	v17 =	vmul.f32 v17, v9  }
0x305: {  	v42 =	vld [tilespmem:s28+$0xC280];
	v38 =	vmul.f32 v12, v2;
	v37 =	vmul.f32 v12, v9;
	v12 =	vadd.f32 v34, v10  }
0x306: {  	v34 =	vadd.f32 v58, v15;
	v15 =	vadd.f32 v17, v15;
	v17 =	vld [tilespmem:s28+$0x10280]  }
0x307: {  	v33 =	vadd.f32 v14, v10;
	v27 =	vadd.f32 v27, v10  }
0x308: {  	v28 =	vadd.f32 v28, v10;
	v18 =	vadd.f32 v30, v18  }
0x309: {  	v61 =	vld [tilespmem:s28+$0x10380];
	v30 =	vadd.f32 v33, v19;
	v14 =	vadd.f32 v13, v10  }
0x30a: {  	v31 =	vld [tilespmem:s28+$0xC380];
	v20 =	vadd.f32 v20, v23;
	v13 =	vadd.f32 v32, v10  }
0x30b: {  	v21 =	vld [tilespmem:s28+$0x10400];
	v25 =	vadd.f32 v22, v25;
	v11 =	vmul.f32 $4.525483320e+01, v11;
	v23 =	vadd.f32 v17, v42  }
0x30c: {  	v19 =	vld [tilespmem:s28+$0xC400];
	v30 =	vmul.f32 $4.525483320e+01, v30;
	v24 =	vadd.f32 v24, v39;
	v22 =	vadd.f32 v35, v34  }
0x30d: {  	v62 =	vmul.f32 $4.525483320e+01, v18;
	v18 =	vld [tilespmem:s28+$0x10480];
	[tilespmem:s20+$0x18580] =	vst v11;
	v11 =	vadd.f32 v37, v10;
	v27 =	vadd.f32 v23, v27  }
0x30e: {  	v26 =	vmul.f32 $4.525483320e+01, v20;
	[tilespmem:s28+$0x18200] =	vst v30;
	v10 =	vadd.f32 v38, v10;
	v17 =	vld [tilespmem:s28+$0xC480];
	v23 =	vadd.f32 v29, v41  }
0x30f: {  	s29 =	simm.s32 $0x100;
	v20 =	vld [tilespmem:s28+$0xC500];
	[tilespmem:s20+$0x18200] =	vst v62;
	v29 =	vmul.f32 $4.525483320e+01, v27;
	v27 =	vadd.f32 v63, v28;
	v28 =	vadd.f32 v61, v31  }
.LBB2_16:
0x310: {  	s26 =	sadd.s32 $0x20, s26;
	s2 =	sand.u32 $0x7FFFFC00, s29;
	v30 =	vld [tilespmem:s28+$0x10500];
	[tilespmem:s20+$0x18280] =	vst v26;
	v25 =	vmul.f32 $4.525483320e+01, v25;
	v24 =	vmul.f32 $4.525483320e+01, v24;
	v15 =	vadd.f32 v16, v15  }
0x311: {  	s4 =	sand.u32 $0x60, s26;
	s6 =	sshrl.u32 s2, $0x2;
	p1 =	slt.u32 s26, $0x7E0;
	[tilespmem:s28+$0x18280] =	vst v29;
	v16 =	vmul.f32 $4.525483320e+01, v27;
	v14 =	vadd.f32 v28, v14;
	v19 =	vadd.f32 v21, v19;
	v21 =	vld [tilespmem:s28+$0xC580]  }
0x312: {  	v23 =	vmul.f32 $4.525483320e+01, v23;
	v22 =	vmul.f32 $4.525483320e+01, v22;
	s6 =	sadd.s32 $0x1D200, s6;
	s7 =	sor.u32 s4, s2;
	s12 =	sor.u32 $0x10, s4;
	v26 =	vld [tilespmem:s28+$0x10580];
	[tilespmem:s20+$0x18300] =	vst v25  }
0x313: {  	s4 =	sor.u32 s4, s6;
	v25 =	vld [tilespmem:s7+$0xC200];
	s6 =	sor.u32 s12, s6;
	[tilespmem:s28+$0x18300] =	vst v16;
	v14 =	vmul.f32 $4.525483320e+01, v14;
	v13 =	vadd.f32 v19, v13;
	v16 =	vadd.f32 v18, v17  }
0x314: {  	v15 =	vmul.f32 $4.525483320e+01, v15;
	v17 =	vld [tilespmem:s6+$0x0];
	[tilespmem:s20+$0x18380] =	vst v24  }
0x315: {  	v18 =	vld [tilespmem:s6+$0x80];
	[tilespmem:s28+$0x18380] =	vst v14;
	v13 =	vmul.f32 $4.525483320e+01, v13;
	v12 =	vadd.f32 v16, v12;
	v14 =	vadd.f32 v30, v20  }
0x316: {  	v16 =	vld [tilespmem:s4+$0x0];
	[tilespmem:s20+$0x18400] =	vst v23  }
0x317: {  	s2 =	sor.u32 s12, s2;
	v19 =	vld [tilespmem:s4+$0x80];
	[tilespmem:s28+$0x18400] =	vst v13;
	v12 =	vmul.f32 $4.525483320e+01, v12;
	v11 =	vadd.f32 v14, v11;
	v13 =	vadd.f32 v26, v21  }
0x318: {  	v14 =	vld [tilespmem:s2+$0xC580];
	[tilespmem:s20+$0x18480] =	vst v22  }
0x319: {  	v20 =	vld [tilespmem:s2+$0x10580];
	[tilespmem:s28+$0x18480] =	vst v12;
	v11 =	vmul.f32 $4.525483320e+01, v11;
	v10 =	vadd.f32 v13, v10  }
0x31a: {  	v12 =	vsub.f32 v18, v17;
	v18 =	vld [tilespmem:s2+$0xC200];
	[tilespmem:s20+$0x18500] =	vst v15;
	s20 =	smov.u32 s2  }
0x31b: {  	v21 =	vld [tilespmem:s20+$0x10200];
	[tilespmem:s28+$0x18500] =	vst v11;
	v10 =	vmul.f32 $4.525483320e+01, v10  }
0x31c: {  	v11 =	vsub.f32 v19, v16;
	v13 =	vmul.f32 v12, v3;
	v19 =	vld [tilespmem:s20+$0xC280];
	v15 =	vmul.f32 v12, v2  }
0x31d: {  	v22 =	vmul.f32 v12, v4;
	v24 =	vmul.f32 v12, v5;
	v23 =	vld [tilespmem:s20+$0x10280];
	[tilespmem:s28+$0x18580] =	vst v10;
	s28 =	smov.u32 s7  }
0x31e: {  	v10 =	vmul.f32 v11, v3;
	v26 =	vld [tilespmem:s20+$0xC300];
	v15 =	vadd.f32 v15, v17;
	v14 =	vadd.f32 v20, v14  }
0x31f: {  	v20 =	vmul.f32 v11, v4;
	v27 =	vmul.f32 v11, v5;
	v28 =	vadd.f32 v13, v17;
	v29 =	vld [tilespmem:s20+$0x10300]  }
0x320: {  	v13 =	vmul.f32 v11, v6;
	v30 =	vmul.f32 v11, v7;
	v31 =	vld [tilespmem:s20+$0xC380];
	v14 =	vadd.f32 v14, v15  }
0x321: {  	v32 =	vadd.f32 v10, v16;
	v10 =	vmul.f32 v11, v8;
	v15 =	vmul.f32 v11, v9;
	v33 =	vld [tilespmem:s20+$0x10380]  }
0x322: {  	v34 =	vmul.f32 v11, v2;
	v20 =	vadd.f32 v20, v16;
	v35 =	vld [tilespmem:s20+$0xC400];
	v11 =	vmul.f32 $4.525483320e+01, v14  }
0x323: {  	v36 =	vmul.f32 v12, v6;
	v37 =	vmul.f32 v12, v7;
	v27 =	vadd.f32 v27, v16;
	v38 =	vld [tilespmem:s20+$0x10400]  }
0x324: {  	v39 =	vmul.f32 v12, v8;
	v41 =	vmul.f32 v12, v9;
	v14 =	vadd.f32 v13, v16;
	v40 =	vld [tilespmem:s20+$0xC480];
	[tilespmem:s20+$0x18580] =	vst v11  }
0x325: {  	v13 =	vadd.f32 v30, v16;
	v12 =	vadd.f32 v10, v16;
	v30 =	vld [tilespmem:s20+$0x10480]  }
0x326: {  	v10 =	vadd.f32 v34, v16;
	v11 =	vadd.f32 v15, v16;
	v16 =	vld [tilespmem:s20+$0xC500]  }
0x327: {  	v22 =	vadd.f32 v22, v17;
	v24 =	vadd.f32 v24, v17;
	v34 =	vld [tilespmem:s20+$0x10500]  }
0x328: {  	v36 =	vadd.f32 v36, v17;
	v37 =	vadd.f32 v37, v17;
	v42 =	vld [tilespmem:s28+$0x10200]  }
0x329: {  	v39 =	vadd.f32 v39, v17;
	v15 =	vadd.f32 v41, v17;
	v43 =	vld [tilespmem:s28+$0xC280]  }
0x32a: {  	v18 =	vadd.f32 v21, v18;
	v19 =	vadd.f32 v23, v19;
	v17 =	vld [tilespmem:s28+$0x10280]  }
0x32b: {  	v26 =	vadd.f32 v29, v26;
	v29 =	vadd.f32 v33, v31;
	v23 =	vld [tilespmem:s28+$0xC300]  }
0x32c: {  	v33 =	vadd.f32 v38, v35;
	v30 =	vadd.f32 v30, v40;
	v31 =	vld [tilespmem:s28+$0x10300]  }
0x32d: {  	v16 =	vadd.f32 v34, v16;
	v21 =	vadd.f32 v42, v25;
	v35 =	vld [tilespmem:s28+$0xC380]  }
0x32e: {  	v18 =	vadd.f32 v28, v18;
	v22 =	vadd.f32 v19, v22;
	v34 =	vld [tilespmem:s28+$0x10380]  }
.Ltmp10:
0x32f: {  	v28 =	vadd.f32 v32, v21;
	v17 =	vadd.f32 v17, v43;
	v19 =	vld [tilespmem:s28+$0xC400];
	(pc) =	sbr.rel @p1 .LBB2_16-.Ltmp10, $4  }
0x330: {  	v25 =	vadd.f32 v26, v24;
	v24 =	vadd.f32 v29, v36;
	v32 =	vmul.f32 $4.525483320e+01, v18;
	v21 =	vld [tilespmem:s28+$0x10400]  }
0x331: {  	v28 =	vmul.f32 $4.525483320e+01, v28;
	v20 =	vadd.f32 v17, v20;
	v31 =	vadd.f32 v31, v23;
	v17 =	vld [tilespmem:s28+$0xC480]  }
0x332: {  	v26 =	vmul.f32 $4.525483320e+01, v22;
	v22 =	vadd.f32 v30, v39;
	v23 =	vadd.f32 v33, v37;
	v18 =	vld [tilespmem:s28+$0x10480];
	[tilespmem:s20+$0x18200] =	vst v32  }
0x333: {  	s29 =	sadd.s32 $0x100, s29;
	[tilespmem:s28+$0x18200] =	vst v28;
	v29 =	vmul.f32 $4.525483320e+01, v20;
	v27 =	vadd.f32 v31, v27;
	v28 =	vadd.f32 v34, v35;
	v20 =	vld [tilespmem:s28+$0xC500]  }
0x334: {  	v2 =	vld [tilespmem:s28+$0x10500]  }
0x335: {  	v3 =	vmul.f32 $4.525483320e+01, v25;
	v4 =	vld [tilespmem:s28+$0xC580];
	[tilespmem:s20+$0x18280] =	vst v26  }
0x336: {  	v8 =	vld [tilespmem:s28+$0x10580];
	v9 =	vmul.f32 $4.525483320e+01, v24;
	[tilespmem:s28+$0x18280] =	vst v29  }
0x337: {  	v59 =	vmul.f32 $4.525483320e+01, v23;
	v6 =	vadd.f32 v28, v14;
	v7 =	vadd.f32 v21, v19;
	[tilespmem:s20+$0x18300] =	vst v3  }
0x338: {  	v62 =	vmul.f32 $4.525483320e+01, v22;
	[tilespmem:s20+$0x18380] =	vst v9  }
0x339: {  	[tilespmem:s20+$0x18400] =	vst v59;
	v3 =	vmul.f32 $4.525483320e+01, v6;
	v57 =	vadd.f32 v7, v13;
	v58 =	vadd.f32 v18, v17  }
0x33a: {  	v61 =	vadd.f32 v16, v15;
	v5 =	vmul.f32 $4.525483320e+01, v27;
	[tilespmem:s20+$0x18480] =	vst v62;
	v2 =	vadd.f32 v2, v20  }
0x33b: {  	[tilespmem:s28+$0x18380] =	vst v3;
	v3 =	vmul.f32 $4.525483320e+01, v57;
	v60 =	vadd.f32 v58, v12;
	v4 =	vadd.f32 v8, v4  }
0x33c: {  	v63 =	vmul.f32 $4.525483320e+01, v61;
	[tilespmem:s28+$0x18300] =	vst v5;
	v2 =	vadd.f32 v2, v11  }
0x33d: {  	[tilespmem:s28+$0x18400] =	vst v3;
	v3 =	vmul.f32 $4.525483320e+01, v60;
	v4 =	vadd.f32 v4, v10  }
.Ltmp11:
0x33e: {  	s2 =	sadd.s32 s19, s11;
	[tilespmem:s20+$0x18500] =	vst v63;
	v2 =	vmul.f32 $4.525483320e+01, v2;
	(pc) =	sbr.rel @p0 .LBB2_19-.Ltmp11, $4  }
0x33f: {  	s4 =	rddreg [dreg:$0xa];
	s2 =	sshll.u32 s2, $0x8;
	[tilespmem:s28+$0x18480] =	vst v3;
	v3 =	vmul.f32 $4.525483320e+01, v4  }
0x340: {  	s2 =	sadd.s32 s4, s2;
	[tilespmem:s28+$0x18500] =	vst v2  }
0x341: {  	s31 =	simm.s32 $0x18200;
	s2 =	sadd.s32 $0x800, s2;
	[tilespmem:s28+$0x18580] =	vst v3  }
0x342: {  	[hbm4b:s2+s10] =	stream.linear.scatter [tilespmem:s31], [sflag:$0x4], $0x4000, $0x38;
	[tilespmem:$0x1E200] =	vst v63  }
0x343: {  	s2 =	sshll.u32 s18, $0x8  }
0x344: {  	v2 =	vld.msk [tilespmem:s2+$0x1180], $0xff;
	_ =	sdelay $0x4  }
0x345: {  	v3 =	vshll.u32 v2, $0x4  }
0x346: {  	v2 =	vand.u32 $0x7, v2;
	v3 =	vand.u32 $0xFFFFFF80, v3  }
0x347: {  	v2 =	vor.u32 v2, v3  }
0x348: {  	v2 =	vperm.xlane v2, v0;
	_ =	sdelay $0x1  }
0x349: {  	v2 =	vadd.s32 v1, v2;
	_ =	sdelay $0x3  }
0x34a: {  	s4 =	rddreg [dreg:$0x6];
	s6 =	simm.s32 $0xC200  }
0x34b: {  	[tilespmem:s6], [sflag:$0x2] =	stream.indirect_vreg.gather [hbm4b:s4+s10], $0x80, v2, vm0, $0xb8;
	[tilespmem:$0x1E200] =	vst v63  }
0x34c: {  	s16 =	simm.s32 $0xCA00;
	s19 =	sld [smem:$0x7F9]  }
0x34d: {  	[tilespmem:s16], [sflag:$0x2] =	stream.indirect_vreg.gather [hbm4b:s13+s10], $0x80, v2, vm0, $0xb8;
	[tilespmem:$0x1E200] =	vst v63  }
0x34e: {  	s20 =	simm.s32 $0xD200;
	s26 =	sld [smem:$0x7FA]  }
0x34f: {  	[tilespmem:s20], [sflag:$0x2] =	stream.indirect_vreg.gather [hbm4b:s19+s10], $0x80, v2, vm0, $0xb8;
	[tilespmem:$0x1E200] =	vst v63  }
0x350: {  	s28 =	simm.s32 $0xDA00;
	s29 =	sld [smem:$0x7FB]  }
0x351: {  	[tilespmem:s28], [sflag:$0x2] =	stream.indirect_vreg.gather [hbm4b:s26+s10], $0x80, v2, vm0, $0xb8;
	[tilespmem:$0x1E200] =	vst v63  }
0x352: {  	s30 =	simm.s32 $0xE200  }
0x353: {  	[tilespmem:s30], [sflag:$0x2] =	stream.indirect_vreg.gather [hbm4b:s29+s10], $0x80, v2, vm0, $0xb8;
	[tilespmem:$0x1E200] =	vst v63  }
0x354: {  	s31 =	simm.s32 $0xEA00  }
0x355: {  	[tilespmem:s31], [sflag:$0x2] =	stream.indirect_vreg.gather [hbm4b:s21+s10], $0x80, v2, vm0, $0xb8;
	[tilespmem:$0x1E200] =	vst v63  }
0x356: {  	s6 =	simm.s32 $0xF200  }
0x357: {  	[tilespmem:s6], [sflag:$0x2] =	stream.indirect_vreg.gather [hbm4b:s22+s10], $0x80, v2, vm0, $0xb8;
	[tilespmem:$0x1E200] =	vst v63  }
0x358: {  	s7 =	simm.s32 $0xFA00  }
0x359: {  	[tilespmem:s7], [sflag:$0x2] =	stream.indirect_vreg.gather [hbm4b:s23+s10], $0x80, v2, vm0, $0xb8;
	[tilespmem:$0x1E200] =	vst v63  }
0x35a: {  	v2 =	vld.msk [tilespmem:s2+$0x3180], $0xff;
	_ =	sdelay $0x4  }
0x35b: {  	v3 =	vshll.u32 v2, $0x4  }
0x35c: {  	v2 =	vand.u32 $0x7, v2;
	v3 =	vand.u32 $0xFFFFFF80, v3  }
0x35d: {  	v2 =	vor.u32 v2, v3  }
0x35e: {  	v2 =	vperm.xlane v2, v0;
	_ =	sdelay $0x1  }
0x35f: {  	v2 =	vadd.s32 v1, v2;
	_ =	sdelay $0x3  }
0x360: {  	s12 =	rddreg [dreg:$0x7];
	s16 =	simm.s32 $0x10200  }
0x361: {  	[tilespmem:s16], [sflag:$0x2] =	stream.indirect_vreg.gather [hbm4b:s12+s10], $0x80, v2, vm0, $0xb8;
	[tilespmem:$0x1E200] =	vst v63  }
0x362: {  	s19 =	simm.s32 $0x10A00  }
0x363: {  	[tilespmem:s19], [sflag:$0x2] =	stream.indirect_vreg.gather [hbm4b:s24+s10], $0x80, v2, vm0, $0xb8;
	[tilespmem:$0x1E200] =	vst v63  }
0x364: {  	s20 =	simm.s32 $0x11200  }
0x365: {  	[tilespmem:s20], [sflag:$0x2] =	stream.indirect_vreg.gather [hbm4b:s25+s10], $0x80, v2, vm0, $0xb8;
	[tilespmem:$0x1E200] =	vst v63  }
0x366: {  	s26 =	simm.s32 $0x11A00  }
0x367: {  	[tilespmem:s26], [sflag:$0x2] =	stream.indirect_vreg.gather [hbm4b:s0+s10], $0x80, v2, vm0, $0xb8;
	[tilespmem:$0x1E200] =	vst v63  }
0x368: {  	s28 =	simm.s32 $0x12200  }
0x369: {  	[tilespmem:s28], [sflag:$0x2] =	stream.indirect_vreg.gather [hbm4b:s1+s10], $0x80, v2, vm0, $0xb8;
	[tilespmem:$0x1E200] =	vst v63  }
0x36a: {  	s29 =	simm.s32 $0x12A00  }
0x36b: {  	[tilespmem:s29], [sflag:$0x2] =	stream.indirect_vreg.gather [hbm4b:s8+s10], $0x80, v2, vm0, $0xb8;
	[tilespmem:$0x1E200] =	vst v63  }
.Ltmp12:
0x36c: {  	_ = 	snop;
	(pc) =	sbr.rel .LBB2_13-.Ltmp12, $4  }
0x36d: {  	s30 =	simm.s32 $0x13200  }
0x36e: {  	[tilespmem:s30], [sflag:$0x2] =	stream.indirect_vreg.gather [hbm4b:s9+s10], $0x80, v2, vm0, $0xb8;
	[tilespmem:$0x1E200] =	vst v63  }
0x36f: {  	s18 =	sadd.s32 $0x1, s18;
	s31 =	simm.s32 $0x13A00  }
0x370: {  	[tilespmem:s31], [sflag:$0x2] =	stream.indirect_vreg.gather [hbm4b:s3+s10], $0x80, v2, vm0, $0xb8;
	[tilespmem:$0x1E200] =	vst v63  }
.LBB2_20:
0x371: {  	_ =	sfence.sel $0x180000  }
0x372: {  	[bflag:$0x0] =	sbarrier.arrive $0xFFFF  }
0x373: {  	_ =	strace $0x90000047  }
0x374: {  	s0 =	stileid.u32;
	[bflag:$0x2] =	sbarrier.arrive $0xFFFF  }
0x375: {  	p0 =	sne.s32 s0, $0x0;
	s0 =	rddreg [dreg:$0xb]  }
0x376: {  	s0 =	sadd.s32 @!p0 $0x100000, s0  }
0x377: {  	[sflag:s0] =	ssyncadd.tile.s32 @!p0 $0x1;
	_ =	shalt  }
.Lfunc_end2:
_tile_overlayer_lowered:
.L_overlay_start_2:
0x378: {  	(tag) =	ssettag $0x2  }
0x379: {  	s0 =	rddreg [dreg:$0x0];
	s2 =	stileid.u32  }
0x37a: {  	s1 =	rddreg [dreg:$0x1];
	p0 =	sne.s32 s2, $0x0  }
0x37b: {  	s3 =	rddreg [dreg:$0x2];
	[bflag:$0x3] =	sbarrier.arrive $0xFFFF;
	s2 =	simm.s32 @!p0 $0x1C05  }
0x37c: {  	[timem:s3], [sflag:s2] =	dma.local @!p0 [hbm:s0], s1  }
0x37d: {  	s0 =	simm.s32 @!p0 $0x5  }
0x37e: {  	_ =	swait.ge @!p0 [sflag:s0], s1  }
0x37f: {  	s1 =	ssub.s32 @!p0 $0x0, s1;
	[sflag:s0] =	ssyncset.done @!p0 $0x0  }
0x380: {  	[sflag:s0] =	ssyncadd.s32 @!p0 s1  }
0x381: {  	[bflag:$0x3] =	sbarrier.arrive $0xFFFF  }
0x382: {  	_ =	shalt  }

</sc_bundles>
